<compile_context>
chip_gen: v7x
topology: tpu7x:2x2x1
jax: 0.10.2.dev20260603
libtpu: 0.0.44.dev20260713+nightly
codegen_flags: <defaults>
</compile_context>

<pallas_src>
import functools

import jax
import jax.numpy as jnp
from jax import lax
from jax.experimental import pallas as pl
from jax.experimental.pallas import tpu as pltpu
from jax.experimental.pallas import tpu_sc as plsc

_NC = 2
_NS = 16
_NW = _NC * _NS
_L = 16

_GC = 128
_H = 256
_TB = 8192
_NB = 16
_NQ = 8
_P = _TB * _NB


def _pack(x):
  y = x.astype(jnp.bfloat16).astype(jnp.float32)
  b = lax.bitcast_convert_type(y, jnp.int32)
  lo = jnp.bitwise_and(jnp.right_shift(b[0:16, :], 16), 65535)
  hi = jnp.bitwise_and(b[16:32, :], -65536)
  return jnp.bitwise_or(lo, hi)


def _tr_body(*refs):
  o_ref = refs[-1]
  o_ref[...] = jnp.concatenate(
      [_pack(r[...]) for r in refs[:-1]], axis=0).T


@jax.jit
def _run(data, Rt, St):
  B = data.shape[0] // 2
  D = Rt.shape[0]
  n = Rt.shape[1]
  W = 128
  bpw = B // _NW

  tr = pl.pallas_call(
      _tr_body,
      grid=(_NB,),
      in_specs=[
          pl.BlockSpec(
              (D, _TB),
              lambda i, q=q, nb=n // _TB: (0, jnp.minimum(i + q * _NB, nb)))
          for q in range(_NQ)
      ],
      out_specs=pl.BlockSpec((_TB, W), lambda i: (i, 0)),
      out_shape=jax.ShapeDtypeStruct((_P, W), jnp.int32),
  )
  Rr = tr(*([Rt] * _NQ))
  Sr = tr(*([St] * _NQ))

  mesh = plsc.VectorSubcoreMesh(
      core_axis_name="c", subcore_axis_name="s",
      num_cores=_NC, num_subcores=_NS)

  @functools.partial(
      pl.kernel,
      out_type=jax.ShapeDtypeStruct((B,), jnp.float32),
      mesh=mesh,
      compiler_params=pltpu.CompilerParams(
          needs_layout_passes=False, use_tc_tiling_on_sc=True),
      scratch_types=[
          pltpu.VMEM((bpw * 2,), jnp.int32),
          pltpu.VMEM((bpw,), jnp.int32),
          pltpu.VMEM((bpw,), jnp.int32),
          pltpu.VMEM((bpw,), jnp.int32),
          pltpu.VMEM((bpw,), jnp.int32),
          pltpu.VMEM((_H, W), jnp.int32),
          pltpu.VMEM((_H, W), jnp.int32),
          pltpu.VMEM((bpw,), jnp.float32),
          pltpu.SemaphoreType.DMA,
      ],
  )
  def sc_kernel(data_hbm, r_hbm, s_hbm, out_hbm,
                dv, tq, uq, tg, ug, rv, sv, ov, sem):
    wid = lax.axis_index("s") * _NC + lax.axis_index("c")
    base = wid * bpw
    lane = lax.iota(jnp.int32, _L)

    pltpu.sync_copy(data_hbm.at[pl.ds(base * 2, bpw * 2)], dv)

    def deinterleave(b, carry):
      flat = (lane + b * _L) * 2
      off = pl.multiple_of(b * _L, _L)
      t = plsc.load_gather(dv, [flat])
      u = plsc.load_gather(dv, [flat + 1])
      tg[pl.ds(off, _L)] = jnp.bitwise_and(t, _P - 1)
      ug[pl.ds(off, _L)] = jnp.bitwise_and(u, _P - 1)
      tq[pl.ds(off, _L)] = jnp.bitwise_and(jnp.right_shift(t, 13), -16)
      uq[pl.ds(off, _L)] = jnp.bitwise_and(jnp.right_shift(u, 13), -16)
      return carry

    lax.fori_loop(0, bpw // _L, deinterleave, 0)

    for h in range(bpw // _H):
      copies = []
      for c in range(_H // _GC):
        off = h * _H + c * _GC
        copies.append(pltpu.async_copy(
            r_hbm.at[tg.at[pl.ds(off, _GC)]],
            rv.at[pl.ds(c * _GC, _GC), :], sem))
        copies.append(pltpu.async_copy(
            s_hbm.at[ug.at[pl.ds(off, _GC)]],
            sv.at[pl.ds(c * _GC, _GC), :], sem))
      for cp in copies:
        cp.wait()

      def block(b, carry):
        goff = pl.multiple_of(b * _L, _L)
        off = pl.multiple_of(h * _H + b * _L, _L)
        row = lane + goff
        tb = tq[pl.ds(off, _L)]
        ub = uq[pl.ds(off, _L)]
        acc = jnp.zeros((_L,), jnp.float32)
        himask = jnp.full((_L,), jnp.int32(-65536))
        for k in range(16):
          wr = plsc.load_gather(rv, [row, tb + k])
          ws = plsc.load_gather(sv, [row, ub + k])
          rlo = plsc.bitcast(jnp.left_shift(wr, 16), jnp.float32)
          slo = plsc.bitcast(jnp.left_shift(ws, 16), jnp.float32)
          rhi = plsc.bitcast(jnp.bitwise_and(wr, himask), jnp.float32)
          shi = plsc.bitcast(jnp.bitwise_and(ws, himask), jnp.float32)
          acc = acc + rlo * slo + rhi * shi
        ov[pl.ds(off, _L)] = acc
        return carry

      lax.fori_loop(0, _H // _L, block, 0)

    pltpu.sync_copy(ov, out_hbm.at[pl.ds(base, bpw)])

  return sc_kernel(data, Rr, Sr)


def kernel(data, R, S):
  return _run(data.reshape(-1), R.T, S.T)

# --- scband reference (transcript-rebuilt; emitter-appended) ---
"""Pipeline reference for scband-q-65077344469374 (READ-ONLY COPY).

The authoritative reference and input builder live on the scoring server;
editing this copy changes nothing except your own understanding.
"""

import jax, jax.numpy as jnp
import numpy as np

NUM_USERS = 1000000
NUM_ITEMS = 1000000
NUM_FACTORS = 32
BATCH = 16384

def setup_inputs(seed: int = 0) -> dict:
    key = jax.random.key(seed)
    k1, k2, k3 = jax.random.split(key, 3)
    data = jax.random.randint(k1, (BATCH, 2), 0, NUM_USERS, dtype=jnp.int64 if jax.config.jax_enable_x64 else jnp.int32).astype(jnp.int32)
    R = jax.random.uniform(k2, (NUM_USERS, NUM_FACTORS), dtype=jnp.float32, minval=0.0, maxval=0.05)
    S = jax.random.uniform(k3, (NUM_ITEMS, NUM_FACTORS), dtype=jnp.float32, minval=0.0, maxval=0.05)
    return {"data": data, "R": R, "S": S}

def reference(data, R, S):
    t = data[:, 0]
    u = data[:, 1]
    user_emb = jnp.take(R, t, axis=0)
    item_emb = jnp.take(S, u, axis=0)
    return (user_emb * item_emb).sum(axis=1)

if __name__ == "__main__":
    import jax
    _d = setup_inputs()
    print(jax.jit(kernel)(*tuple(_d.values())))

</pallas_src>

<mosaic_0001>
#map = affine_map<(d0, d1) -> (0)>
#map1 = affine_map<(d0, d1) -> (0, 0)>
module attributes {stable_mosaic.version = 14 : i64} {
  func.func @sc_kernel(%arg0: i32, %arg1: i32, %arg2: memref<32768xi32, #tpu.memory_space<hbm>>, %arg3: memref<131072x128xi32, #tpu.memory_space<hbm>>, %arg4: memref<131072x128xi32, #tpu.memory_space<hbm>>, %arg5: memref<16384xf32, #tpu.memory_space<hbm>>, %arg6: memref<1024xi32, #tpu.memory_space<vmem>>, %arg7: memref<512xi32, #tpu.memory_space<vmem>>, %arg8: memref<512xi32, #tpu.memory_space<vmem>>, %arg9: memref<512xi32, #tpu.memory_space<vmem>>, %arg10: memref<512xi32, #tpu.memory_space<vmem>>, %arg11: memref<256x128xi32, #tpu.memory_space<vmem>>, %arg12: memref<256x128xi32, #tpu.memory_space<vmem>>, %arg13: memref<512xf32, #tpu.memory_space<vmem>>, %arg14: memref<!tpu.dma_semaphore, #tpu.memory_space<semaphore_mem>>) attributes {dimension_semantics = [#tpu.dimension_semantics<core_parallel>, #tpu.dimension_semantics<subcore_parallel>], iteration_bounds = array<i64: 2, 16>, scalar_prefetch = 0 : i64, scratch_operands = 9 : i64, tpu.core_type = #tpu.core_type<sc_vector_subcore>, window_params = [{transform_indices = #map}, {transform_indices = #map1}, {transform_indices = #map1}, {transform_indices = #map}]} {
    %mul3A = arith.constant 2 : i32
    %mul3A_0 = arith.muli %arg1, %mul3A : i32
    %add3A = arith.addi %mul3A_0, %arg0 : i32
    %mul3A_1 = arith.constant 512 : i32
    %mul3A_2 = arith.muli %add3A, %mul3A_1 : i32
    %iota3A = tpu.iota {dimensions = array<i32: 0>} : vector<16xi32>
    %mul3A_3 = arith.constant 2 : i32
    %mul3A_4 = arith.muli %mul3A_2, %mul3A_3 : i32
    "tpu.region"() ({
      %run_scoped3A = tpu.sem_alloc : memref<!tpu.dma_semaphore, #tpu.memory_space<semaphore_mem>>
      %dma_start3A_148 = tpu.memref_slice %arg2[%mul3A_4] : memref<32768xi32, #tpu.memory_space<hbm>> -> memref<1024xi32, #tpu.memory_space<hbm>>
      %dma_start3A_149 = tpu.memref_slice %arg2[%mul3A_4] : memref<32768xi32, #tpu.memory_space<hbm>> -> memref<1024xi32, #tpu.memory_space<hbm>>
      tpu.enqueue_dma source(%dma_start3A_149 : memref<1024xi32, #tpu.memory_space<hbm>>) target(%arg6 : memref<1024xi32, #tpu.memory_space<vmem>>) target_semaphore(%run_scoped3A : memref<!tpu.dma_semaphore, #tpu.memory_space<semaphore_mem>>)
      %dma_wait3A_150 = tpu.memref_slice %arg2[%mul3A_4] : memref<32768xi32, #tpu.memory_space<hbm>> -> memref<1024xi32, #tpu.memory_space<hbm>>
      %dma_wait3A_151 = tpu.memref_slice %arg2[%mul3A_4] : memref<32768xi32, #tpu.memory_space<hbm>> -> memref<1024xi32, #tpu.memory_space<hbm>>
      tpu.wait_dma2 semaphore(%run_scoped3A : memref<!tpu.dma_semaphore, #tpu.memory_space<semaphore_mem>>) src(%dma_wait3A_151 : memref<1024xi32, #tpu.memory_space<hbm>>) dst(%arg6 : memref<1024xi32, #tpu.memory_space<vmem>>)
      tpu.yield
    }) : () -> ()
    %scan3A = arith.constant 0 : i32
    %scan3A_5 = arith.constant 0 : i32
    %scan3A_6 = arith.constant 32 : i32
    %scan3A_7 = arith.addi %scan3A_5, %scan3A_6 : i32
    %scan3A_8 = arith.constant 1 : i32
    scf.for %scan3A_148 = %scan3A_5 to %scan3A_7 step %scan3A_8  : i32 {
      %mul3A_149 = arith.constant 16 : i32
      %mul3A_150 = arith.muli %scan3A_148, %mul3A_149 : i32
      %add3A_151 = vector.broadcast %mul3A_150 : i32 to vector<16xi32>
      %add3A_152 = arith.addi %iota3A, %add3A_151 : vector<16xi32>
      %mul3A_153 = arith.constant 2 : i32
      %mul3A_154 = vector.broadcast %mul3A_153 : i32 to vector<16xi32>
      %mul3A_155 = arith.muli %add3A_152, %mul3A_154 : vector<16xi32>
      %mul3A_156 = arith.constant 16 : i32
      %mul3A_157 = arith.muli %scan3A_148, %mul3A_156 : i32
      %multiple_of3A = tpu.assume_multiple %mul3A_157, 16 : i32
      %gather3A = tpu.vector_load_idx %arg6[%mul3A_155] : memref<1024xi32, #tpu.memory_space<vmem>>[vector<16xi32>], vector<16xi32>,
      %add3A_158 = arith.constant 1 : i32
      %add3A_159 = vector.broadcast %add3A_158 : i32 to vector<16xi32>
      %add3A_160 = arith.addi %mul3A_155, %add3A_159 : vector<16xi32>
      %gather3A_161 = tpu.vector_load_idx %arg6[%add3A_160] : memref<1024xi32, #tpu.memory_space<vmem>>[vector<16xi32>], vector<16xi32>,
      %and3A = arith.constant 131071 : i32
      %and3A_162 = vector.broadcast %and3A : i32 to vector<16xi32>
      %and3A_163 = arith.andi %gather3A, %and3A_162 : vector<16xi32>
      %swap3A = arith.index_cast %multiple_of3A : i32 to index
      %swap3A_164 = tpu.vector_load %arg9[%swap3A] {strides = array<i32>} : memref<512xi32, #tpu.memory_space<vmem>>, vector<16xi32>,
      tpu.vector_store %arg9[%swap3A], %and3A_163 {strides = array<i32>} : memref<512xi32, #tpu.memory_space<vmem>>, vector<16xi32>,
      %and3A_165 = arith.constant 131071 : i32
      %and3A_166 = vector.broadcast %and3A_165 : i32 to vector<16xi32>
      %and3A_167 = arith.andi %gather3A_161, %and3A_166 : vector<16xi32>
      %swap3A_168 = arith.index_cast %multiple_of3A : i32 to index
      %swap3A_169 = tpu.vector_load %arg10[%swap3A_168] {strides = array<i32>} : memref<512xi32, #tpu.memory_space<vmem>>, vector<16xi32>,
      tpu.vector_store %arg10[%swap3A_168], %and3A_167 {strides = array<i32>} : memref<512xi32, #tpu.memory_space<vmem>>, vector<16xi32>,
      %shift_right_arithmetic3A = arith.constant 13 : i32
      %shift_right_arithmetic3A_170 = vector.broadcast %shift_right_arithmetic3A : i32 to vector<16xi32>
      %shift_right_arithmetic3A_171 = arith.shrsi %gather3A, %shift_right_arithmetic3A_170 : vector<16xi32>
      %and3A_172 = arith.constant -16 : i32
      %and3A_173 = vector.broadcast %and3A_172 : i32 to vector<16xi32>
      %and3A_174 = arith.andi %shift_right_arithmetic3A_171, %and3A_173 : vector<16xi32>
      %swap3A_175 = arith.index_cast %multiple_of3A : i32 to index
      %swap3A_176 = tpu.vector_load %arg7[%swap3A_175] {strides = array<i32>} : memref<512xi32, #tpu.memory_space<vmem>>, vector<16xi32>,
      tpu.vector_store %arg7[%swap3A_175], %and3A_174 {strides = array<i32>} : memref<512xi32, #tpu.memory_space<vmem>>, vector<16xi32>,
      %shift_right_arithmetic3A_177 = arith.constant 13 : i32
      %shift_right_arithmetic3A_178 = vector.broadcast %shift_right_arithmetic3A_177 : i32 to vector<16xi32>
      %shift_right_arithmetic3A_179 = arith.shrsi %gather3A_161, %shift_right_arithmetic3A_178 : vector<16xi32>
      %and3A_180 = arith.constant -16 : i32
      %and3A_181 = vector.broadcast %and3A_180 : i32 to vector<16xi32>
      %and3A_182 = arith.andi %shift_right_arithmetic3A_179, %and3A_181 : vector<16xi32>
      %swap3A_183 = arith.index_cast %multiple_of3A : i32 to index
      %swap3A_184 = tpu.vector_load %arg8[%swap3A_183] {strides = array<i32>} : memref<512xi32, #tpu.memory_space<vmem>>, vector<16xi32>,
      tpu.vector_store %arg8[%swap3A_183], %and3A_182 {strides = array<i32>} : memref<512xi32, #tpu.memory_space<vmem>>, vector<16xi32>,
    }
    %scan3A_9 = arith.constant 32 : i32
    %dma_start3A = arith.constant 0 : i32
    %dma_start3A_10 = arith.constant 0 : i32
    %dma_start3A_11 = tpu.memref_slice %arg11[%dma_start3A, %dma_start3A_10] : memref<256x128xi32, #tpu.memory_space<vmem>> -> memref<128x128xi32, #tpu.memory_space<vmem>>
    %dma_start3A_12 = arith.constant 0 : i32
    %dma_start3A_13 = tpu.memref_slice %arg9[%dma_start3A_12] : memref<512xi32, #tpu.memory_space<vmem>> -> memref<128xi32, #tpu.memory_space<vmem>>
    %dma_start3A_14 = arith.constant 0 : i32
    %dma_start3A_15 = arith.constant 0 : i32
    %dma_start3A_16 = tpu.memref_slice %arg3[%dma_start3A_14, %dma_start3A_15] : memref<131072x128xi32, #tpu.memory_space<hbm>> -> memref<131072x128xi32, #tpu.memory_space<hbm>>
    tpu.enqueue_indirect_dma source(%dma_start3A_16 : memref<131072x128xi32, #tpu.memory_space<hbm>>) target(%dma_start3A_11 : memref<128x128xi32, #tpu.memory_space<vmem>>) offsets(%dma_start3A_13 : memref<128xi32, #tpu.memory_space<vmem>>) semaphore(%arg14 : memref<!tpu.dma_semaphore, #tpu.memory_space<semaphore_mem>>)
    %dma_start3A_17 = arith.constant 0 : i32
    %dma_start3A_18 = arith.constant 0 : i32
    %dma_start3A_19 = tpu.memref_slice %arg12[%dma_start3A_17, %dma_start3A_18] : memref<256x128xi32, #tpu.memory_space<vmem>> -> memref<128x128xi32, #tpu.memory_space<vmem>>
    %dma_start3A_20 = arith.constant 0 : i32
    %dma_start3A_21 = tpu.memref_slice %arg10[%dma_start3A_20] : memref<512xi32, #tpu.memory_space<vmem>> -> memref<128xi32, #tpu.memory_space<vmem>>
    %dma_start3A_22 = arith.constant 0 : i32
    %dma_start3A_23 = arith.constant 0 : i32
    %dma_start3A_24 = tpu.memref_slice %arg4[%dma_start3A_22, %dma_start3A_23] : memref<131072x128xi32, #tpu.memory_space<hbm>> -> memref<131072x128xi32, #tpu.memory_space<hbm>>
    tpu.enqueue_indirect_dma source(%dma_start3A_24 : memref<131072x128xi32, #tpu.memory_space<hbm>>) target(%dma_start3A_19 : memref<128x128xi32, #tpu.memory_space<vmem>>) offsets(%dma_start3A_21 : memref<128xi32, #tpu.memory_space<vmem>>) semaphore(%arg14 : memref<!tpu.dma_semaphore, #tpu.memory_space<semaphore_mem>>)
    %dma_start3A_25 = arith.constant 128 : i32
    %dma_start3A_26 = arith.constant 0 : i32
    %dma_start3A_27 = tpu.memref_slice %arg11[%dma_start3A_25, %dma_start3A_26] : memref<256x128xi32, #tpu.memory_space<vmem>> -> memref<128x128xi32, #tpu.memory_space<vmem>>
    %dma_start3A_28 = arith.constant 128 : i32
    %dma_start3A_29 = tpu.memref_slice %arg9[%dma_start3A_28] : memref<512xi32, #tpu.memory_space<vmem>> -> memref<128xi32, #tpu.memory_space<vmem>>
    %dma_start3A_30 = arith.constant 0 : i32
    %dma_start3A_31 = arith.constant 0 : i32
    %dma_start3A_32 = tpu.memref_slice %arg3[%dma_start3A_30, %dma_start3A_31] : memref<131072x128xi32, #tpu.memory_space<hbm>> -> memref<131072x128xi32, #tpu.memory_space<hbm>>
    tpu.enqueue_indirect_dma source(%dma_start3A_32 : memref<131072x128xi32, #tpu.memory_space<hbm>>) target(%dma_start3A_27 : memref<128x128xi32, #tpu.memory_space<vmem>>) offsets(%dma_start3A_29 : memref<128xi32, #tpu.memory_space<vmem>>) semaphore(%arg14 : memref<!tpu.dma_semaphore, #tpu.memory_space<semaphore_mem>>)
    %dma_start3A_33 = arith.constant 128 : i32
    %dma_start3A_34 = arith.constant 0 : i32
    %dma_start3A_35 = tpu.memref_slice %arg12[%dma_start3A_33, %dma_start3A_34] : memref<256x128xi32, #tpu.memory_space<vmem>> -> memref<128x128xi32, #tpu.memory_space<vmem>>
    %dma_start3A_36 = arith.constant 128 : i32
    %dma_start3A_37 = tpu.memref_slice %arg10[%dma_start3A_36] : memref<512xi32, #tpu.memory_space<vmem>> -> memref<128xi32, #tpu.memory_space<vmem>>
    %dma_start3A_38 = arith.constant 0 : i32
    %dma_start3A_39 = arith.constant 0 : i32
    %dma_start3A_40 = tpu.memref_slice %arg4[%dma_start3A_38, %dma_start3A_39] : memref<131072x128xi32, #tpu.memory_space<hbm>> -> memref<131072x128xi32, #tpu.memory_space<hbm>>
    tpu.enqueue_indirect_dma source(%dma_start3A_40 : memref<131072x128xi32, #tpu.memory_space<hbm>>) target(%dma_start3A_35 : memref<128x128xi32, #tpu.memory_space<vmem>>) offsets(%dma_start3A_37 : memref<128xi32, #tpu.memory_space<vmem>>) semaphore(%arg14 : memref<!tpu.dma_semaphore, #tpu.memory_space<semaphore_mem>>)
    %dma_wait3A = arith.constant 0 : i32
    %dma_wait3A_41 = arith.constant 0 : i32
    %dma_wait3A_42 = tpu.memref_slice %arg11[%dma_wait3A, %dma_wait3A_41] : memref<256x128xi32, #tpu.memory_space<vmem>> -> memref<128x128xi32, #tpu.memory_space<vmem>>
    %dma_wait3A_43 = arith.constant 0 : i32
    %dma_wait3A_44 = tpu.memref_slice %arg9[%dma_wait3A_43] : memref<512xi32, #tpu.memory_space<vmem>> -> memref<128xi32, #tpu.memory_space<vmem>>
    %dma_wait3A_45 = arith.constant 0 : i32
    %dma_wait3A_46 = arith.constant 0 : i32
    %dma_wait3A_47 = tpu.memref_slice %arg3[%dma_wait3A_45, %dma_wait3A_46] : memref<131072x128xi32, #tpu.memory_space<hbm>> -> memref<131072x128xi32, #tpu.memory_space<hbm>>
    tpu.wait_indirect_dma semaphore(%arg14 : memref<!tpu.dma_semaphore, #tpu.memory_space<semaphore_mem>>) src(%dma_wait3A_47 : memref<131072x128xi32, #tpu.memory_space<hbm>>) dst(%dma_wait3A_42 : memref<128x128xi32, #tpu.memory_space<vmem>>)
    %dma_wait3A_48 = arith.constant 0 : i32
    %dma_wait3A_49 = arith.constant 0 : i32
    %dma_wait3A_50 = tpu.memref_slice %arg12[%dma_wait3A_48, %dma_wait3A_49] : memref<256x128xi32, #tpu.memory_space<vmem>> -> memref<128x128xi32, #tpu.memory_space<vmem>>
    %dma_wait3A_51 = arith.constant 0 : i32
    %dma_wait3A_52 = tpu.memref_slice %arg10[%dma_wait3A_51] : memref<512xi32, #tpu.memory_space<vmem>> -> memref<128xi32, #tpu.memory_space<vmem>>
    %dma_wait3A_53 = arith.constant 0 : i32
    %dma_wait3A_54 = arith.constant 0 : i32
    %dma_wait3A_55 = tpu.memref_slice %arg4[%dma_wait3A_53, %dma_wait3A_54] : memref<131072x128xi32, #tpu.memory_space<hbm>> -> memref<131072x128xi32, #tpu.memory_space<hbm>>
    tpu.wait_indirect_dma semaphore(%arg14 : memref<!tpu.dma_semaphore, #tpu.memory_space<semaphore_mem>>) src(%dma_wait3A_55 : memref<131072x128xi32, #tpu.memory_space<hbm>>) dst(%dma_wait3A_50 : memref<128x128xi32, #tpu.memory_space<vmem>>)
    %dma_wait3A_56 = arith.constant 128 : i32
    %dma_wait3A_57 = arith.constant 0 : i32
    %dma_wait3A_58 = tpu.memref_slice %arg11[%dma_wait3A_56, %dma_wait3A_57] : memref<256x128xi32, #tpu.memory_space<vmem>> -> memref<128x128xi32, #tpu.memory_space<vmem>>
    %dma_wait3A_59 = arith.constant 128 : i32
    %dma_wait3A_60 = tpu.memref_slice %arg9[%dma_wait3A_59] : memref<512xi32, #tpu.memory_space<vmem>> -> memref<128xi32, #tpu.memory_space<vmem>>
    %dma_wait3A_61 = arith.constant 0 : i32
    %dma_wait3A_62 = arith.constant 0 : i32
    %dma_wait3A_63 = tpu.memref_slice %arg3[%dma_wait3A_61, %dma_wait3A_62] : memref<131072x128xi32, #tpu.memory_space<hbm>> -> memref<131072x128xi32, #tpu.memory_space<hbm>>
    tpu.wait_indirect_dma semaphore(%arg14 : memref<!tpu.dma_semaphore, #tpu.memory_space<semaphore_mem>>) src(%dma_wait3A_63 : memref<131072x128xi32, #tpu.memory_space<hbm>>) dst(%dma_wait3A_58 : memref<128x128xi32, #tpu.memory_space<vmem>>)
    %dma_wait3A_64 = arith.constant 128 : i32
    %dma_wait3A_65 = arith.constant 0 : i32
    %dma_wait3A_66 = tpu.memref_slice %arg12[%dma_wait3A_64, %dma_wait3A_65] : memref<256x128xi32, #tpu.memory_space<vmem>> -> memref<128x128xi32, #tpu.memory_space<vmem>>
    %dma_wait3A_67 = arith.constant 128 : i32
    %dma_wait3A_68 = tpu.memref_slice %arg10[%dma_wait3A_67] : memref<512xi32, #tpu.memory_space<vmem>> -> memref<128xi32, #tpu.memory_space<vmem>>
    %dma_wait3A_69 = arith.constant 0 : i32
    %dma_wait3A_70 = arith.constant 0 : i32
    %dma_wait3A_71 = tpu.memref_slice %arg4[%dma_wait3A_69, %dma_wait3A_70] : memref<131072x128xi32, #tpu.memory_space<hbm>> -> memref<131072x128xi32, #tpu.memory_space<hbm>>
    tpu.wait_indirect_dma semaphore(%arg14 : memref<!tpu.dma_semaphore, #tpu.memory_space<semaphore_mem>>) src(%dma_wait3A_71 : memref<131072x128xi32, #tpu.memory_space<hbm>>) dst(%dma_wait3A_66 : memref<128x128xi32, #tpu.memory_space<vmem>>)
    %scan3A_72 = arith.constant 0 : i32
    %scan3A_73 = arith.constant 0 : i32
    %scan3A_74 = arith.constant 16 : i32
    %scan3A_75 = arith.addi %scan3A_73, %scan3A_74 : i32
    %scan3A_76 = arith.constant 1 : i32
    scf.for %scan3A_148 = %scan3A_73 to %scan3A_75 step %scan3A_76  : i32 {
      %mul3A_149 = arith.constant 16 : i32
      %mul3A_150 = arith.muli %scan3A_148, %mul3A_149 : i32
      %multiple_of3A = tpu.assume_multiple %mul3A_150, 16 : i32
      %mul3A_151 = arith.constant 16 : i32
      %mul3A_152 = arith.muli %scan3A_148, %mul3A_151 : i32
      %add3A_153 = arith.constant 0 : i32
      %add3A_154 = arith.addi %add3A_153, %mul3A_152 : i32
      %multiple_of3A_155 = tpu.assume_multiple %add3A_154, 16 : i32
      %add3A_156 = vector.broadcast %multiple_of3A : i32 to vector<16xi32>
      %add3A_157 = arith.addi %iota3A, %add3A_156 : vector<16xi32>
      %get3A = arith.index_cast %multiple_of3A_155 : i32 to index
      %get3A_158 = tpu.vector_load %arg7[%get3A] {strides = array<i32>} : memref<512xi32, #tpu.memory_space<vmem>>, vector<16xi32>,
      %get3A_159 = arith.index_cast %multiple_of3A_155 : i32 to index
      %get3A_160 = tpu.vector_load %arg8[%get3A_159] {strides = array<i32>} : memref<512xi32, #tpu.memory_space<vmem>>, vector<16xi32>,
      %broadcast_in_dim3A = arith.constant 0.000000e+00 : f32
      %broadcast_in_dim3A_161 = vector.broadcast %broadcast_in_dim3A : f32 to vector<16xf32>
      %broadcast_in_dim3A_162 = arith.constant -65536 : i32
      %broadcast_in_dim3A_163 = vector.broadcast %broadcast_in_dim3A_162 : i32 to vector<16xi32>
      %add3A_164 = arith.constant 0 : i32
      %add3A_165 = vector.broadcast %add3A_164 : i32 to vector<16xi32>
      %add3A_166 = arith.addi %get3A_158, %add3A_165 : vector<16xi32>
      %gather3A = tpu.vector_load_idx %arg11[%add3A_157, %add3A_166] : memref<256x128xi32, #tpu.memory_space<vmem>>[vector<16xi32>, vector<16xi32>], vector<16xi32>,
      %add3A_167 = arith.constant 0 : i32
      %add3A_168 = vector.broadcast %add3A_167 : i32 to vector<16xi32>
      %add3A_169 = arith.addi %get3A_160, %add3A_168 : vector<16xi32>
      %gather3A_170 = tpu.vector_load_idx %arg12[%add3A_157, %add3A_169] : memref<256x128xi32, #tpu.memory_space<vmem>>[vector<16xi32>, vector<16xi32>], vector<16xi32>,
      %shift_left3A = arith.constant 16 : i32
      %shift_left3A_171 = vector.broadcast %shift_left3A : i32 to vector<16xi32>
      %shift_left3A_172 = arith.shli %gather3A, %shift_left3A_171 : vector<16xi32>
      %bitcast3A = vector.bitcast %shift_left3A_172 : vector<16xi32> to vector<16xf32>
      %shift_left3A_173 = arith.constant 16 : i32
      %shift_left3A_174 = vector.broadcast %shift_left3A_173 : i32 to vector<16xi32>
      %shift_left3A_175 = arith.shli %gather3A_170, %shift_left3A_174 : vector<16xi32>
      %bitcast3A_176 = vector.bitcast %shift_left3A_175 : vector<16xi32> to vector<16xf32>
      %and3A = arith.andi %gather3A, %broadcast_in_dim3A_163 : vector<16xi32>
      %bitcast3A_177 = vector.bitcast %and3A : vector<16xi32> to vector<16xf32>
      %and3A_178 = arith.andi %gather3A_170, %broadcast_in_dim3A_163 : vector<16xi32>
      %bitcast3A_179 = vector.bitcast %and3A_178 : vector<16xi32> to vector<16xf32>
      %mul3A_180 = arith.mulf %bitcast3A, %bitcast3A_176 : vector<16xf32>
      %add3A_181 = arith.addf %broadcast_in_dim3A_161, %mul3A_180 : vector<16xf32>
      %mul3A_182 = arith.mulf %bitcast3A_177, %bitcast3A_179 : vector<16xf32>
      %add3A_183 = arith.addf %add3A_181, %mul3A_182 : vector<16xf32>
      %add3A_184 = arith.constant 1 : i32
      %add3A_185 = vector.broadcast %add3A_184 : i32 to vector<16xi32>
      %add3A_186 = arith.addi %get3A_158, %add3A_185 : vector<16xi32>
      %gather3A_187 = tpu.vector_load_idx %arg11[%add3A_157, %add3A_186] : memref<256x128xi32, #tpu.memory_space<vmem>>[vector<16xi32>, vector<16xi32>], vector<16xi32>,
      %add3A_188 = arith.constant 1 : i32
      %add3A_189 = vector.broadcast %add3A_188 : i32 to vector<16xi32>
      %add3A_190 = arith.addi %get3A_160, %add3A_189 : vector<16xi32>
      %gather3A_191 = tpu.vector_load_idx %arg12[%add3A_157, %add3A_190] : memref<256x128xi32, #tpu.memory_space<vmem>>[vector<16xi32>, vector<16xi32>], vector<16xi32>,
      %shift_left3A_192 = arith.constant 16 : i32
      %shift_left3A_193 = vector.broadcast %shift_left3A_192 : i32 to vector<16xi32>
      %shift_left3A_194 = arith.shli %gather3A_187, %shift_left3A_193 : vector<16xi32>
      %bitcast3A_195 = vector.bitcast %shift_left3A_194 : vector<16xi32> to vector<16xf32>
      %shift_left3A_196 = arith.constant 16 : i32
      %shift_left3A_197 = vector.broadcast %shift_left3A_196 : i32 to vector<16xi32>
      %shift_left3A_198 = arith.shli %gather3A_191, %shift_left3A_197 : vector<16xi32>
      %bitcast3A_199 = vector.bitcast %shift_left3A_198 : vector<16xi32> to vector<16xf32>
      %and3A_200 = arith.andi %gather3A_187, %broadcast_in_dim3A_163 : vector<16xi32>
      %bitcast3A_201 = vector.bitcast %and3A_200 : vector<16xi32> to vector<16xf32>
      %and3A_202 = arith.andi %gather3A_191, %broadcast_in_dim3A_163 : vector<16xi32>
      %bitcast3A_203 = vector.bitcast %and3A_202 : vector<16xi32> to vector<16xf32>
      %mul3A_204 = arith.mulf %bitcast3A_195, %bitcast3A_199 : vector<16xf32>
      %add3A_205 = arith.addf %add3A_183, %mul3A_204 : vector<16xf32>
      %mul3A_206 = arith.mulf %bitcast3A_201, %bitcast3A_203 : vector<16xf32>
      %add3A_207 = arith.addf %add3A_205, %mul3A_206 : vector<16xf32>
      %add3A_208 = arith.constant 2 : i32
      %add3A_209 = vector.broadcast %add3A_208 : i32 to vector<16xi32>
      %add3A_210 = arith.addi %get3A_158, %add3A_209 : vector<16xi32>
      %gather3A_211 = tpu.vector_load_idx %arg11[%add3A_157, %add3A_210] : memref<256x128xi32, #tpu.memory_space<vmem>>[vector<16xi32>, vector<16xi32>], vector<16xi32>,
      %add3A_212 = arith.constant 2 : i32
      %add3A_213 = vector.broadcast %add3A_212 : i32 to vector<16xi32>
      %add3A_214 = arith.addi %get3A_160, %add3A_213 : vector<16xi32>
      %gather3A_215 = tpu.vector_load_idx %arg12[%add3A_157, %add3A_214] : memref<256x128xi32, #tpu.memory_space<vmem>>[vector<16xi32>, vector<16xi32>], vector<16xi32>,
      %shift_left3A_216 = arith.constant 16 : i32
      %shift_left3A_217 = vector.broadcast %shift_left3A_216 : i32 to vector<16xi32>
      %shift_left3A_218 = arith.shli %gather3A_211, %shift_left3A_217 : vector<16xi32>
      %bitcast3A_219 = vector.bitcast %shift_left3A_218 : vector<16xi32> to vector<16xf32>
      %shift_left3A_220 = arith.constant 16 : i32
      %shift_left3A_221 = vector.broadcast %shift_left3A_220 : i32 to vector<16xi32>
      %shift_left3A_222 = arith.shli %gather3A_215, %shift_left3A_221 : vector<16xi32>
      %bitcast3A_223 = vector.bitcast %shift_left3A_222 : vector<16xi32> to vector<16xf32>
      %and3A_224 = arith.andi %gather3A_211, %broadcast_in_dim3A_163 : vector<16xi32>
      %bitcast3A_225 = vector.bitcast %and3A_224 : vector<16xi32> to vector<16xf32>
      %and3A_226 = arith.andi %gather3A_215, %broadcast_in_dim3A_163 : vector<16xi32>
      %bitcast3A_227 = vector.bitcast %and3A_226 : vector<16xi32> to vector<16xf32>
      %mul3A_228 = arith.mulf %bitcast3A_219, %bitcast3A_223 : vector<16xf32>
      %add3A_229 = arith.addf %add3A_207, %mul3A_228 : vector<16xf32>
      %mul3A_230 = arith.mulf %bitcast3A_225, %bitcast3A_227 : vector<16xf32>
      %add3A_231 = arith.addf %add3A_229, %mul3A_230 : vector<16xf32>
      %add3A_232 = arith.constant 3 : i32
      %add3A_233 = vector.broadcast %add3A_232 : i32 to vector<16xi32>
      %add3A_234 = arith.addi %get3A_158, %add3A_233 : vector<16xi32>
      %gather3A_235 = tpu.vector_load_idx %arg11[%add3A_157, %add3A_234] : memref<256x128xi32, #tpu.memory_space<vmem>>[vector<16xi32>, vector<16xi32>], vector<16xi32>,
      %add3A_236 = arith.constant 3 : i32
      %add3A_237 = vector.broadcast %add3A_236 : i32 to vector<16xi32>
      %add3A_238 = arith.addi %get3A_160, %add3A_237 : vector<16xi32>
      %gather3A_239 = tpu.vector_load_idx %arg12[%add3A_157, %add3A_238] : memref<256x128xi32, #tpu.memory_space<vmem>>[vector<16xi32>, vector<16xi32>], vector<16xi32>,
      %shift_left3A_240 = arith.constant 16 : i32
      %shift_left3A_241 = vector.broadcast %shift_left3A_240 : i32 to vector<16xi32>
      %shift_left3A_242 = arith.shli %gather3A_235, %shift_left3A_241 : vector<16xi32>
      %bitcast3A_243 = vector.bitcast %shift_left3A_242 : vector<16xi32> to vector<16xf32>
      %shift_left3A_244 = arith.constant 16 : i32
      %shift_left3A_245 = vector.broadcast %shift_left3A_244 : i32 to vector<16xi32>
      %shift_left3A_246 = arith.shli %gather3A_239, %shift_left3A_245 : vector<16xi32>
      %bitcast3A_247 = vector.bitcast %shift_left3A_246 : vector<16xi32> to vector<16xf32>
      %and3A_248 = arith.andi %gather3A_235, %broadcast_in_dim3A_163 : vector<16xi32>
      %bitcast3A_249 = vector.bitcast %and3A_248 : vector<16xi32> to vector<16xf32>
      %and3A_250 = arith.andi %gather3A_239, %broadcast_in_dim3A_163 : vector<16xi32>
      %bitcast3A_251 = vector.bitcast %and3A_250 : vector<16xi32> to vector<16xf32>
      %mul3A_252 = arith.mulf %bitcast3A_243, %bitcast3A_247 : vector<16xf32>
      %add3A_253 = arith.addf %add3A_231, %mul3A_252 : vector<16xf32>
      %mul3A_254 = arith.mulf %bitcast3A_249, %bitcast3A_251 : vector<16xf32>
      %add3A_255 = arith.addf %add3A_253, %mul3A_254 : vector<16xf32>
      %add3A_256 = arith.constant 4 : i32
      %add3A_257 = vector.broadcast %add3A_256 : i32 to vector<16xi32>
      %add3A_258 = arith.addi %get3A_158, %add3A_257 : vector<16xi32>
      %gather3A_259 = tpu.vector_load_idx %arg11[%add3A_157, %add3A_258] : memref<256x128xi32, #tpu.memory_space<vmem>>[vector<16xi32>, vector<16xi32>], vector<16xi32>,
      %add3A_260 = arith.constant 4 : i32
      %add3A_261 = vector.broadcast %add3A_260 : i32 to vector<16xi32>
      %add3A_262 = arith.addi %get3A_160, %add3A_261 : vector<16xi32>
      %gather3A_263 = tpu.vector_load_idx %arg12[%add3A_157, %add3A_262] : memref<256x128xi32, #tpu.memory_space<vmem>>[vector<16xi32>, vector<16xi32>], vector<16xi32>,
      %shift_left3A_264 = arith.constant 16 : i32
      %shift_left3A_265 = vector.broadcast %shift_left3A_264 : i32 to vector<16xi32>
      %shift_left3A_266 = arith.shli %gather3A_259, %shift_left3A_265 : vector<16xi32>
      %bitcast3A_267 = vector.bitcast %shift_left3A_266 : vector<16xi32> to vector<16xf32>
      %shift_left3A_268 = arith.constant 16 : i32
      %shift_left3A_269 = vector.broadcast %shift_left3A_268 : i32 to vector<16xi32>
      %shift_left3A_270 = arith.shli %gather3A_263, %shift_left3A_269 : vector<16xi32>
      %bitcast3A_271 = vector.bitcast %shift_left3A_270 : vector<16xi32> to vector<16xf32>
      %and3A_272 = arith.andi %gather3A_259, %broadcast_in_dim3A_163 : vector<16xi32>
      %bitcast3A_273 = vector.bitcast %and3A_272 : vector<16xi32> to vector<16xf32>
      %and3A_274 = arith.andi %gather3A_263, %broadcast_in_dim3A_163 : vector<16xi32>
      %bitcast3A_275 = vector.bitcast %and3A_274 : vector<16xi32> to vector<16xf32>
      %mul3A_276 = arith.mulf %bitcast3A_267, %bitcast3A_271 : vector<16xf32>
      %add3A_277 = arith.addf %add3A_255, %mul3A_276 : vector<16xf32>
      %mul3A_278 = arith.mulf %bitcast3A_273, %bitcast3A_275 : vector<16xf32>
      %add3A_279 = arith.addf %add3A_277, %mul3A_278 : vector<16xf32>
      %add3A_280 = arith.constant 5 : i32
      %add3A_281 = vector.broadcast %add3A_280 : i32 to vector<16xi32>
      %add3A_282 = arith.addi %get3A_158, %add3A_281 : vector<16xi32>
      %gather3A_283 = tpu.vector_load_idx %arg11[%add3A_157, %add3A_282] : memref<256x128xi32, #tpu.memory_space<vmem>>[vector<16xi32>, vector<16xi32>], vector<16xi32>,
      %add3A_284 = arith.constant 5 : i32
      %add3A_285 = vector.broadcast %add3A_284 : i32 to vector<16xi32>
      %add3A_286 = arith.addi %get3A_160, %add3A_285 : vector<16xi32>
      %gather3A_287 = tpu.vector_load_idx %arg12[%add3A_157, %add3A_286] : memref<256x128xi32, #tpu.memory_space<vmem>>[vector<16xi32>, vector<16xi32>], vector<16xi32>,
      %shift_left3A_288 = arith.constant 16 : i32
      %shift_left3A_289 = vector.broadcast %shift_left3A_288 : i32 to vector<16xi32>
      %shift_left3A_290 = arith.shli %gather3A_283, %shift_left3A_289 : vector<16xi32>
      %bitcast3A_291 = vector.bitcast %shift_left3A_290 : vector<16xi32> to vector<16xf32>
      %shift_left3A_292 = arith.constant 16 : i32
      %shift_left3A_293 = vector.broadcast %shift_left3A_292 : i32 to vector<16xi32>
      %shift_left3A_294 = arith.shli %gather3A_287, %shift_left3A_293 : vector<16xi32>
      %bitcast3A_295 = vector.bitcast %shift_left3A_294 : vector<16xi32> to vector<16xf32>
      %and3A_296 = arith.andi %gather3A_283, %broadcast_in_dim3A_163 : vector<16xi32>
      %bitcast3A_297 = vector.bitcast %and3A_296 : vector<16xi32> to vector<16xf32>
      %and3A_298 = arith.andi %gather3A_287, %broadcast_in_dim3A_163 : vector<16xi32>
      %bitcast3A_299 = vector.bitcast %and3A_298 : vector<16xi32> to vector<16xf32>
      %mul3A_300 = arith.mulf %bitcast3A_291, %bitcast3A_295 : vector<16xf32>
      %add3A_301 = arith.addf %add3A_279, %mul3A_300 : vector<16xf32>
      %mul3A_302 = arith.mulf %bitcast3A_297, %bitcast3A_299 : vector<16xf32>
      %add3A_303 = arith.addf %add3A_301, %mul3A_302 : vector<16xf32>
      %add3A_304 = arith.constant 6 : i32
      %add3A_305 = vector.broadcast %add3A_304 : i32 to vector<16xi32>
      %add3A_306 = arith.addi %get3A_158, %add3A_305 : vector<16xi32>
      %gather3A_307 = tpu.vector_load_idx %arg11[%add3A_157, %add3A_306] : memref<256x128xi32, #tpu.memory_space<vmem>>[vector<16xi32>, vector<16xi32>], vector<16xi32>,
      %add3A_308 = arith.constant 6 : i32
      %add3A_309 = vector.broadcast %add3A_308 : i32 to vector<16xi32>
      %add3A_310 = arith.addi %get3A_160, %add3A_309 : vector<16xi32>
      %gather3A_311 = tpu.vector_load_idx %arg12[%add3A_157, %add3A_310] : memref<256x128xi32, #tpu.memory_space<vmem>>[vector<16xi32>, vector<16xi32>], vector<16xi32>,
      %shift_left3A_312 = arith.constant 16 : i32
      %shift_left3A_313 = vector.broadcast %shift_left3A_312 : i32 to vector<16xi32>
      %shift_left3A_314 = arith.shli %gather3A_307, %shift_left3A_313 : vector<16xi32>
      %bitcast3A_315 = vector.bitcast %shift_left3A_314 : vector<16xi32> to vector<16xf32>
      %shift_left3A_316 = arith.constant 16 : i32
      %shift_left3A_317 = vector.broadcast %shift_left3A_316 : i32 to vector<16xi32>
      %shift_left3A_318 = arith.shli %gather3A_311, %shift_left3A_317 : vector<16xi32>
      %bitcast3A_319 = vector.bitcast %shift_left3A_318 : vector<16xi32> to vector<16xf32>
      %and3A_320 = arith.andi %gather3A_307, %broadcast_in_dim3A_163 : vector<16xi32>
      %bitcast3A_321 = vector.bitcast %and3A_320 : vector<16xi32> to vector<16xf32>
      %and3A_322 = arith.andi %gather3A_311, %broadcast_in_dim3A_163 : vector<16xi32>
      %bitcast3A_323 = vector.bitcast %and3A_322 : vector<16xi32> to vector<16xf32>
      %mul3A_324 = arith.mulf %bitcast3A_315, %bitcast3A_319 : vector<16xf32>
      %add3A_325 = arith.addf %add3A_303, %mul3A_324 : vector<16xf32>
      %mul3A_326 = arith.mulf %bitcast3A_321, %bitcast3A_323 : vector<16xf32>
      %add3A_327 = arith.addf %add3A_325, %mul3A_326 : vector<16xf32>
      %add3A_328 = arith.constant 7 : i32
      %add3A_329 = vector.broadcast %add3A_328 : i32 to vector<16xi32>
      %add3A_330 = arith.addi %get3A_158, %add3A_329 : vector<16xi32>
      %gather3A_331 = tpu.vector_load_idx %arg11[%add3A_157, %add3A_330] : memref<256x128xi32, #tpu.memory_space<vmem>>[vector<16xi32>, vector<16xi32>], vector<16xi32>,
      %add3A_332 = arith.constant 7 : i32
      %add3A_333 = vector.broadcast %add3A_332 : i32 to vector<16xi32>
      %add3A_334 = arith.addi %get3A_160, %add3A_333 : vector<16xi32>
      %gather3A_335 = tpu.vector_load_idx %arg12[%add3A_157, %add3A_334] : memref<256x128xi32, #tpu.memory_space<vmem>>[vector<16xi32>, vector<16xi32>], vector<16xi32>,
      %shift_left3A_336 = arith.constant 16 : i32
      %shift_left3A_337 = vector.broadcast %shift_left3A_336 : i32 to vector<16xi32>
      %shift_left3A_338 = arith.shli %gather3A_331, %shift_left3A_337 : vector<16xi32>
      %bitcast3A_339 = vector.bitcast %shift_left3A_338 : vector<16xi32> to vector<16xf32>
      %shift_left3A_340 = arith.constant 16 : i32
      %shift_left3A_341 = vector.broadcast %shift_left3A_340 : i32 to vector<16xi32>
      %shift_left3A_342 = arith.shli %gather3A_335, %shift_left3A_341 : vector<16xi32>
      %bitcast3A_343 = vector.bitcast %shift_left3A_342 : vector<16xi32> to vector<16xf32>
      %and3A_344 = arith.andi %gather3A_331, %broadcast_in_dim3A_163 : vector<16xi32>
      %bitcast3A_345 = vector.bitcast %and3A_344 : vector<16xi32> to vector<16xf32>
      %and3A_346 = arith.andi %gather3A_335, %broadcast_in_dim3A_163 : vector<16xi32>
      %bitcast3A_347 = vector.bitcast %and3A_346 : vector<16xi32> to vector<16xf32>
      %mul3A_348 = arith.mulf %bitcast3A_339, %bitcast3A_343 : vector<16xf32>
      %add3A_349 = arith.addf %add3A_327, %mul3A_348 : vector<16xf32>
      %mul3A_350 = arith.mulf %bitcast3A_345, %bitcast3A_347 : vector<16xf32>
      %add3A_351 = arith.addf %add3A_349, %mul3A_350 : vector<16xf32>
      %add3A_352 = arith.constant 8 : i32
      %add3A_353 = vector.broadcast %add3A_352 : i32 to vector<16xi32>
      %add3A_354 = arith.addi %get3A_158, %add3A_353 : vector<16xi32>
      %gather3A_355 = tpu.vector_load_idx %arg11[%add3A_157, %add3A_354] : memref<256x128xi32, #tpu.memory_space<vmem>>[vector<16xi32>, vector<16xi32>], vector<16xi32>,
      %add3A_356 = arith.constant 8 : i32
      %add3A_357 = vector.broadcast %add3A_356 : i32 to vector<16xi32>
      %add3A_358 = arith.addi %get3A_160, %add3A_357 : vector<16xi32>
      %gather3A_359 = tpu.vector_load_idx %arg12[%add3A_157, %add3A_358] : memref<256x128xi32, #tpu.memory_space<vmem>>[vector<16xi32>, vector<16xi32>], vector<16xi32>,
      %shift_left3A_360 = arith.constant 16 : i32
      %shift_left3A_361 = vector.broadcast %shift_left3A_360 : i32 to vector<16xi32>
      %shift_left3A_362 = arith.shli %gather3A_355, %shift_left3A_361 : vector<16xi32>
      %bitcast3A_363 = vector.bitcast %shift_left3A_362 : vector<16xi32> to vector<16xf32>
      %shift_left3A_364 = arith.constant 16 : i32
      %shift_left3A_365 = vector.broadcast %shift_left3A_364 : i32 to vector<16xi32>
      %shift_left3A_366 = arith.shli %gather3A_359, %shift_left3A_365 : vector<16xi32>
      %bitcast3A_367 = vector.bitcast %shift_left3A_366 : vector<16xi32> to vector<16xf32>
      %and3A_368 = arith.andi %gather3A_355, %broadcast_in_dim3A_163 : vector<16xi32>
      %bitcast3A_369 = vector.bitcast %and3A_368 : vector<16xi32> to vector<16xf32>
      %and3A_370 = arith.andi %gather3A_359, %broadcast_in_dim3A_163 : vector<16xi32>
      %bitcast3A_371 = vector.bitcast %and3A_370 : vector<16xi32> to vector<16xf32>
      %mul3A_372 = arith.mulf %bitcast3A_363, %bitcast3A_367 : vector<16xf32>
      %add3A_373 = arith.addf %add3A_351, %mul3A_372 : vector<16xf32>
      %mul3A_374 = arith.mulf %bitcast3A_369, %bitcast3A_371 : vector<16xf32>
      %add3A_375 = arith.addf %add3A_373, %mul3A_374 : vector<16xf32>
      %add3A_376 = arith.constant 9 : i32
      %add3A_377 = vector.broadcast %add3A_376 : i32 to vector<16xi32>
      %add3A_378 = arith.addi %get3A_158, %add3A_377 : vector<16xi32>
      %gather3A_379 = tpu.vector_load_idx %arg11[%add3A_157, %add3A_378] : memref<256x128xi32, #tpu.memory_space<vmem>>[vector<16xi32>, vector<16xi32>], vector<16xi32>,
      %add3A_380 = arith.constant 9 : i32
      %add3A_381 = vector.broadcast %add3A_380 : i32 to vector<16xi32>
      %add3A_382 = arith.addi %get3A_160, %add3A_381 : vector<16xi32>
      %gather3A_383 = tpu.vector_load_idx %arg12[%add3A_157, %add3A_382] : memref<256x128xi32, #tpu.memory_space<vmem>>[vector<16xi32>, vector<16xi32>], vector<16xi32>,
      %shift_left3A_384 = arith.constant 16 : i32
      %shift_left3A_385 = vector.broadcast %shift_left3A_384 : i32 to vector<16xi32>
      %shift_left3A_386 = arith.shli %gather3A_379, %shift_left3A_385 : vector<16xi32>
      %bitcast3A_387 = vector.bitcast %shift_left3A_386 : vector<16xi32> to vector<16xf32>
      %shift_left3A_388 = arith.constant 16 : i32
      %shift_left3A_389 = vector.broadcast %shift_left3A_388 : i32 to vector<16xi32>
      %shift_left3A_390 = arith.shli %gather3A_383, %shift_left3A_389 : vector<16xi32>
      %bitcast3A_391 = vector.bitcast %shift_left3A_390 : vector<16xi32> to vector<16xf32>
      %and3A_392 = arith.andi %gather3A_379, %broadcast_in_dim3A_163 : vector<16xi32>
      %bitcast3A_393 = vector.bitcast %and3A_392 : vector<16xi32> to vector<16xf32>
      %and3A_394 = arith.andi %gather3A_383, %broadcast_in_dim3A_163 : vector<16xi32>
      %bitcast3A_395 = vector.bitcast %and3A_394 : vector<16xi32> to vector<16xf32>
      %mul3A_396 = arith.mulf %bitcast3A_387, %bitcast3A_391 : vector<16xf32>
      %add3A_397 = arith.addf %add3A_375, %mul3A_396 : vector<16xf32>
      %mul3A_398 = arith.mulf %bitcast3A_393, %bitcast3A_395 : vector<16xf32>
      %add3A_399 = arith.addf %add3A_397, %mul3A_398 : vector<16xf32>
      %add3A_400 = arith.constant 10 : i32
      %add3A_401 = vector.broadcast %add3A_400 : i32 to vector<16xi32>
      %add3A_402 = arith.addi %get3A_158, %add3A_401 : vector<16xi32>
      %gather3A_403 = tpu.vector_load_idx %arg11[%add3A_157, %add3A_402] : memref<256x128xi32, #tpu.memory_space<vmem>>[vector<16xi32>, vector<16xi32>], vector<16xi32>,
      %add3A_404 = arith.constant 10 : i32
      %add3A_405 = vector.broadcast %add3A_404 : i32 to vector<16xi32>
      %add3A_406 = arith.addi %get3A_160, %add3A_405 : vector<16xi32>
      %gather3A_407 = tpu.vector_load_idx %arg12[%add3A_157, %add3A_406] : memref<256x128xi32, #tpu.memory_space<vmem>>[vector<16xi32>, vector<16xi32>], vector<16xi32>,
      %shift_left3A_408 = arith.constant 16 : i32
      %shift_left3A_409 = vector.broadcast %shift_left3A_408 : i32 to vector<16xi32>
      %shift_left3A_410 = arith.shli %gather3A_403, %shift_left3A_409 : vector<16xi32>
      %bitcast3A_411 = vector.bitcast %shift_left3A_410 : vector<16xi32> to vector<16xf32>
      %shift_left3A_412 = arith.constant 16 : i32
      %shift_left3A_413 = vector.broadcast %shift_left3A_412 : i32 to vector<16xi32>
      %shift_left3A_414 = arith.shli %gather3A_407, %shift_left3A_413 : vector<16xi32>
      %bitcast3A_415 = vector.bitcast %shift_left3A_414 : vector<16xi32> to vector<16xf32>
      %and3A_416 = arith.andi %gather3A_403, %broadcast_in_dim3A_163 : vector<16xi32>
      %bitcast3A_417 = vector.bitcast %and3A_416 : vector<16xi32> to vector<16xf32>
      %and3A_418 = arith.andi %gather3A_407, %broadcast_in_dim3A_163 : vector<16xi32>
      %bitcast3A_419 = vector.bitcast %and3A_418 : vector<16xi32> to vector<16xf32>
      %mul3A_420 = arith.mulf %bitcast3A_411, %bitcast3A_415 : vector<16xf32>
      %add3A_421 = arith.addf %add3A_399, %mul3A_420 : vector<16xf32>
      %mul3A_422 = arith.mulf %bitcast3A_417, %bitcast3A_419 : vector<16xf32>
      %add3A_423 = arith.addf %add3A_421, %mul3A_422 : vector<16xf32>
      %add3A_424 = arith.constant 11 : i32
      %add3A_425 = vector.broadcast %add3A_424 : i32 to vector<16xi32>
      %add3A_426 = arith.addi %get3A_158, %add3A_425 : vector<16xi32>
      %gather3A_427 = tpu.vector_load_idx %arg11[%add3A_157, %add3A_426] : memref<256x128xi32, #tpu.memory_space<vmem>>[vector<16xi32>, vector<16xi32>], vector<16xi32>,
      %add3A_428 = arith.constant 11 : i32
      %add3A_429 = vector.broadcast %add3A_428 : i32 to vector<16xi32>
      %add3A_430 = arith.addi %get3A_160, %add3A_429 : vector<16xi32>
      %gather3A_431 = tpu.vector_load_idx %arg12[%add3A_157, %add3A_430] : memref<256x128xi32, #tpu.memory_space<vmem>>[vector<16xi32>, vector<16xi32>], vector<16xi32>,
      %shift_left3A_432 = arith.constant 16 : i32
      %shift_left3A_433 = vector.broadcast %shift_left3A_432 : i32 to vector<16xi32>
      %shift_left3A_434 = arith.shli %gather3A_427, %shift_left3A_433 : vector<16xi32>
      %bitcast3A_435 = vector.bitcast %shift_left3A_434 : vector<16xi32> to vector<16xf32>
      %shift_left3A_436 = arith.constant 16 : i32
      %shift_left3A_437 = vector.broadcast %shift_left3A_436 : i32 to vector<16xi32>
      %shift_left3A_438 = arith.shli %gather3A_431, %shift_left3A_437 : vector<16xi32>
      %bitcast3A_439 = vector.bitcast %shift_left3A_438 : vector<16xi32> to vector<16xf32>
      %and3A_440 = arith.andi %gather3A_427, %broadcast_in_dim3A_163 : vector<16xi32>
      %bitcast3A_441 = vector.bitcast %and3A_440 : vector<16xi32> to vector<16xf32>
      %and3A_442 = arith.andi %gather3A_431, %broadcast_in_dim3A_163 : vector<16xi32>
      %bitcast3A_443 = vector.bitcast %and3A_442 : vector<16xi32> to vector<16xf32>
      %mul3A_444 = arith.mulf %bitcast3A_435, %bitcast3A_439 : vector<16xf32>
      %add3A_445 = arith.addf %add3A_423, %mul3A_444 : vector<16xf32>
      %mul3A_446 = arith.mulf %bitcast3A_441, %bitcast3A_443 : vector<16xf32>
      %add3A_447 = arith.addf %add3A_445, %mul3A_446 : vector<16xf32>
      %add3A_448 = arith.constant 12 : i32
      %add3A_449 = vector.broadcast %add3A_448 : i32 to vector<16xi32>
      %add3A_450 = arith.addi %get3A_158, %add3A_449 : vector<16xi32>
      %gather3A_451 = tpu.vector_load_idx %arg11[%add3A_157, %add3A_450] : memref<256x128xi32, #tpu.memory_space<vmem>>[vector<16xi32>, vector<16xi32>], vector<16xi32>,
      %add3A_452 = arith.constant 12 : i32
      %add3A_453 = vector.broadcast %add3A_452 : i32 to vector<16xi32>
      %add3A_454 = arith.addi %get3A_160, %add3A_453 : vector<16xi32>
      %gather3A_455 = tpu.vector_load_idx %arg12[%add3A_157, %add3A_454] : memref<256x128xi32, #tpu.memory_space<vmem>>[vector<16xi32>, vector<16xi32>], vector<16xi32>,
      %shift_left3A_456 = arith.constant 16 : i32
      %shift_left3A_457 = vector.broadcast %shift_left3A_456 : i32 to vector<16xi32>
      %shift_left3A_458 = arith.shli %gather3A_451, %shift_left3A_457 : vector<16xi32>
      %bitcast3A_459 = vector.bitcast %shift_left3A_458 : vector<16xi32> to vector<16xf32>
      %shift_left3A_460 = arith.constant 16 : i32
      %shift_left3A_461 = vector.broadcast %shift_left3A_460 : i32 to vector<16xi32>
      %shift_left3A_462 = arith.shli %gather3A_455, %shift_left3A_461 : vector<16xi32>
      %bitcast3A_463 = vector.bitcast %shift_left3A_462 : vector<16xi32> to vector<16xf32>
      %and3A_464 = arith.andi %gather3A_451, %broadcast_in_dim3A_163 : vector<16xi32>
      %bitcast3A_465 = vector.bitcast %and3A_464 : vector<16xi32> to vector<16xf32>
      %and3A_466 = arith.andi %gather3A_455, %broadcast_in_dim3A_163 : vector<16xi32>
      %bitcast3A_467 = vector.bitcast %and3A_466 : vector<16xi32> to vector<16xf32>
      %mul3A_468 = arith.mulf %bitcast3A_459, %bitcast3A_463 : vector<16xf32>
      %add3A_469 = arith.addf %add3A_447, %mul3A_468 : vector<16xf32>
      %mul3A_470 = arith.mulf %bitcast3A_465, %bitcast3A_467 : vector<16xf32>
      %add3A_471 = arith.addf %add3A_469, %mul3A_470 : vector<16xf32>
      %add3A_472 = arith.constant 13 : i32
      %add3A_473 = vector.broadcast %add3A_472 : i32 to vector<16xi32>
      %add3A_474 = arith.addi %get3A_158, %add3A_473 : vector<16xi32>
      %gather3A_475 = tpu.vector_load_idx %arg11[%add3A_157, %add3A_474] : memref<256x128xi32, #tpu.memory_space<vmem>>[vector<16xi32>, vector<16xi32>], vector<16xi32>,
      %add3A_476 = arith.constant 13 : i32
      %add3A_477 = vector.broadcast %add3A_476 : i32 to vector<16xi32>
      %add3A_478 = arith.addi %get3A_160, %add3A_477 : vector<16xi32>
      %gather3A_479 = tpu.vector_load_idx %arg12[%add3A_157, %add3A_478] : memref<256x128xi32, #tpu.memory_space<vmem>>[vector<16xi32>, vector<16xi32>], vector<16xi32>,
      %shift_left3A_480 = arith.constant 16 : i32
      %shift_left3A_481 = vector.broadcast %shift_left3A_480 : i32 to vector<16xi32>
      %shift_left3A_482 = arith.shli %gather3A_475, %shift_left3A_481 : vector<16xi32>
      %bitcast3A_483 = vector.bitcast %shift_left3A_482 : vector<16xi32> to vector<16xf32>
      %shift_left3A_484 = arith.constant 16 : i32
      %shift_left3A_485 = vector.broadcast %shift_left3A_484 : i32 to vector<16xi32>
      %shift_left3A_486 = arith.shli %gather3A_479, %shift_left3A_485 : vector<16xi32>
      %bitcast3A_487 = vector.bitcast %shift_left3A_486 : vector<16xi32> to vector<16xf32>
      %and3A_488 = arith.andi %gather3A_475, %broadcast_in_dim3A_163 : vector<16xi32>
      %bitcast3A_489 = vector.bitcast %and3A_488 : vector<16xi32> to vector<16xf32>
      %and3A_490 = arith.andi %gather3A_479, %broadcast_in_dim3A_163 : vector<16xi32>
      %bitcast3A_491 = vector.bitcast %and3A_490 : vector<16xi32> to vector<16xf32>
      %mul3A_492 = arith.mulf %bitcast3A_483, %bitcast3A_487 : vector<16xf32>
      %add3A_493 = arith.addf %add3A_471, %mul3A_492 : vector<16xf32>
      %mul3A_494 = arith.mulf %bitcast3A_489, %bitcast3A_491 : vector<16xf32>
      %add3A_495 = arith.addf %add3A_493, %mul3A_494 : vector<16xf32>
      %add3A_496 = arith.constant 14 : i32
      %add3A_497 = vector.broadcast %add3A_496 : i32 to vector<16xi32>
      %add3A_498 = arith.addi %get3A_158, %add3A_497 : vector<16xi32>
      %gather3A_499 = tpu.vector_load_idx %arg11[%add3A_157, %add3A_498] : memref<256x128xi32, #tpu.memory_space<vmem>>[vector<16xi32>, vector<16xi32>], vector<16xi32>,
      %add3A_500 = arith.constant 14 : i32
      %add3A_501 = vector.broadcast %add3A_500 : i32 to vector<16xi32>
      %add3A_502 = arith.addi %get3A_160, %add3A_501 : vector<16xi32>
      %gather3A_503 = tpu.vector_load_idx %arg12[%add3A_157, %add3A_502] : memref<256x128xi32, #tpu.memory_space<vmem>>[vector<16xi32>, vector<16xi32>], vector<16xi32>,
      %shift_left3A_504 = arith.constant 16 : i32
      %shift_left3A_505 = vector.broadcast %shift_left3A_504 : i32 to vector<16xi32>
      %shift_left3A_506 = arith.shli %gather3A_499, %shift_left3A_505 : vector<16xi32>
      %bitcast3A_507 = vector.bitcast %shift_left3A_506 : vector<16xi32> to vector<16xf32>
      %shift_left3A_508 = arith.constant 16 : i32
      %shift_left3A_509 = vector.broadcast %shift_left3A_508 : i32 to vector<16xi32>
      %shift_left3A_510 = arith.shli %gather3A_503, %shift_left3A_509 : vector<16xi32>
      %bitcast3A_511 = vector.bitcast %shift_left3A_510 : vector<16xi32> to vector<16xf32>
      %and3A_512 = arith.andi %gather3A_499, %broadcast_in_dim3A_163 : vector<16xi32>
      %bitcast3A_513 = vector.bitcast %and3A_512 : vector<16xi32> to vector<16xf32>
      %and3A_514 = arith.andi %gather3A_503, %broadcast_in_dim3A_163 : vector<16xi32>
      %bitcast3A_515 = vector.bitcast %and3A_514 : vector<16xi32> to vector<16xf32>
      %mul3A_516 = arith.mulf %bitcast3A_507, %bitcast3A_511 : vector<16xf32>
      %add3A_517 = arith.addf %add3A_495, %mul3A_516 : vector<16xf32>
      %mul3A_518 = arith.mulf %bitcast3A_513, %bitcast3A_515 : vector<16xf32>
      %add3A_519 = arith.addf %add3A_517, %mul3A_518 : vector<16xf32>
      %add3A_520 = arith.constant 15 : i32
      %add3A_521 = vector.broadcast %add3A_520 : i32 to vector<16xi32>
      %add3A_522 = arith.addi %get3A_158, %add3A_521 : vector<16xi32>
      %gather3A_523 = tpu.vector_load_idx %arg11[%add3A_157, %add3A_522] : memref<256x128xi32, #tpu.memory_space<vmem>>[vector<16xi32>, vector<16xi32>], vector<16xi32>,
      %add3A_524 = arith.constant 15 : i32
      %add3A_525 = vector.broadcast %add3A_524 : i32 to vector<16xi32>
      %add3A_526 = arith.addi %get3A_160, %add3A_525 : vector<16xi32>
      %gather3A_527 = tpu.vector_load_idx %arg12[%add3A_157, %add3A_526] : memref<256x128xi32, #tpu.memory_space<vmem>>[vector<16xi32>, vector<16xi32>], vector<16xi32>,
      %shift_left3A_528 = arith.constant 16 : i32
      %shift_left3A_529 = vector.broadcast %shift_left3A_528 : i32 to vector<16xi32>
      %shift_left3A_530 = arith.shli %gather3A_523, %shift_left3A_529 : vector<16xi32>
      %bitcast3A_531 = vector.bitcast %shift_left3A_530 : vector<16xi32> to vector<16xf32>
      %shift_left3A_532 = arith.constant 16 : i32
      %shift_left3A_533 = vector.broadcast %shift_left3A_532 : i32 to vector<16xi32>
      %shift_left3A_534 = arith.shli %gather3A_527, %shift_left3A_533 : vector<16xi32>
      %bitcast3A_535 = vector.bitcast %shift_left3A_534 : vector<16xi32> to vector<16xf32>
      %and3A_536 = arith.andi %gather3A_523, %broadcast_in_dim3A_163 : vector<16xi32>
      %bitcast3A_537 = vector.bitcast %and3A_536 : vector<16xi32> to vector<16xf32>
      %and3A_538 = arith.andi %gather3A_527, %broadcast_in_dim3A_163 : vector<16xi32>
      %bitcast3A_539 = vector.bitcast %and3A_538 : vector<16xi32> to vector<16xf32>
      %mul3A_540 = arith.mulf %bitcast3A_531, %bitcast3A_535 : vector<16xf32>
      %add3A_541 = arith.addf %add3A_519, %mul3A_540 : vector<16xf32>
      %mul3A_542 = arith.mulf %bitcast3A_537, %bitcast3A_539 : vector<16xf32>
      %add3A_543 = arith.addf %add3A_541, %mul3A_542 : vector<16xf32>
      %swap3A = arith.index_cast %multiple_of3A_155 : i32 to index
      %swap3A_544 = tpu.vector_load %arg13[%swap3A] {strides = array<i32>} : memref<512xf32, #tpu.memory_space<vmem>>, vector<16xf32>,
      tpu.vector_store %arg13[%swap3A], %add3A_543 {strides = array<i32>} : memref<512xf32, #tpu.memory_space<vmem>>, vector<16xf32>,
    }
    %scan3A_77 = arith.constant 16 : i32
    %dma_start3A_78 = arith.constant 0 : i32
    %dma_start3A_79 = arith.constant 0 : i32
    %dma_start3A_80 = tpu.memref_slice %arg11[%dma_start3A_78, %dma_start3A_79] : memref<256x128xi32, #tpu.memory_space<vmem>> -> memref<128x128xi32, #tpu.memory_space<vmem>>
    %dma_start3A_81 = arith.constant 256 : i32
    %dma_start3A_82 = tpu.memref_slice %arg9[%dma_start3A_81] : memref<512xi32, #tpu.memory_space<vmem>> -> memref<128xi32, #tpu.memory_space<vmem>>
    %dma_start3A_83 = arith.constant 0 : i32
    %dma_start3A_84 = arith.constant 0 : i32
    %dma_start3A_85 = tpu.memref_slice %arg3[%dma_start3A_83, %dma_start3A_84] : memref<131072x128xi32, #tpu.memory_space<hbm>> -> memref<131072x128xi32, #tpu.memory_space<hbm>>
    tpu.enqueue_indirect_dma source(%dma_start3A_85 : memref<131072x128xi32, #tpu.memory_space<hbm>>) target(%dma_start3A_80 : memref<128x128xi32, #tpu.memory_space<vmem>>) offsets(%dma_start3A_82 : memref<128xi32, #tpu.memory_space<vmem>>) semaphore(%arg14 : memref<!tpu.dma_semaphore, #tpu.memory_space<semaphore_mem>>)
    %dma_start3A_86 = arith.constant 0 : i32
    %dma_start3A_87 = arith.constant 0 : i32
    %dma_start3A_88 = tpu.memref_slice %arg12[%dma_start3A_86, %dma_start3A_87] : memref<256x128xi32, #tpu.memory_space<vmem>> -> memref<128x128xi32, #tpu.memory_space<vmem>>
    %dma_start3A_89 = arith.constant 256 : i32
    %dma_start3A_90 = tpu.memref_slice %arg10[%dma_start3A_89] : memref<512xi32, #tpu.memory_space<vmem>> -> memref<128xi32, #tpu.memory_space<vmem>>
    %dma_start3A_91 = arith.constant 0 : i32
    %dma_start3A_92 = arith.constant 0 : i32
    %dma_start3A_93 = tpu.memref_slice %arg4[%dma_start3A_91, %dma_start3A_92] : memref<131072x128xi32, #tpu.memory_space<hbm>> -> memref<131072x128xi32, #tpu.memory_space<hbm>>
    tpu.enqueue_indirect_dma source(%dma_start3A_93 : memref<131072x128xi32, #tpu.memory_space<hbm>>) target(%dma_start3A_88 : memref<128x128xi32, #tpu.memory_space<vmem>>) offsets(%dma_start3A_90 : memref<128xi32, #tpu.memory_space<vmem>>) semaphore(%arg14 : memref<!tpu.dma_semaphore, #tpu.memory_space<semaphore_mem>>)
    %dma_start3A_94 = arith.constant 128 : i32
    %dma_start3A_95 = arith.constant 0 : i32
    %dma_start3A_96 = tpu.memref_slice %arg11[%dma_start3A_94, %dma_start3A_95] : memref<256x128xi32, #tpu.memory_space<vmem>> -> memref<128x128xi32, #tpu.memory_space<vmem>>
    %dma_start3A_97 = arith.constant 384 : i32
    %dma_start3A_98 = tpu.memref_slice %arg9[%dma_start3A_97] : memref<512xi32, #tpu.memory_space<vmem>> -> memref<128xi32, #tpu.memory_space<vmem>>
    %dma_start3A_99 = arith.constant 0 : i32
    %dma_start3A_100 = arith.constant 0 : i32
    %dma_start3A_101 = tpu.memref_slice %arg3[%dma_start3A_99, %dma_start3A_100] : memref<131072x128xi32, #tpu.memory_space<hbm>> -> memref<131072x128xi32, #tpu.memory_space<hbm>>
    tpu.enqueue_indirect_dma source(%dma_start3A_101 : memref<131072x128xi32, #tpu.memory_space<hbm>>) target(%dma_start3A_96 : memref<128x128xi32, #tpu.memory_space<vmem>>) offsets(%dma_start3A_98 : memref<128xi32, #tpu.memory_space<vmem>>) semaphore(%arg14 : memref<!tpu.dma_semaphore, #tpu.memory_space<semaphore_mem>>)
    %dma_start3A_102 = arith.constant 128 : i32
    %dma_start3A_103 = arith.constant 0 : i32
    %dma_start3A_104 = tpu.memref_slice %arg12[%dma_start3A_102, %dma_start3A_103] : memref<256x128xi32, #tpu.memory_space<vmem>> -> memref<128x128xi32, #tpu.memory_space<vmem>>
    %dma_start3A_105 = arith.constant 384 : i32
    %dma_start3A_106 = tpu.memref_slice %arg10[%dma_start3A_105] : memref<512xi32, #tpu.memory_space<vmem>> -> memref<128xi32, #tpu.memory_space<vmem>>
    %dma_start3A_107 = arith.constant 0 : i32
    %dma_start3A_108 = arith.constant 0 : i32
    %dma_start3A_109 = tpu.memref_slice %arg4[%dma_start3A_107, %dma_start3A_108] : memref<131072x128xi32, #tpu.memory_space<hbm>> -> memref<131072x128xi32, #tpu.memory_space<hbm>>
    tpu.enqueue_indirect_dma source(%dma_start3A_109 : memref<131072x128xi32, #tpu.memory_space<hbm>>) target(%dma_start3A_104 : memref<128x128xi32, #tpu.memory_space<vmem>>) offsets(%dma_start3A_106 : memref<128xi32, #tpu.memory_space<vmem>>) semaphore(%arg14 : memref<!tpu.dma_semaphore, #tpu.memory_space<semaphore_mem>>)
    %dma_wait3A_110 = arith.constant 0 : i32
    %dma_wait3A_111 = arith.constant 0 : i32
    %dma_wait3A_112 = tpu.memref_slice %arg11[%dma_wait3A_110, %dma_wait3A_111] : memref<256x128xi32, #tpu.memory_space<vmem>> -> memref<128x128xi32, #tpu.memory_space<vmem>>
    %dma_wait3A_113 = arith.constant 256 : i32
    %dma_wait3A_114 = tpu.memref_slice %arg9[%dma_wait3A_113] : memref<512xi32, #tpu.memory_space<vmem>> -> memref<128xi32, #tpu.memory_space<vmem>>
    %dma_wait3A_115 = arith.constant 0 : i32
    %dma_wait3A_116 = arith.constant 0 : i32
    %dma_wait3A_117 = tpu.memref_slice %arg3[%dma_wait3A_115, %dma_wait3A_116] : memref<131072x128xi32, #tpu.memory_space<hbm>> -> memref<131072x128xi32, #tpu.memory_space<hbm>>
    tpu.wait_indirect_dma semaphore(%arg14 : memref<!tpu.dma_semaphore, #tpu.memory_space<semaphore_mem>>) src(%dma_wait3A_117 : memref<131072x128xi32, #tpu.memory_space<hbm>>) dst(%dma_wait3A_112 : memref<128x128xi32, #tpu.memory_space<vmem>>)
    %dma_wait3A_118 = arith.constant 0 : i32
    %dma_wait3A_119 = arith.constant 0 : i32
    %dma_wait3A_120 = tpu.memref_slice %arg12[%dma_wait3A_118, %dma_wait3A_119] : memref<256x128xi32, #tpu.memory_space<vmem>> -> memref<128x128xi32, #tpu.memory_space<vmem>>
    %dma_wait3A_121 = arith.constant 256 : i32
    %dma_wait3A_122 = tpu.memref_slice %arg10[%dma_wait3A_121] : memref<512xi32, #tpu.memory_space<vmem>> -> memref<128xi32, #tpu.memory_space<vmem>>
    %dma_wait3A_123 = arith.constant 0 : i32
    %dma_wait3A_124 = arith.constant 0 : i32
    %dma_wait3A_125 = tpu.memref_slice %arg4[%dma_wait3A_123, %dma_wait3A_124] : memref<131072x128xi32, #tpu.memory_space<hbm>> -> memref<131072x128xi32, #tpu.memory_space<hbm>>
    tpu.wait_indirect_dma semaphore(%arg14 : memref<!tpu.dma_semaphore, #tpu.memory_space<semaphore_mem>>) src(%dma_wait3A_125 : memref<131072x128xi32, #tpu.memory_space<hbm>>) dst(%dma_wait3A_120 : memref<128x128xi32, #tpu.memory_space<vmem>>)
    %dma_wait3A_126 = arith.constant 128 : i32
    %dma_wait3A_127 = arith.constant 0 : i32
    %dma_wait3A_128 = tpu.memref_slice %arg11[%dma_wait3A_126, %dma_wait3A_127] : memref<256x128xi32, #tpu.memory_space<vmem>> -> memref<128x128xi32, #tpu.memory_space<vmem>>
    %dma_wait3A_129 = arith.constant 384 : i32
    %dma_wait3A_130 = tpu.memref_slice %arg9[%dma_wait3A_129] : memref<512xi32, #tpu.memory_space<vmem>> -> memref<128xi32, #tpu.memory_space<vmem>>
    %dma_wait3A_131 = arith.constant 0 : i32
    %dma_wait3A_132 = arith.constant 0 : i32
    %dma_wait3A_133 = tpu.memref_slice %arg3[%dma_wait3A_131, %dma_wait3A_132] : memref<131072x128xi32, #tpu.memory_space<hbm>> -> memref<131072x128xi32, #tpu.memory_space<hbm>>
    tpu.wait_indirect_dma semaphore(%arg14 : memref<!tpu.dma_semaphore, #tpu.memory_space<semaphore_mem>>) src(%dma_wait3A_133 : memref<131072x128xi32, #tpu.memory_space<hbm>>) dst(%dma_wait3A_128 : memref<128x128xi32, #tpu.memory_space<vmem>>)
    %dma_wait3A_134 = arith.constant 128 : i32
    %dma_wait3A_135 = arith.constant 0 : i32
    %dma_wait3A_136 = tpu.memref_slice %arg12[%dma_wait3A_134, %dma_wait3A_135] : memref<256x128xi32, #tpu.memory_space<vmem>> -> memref<128x128xi32, #tpu.memory_space<vmem>>
    %dma_wait3A_137 = arith.constant 384 : i32
    %dma_wait3A_138 = tpu.memref_slice %arg10[%dma_wait3A_137] : memref<512xi32, #tpu.memory_space<vmem>> -> memref<128xi32, #tpu.memory_space<vmem>>
    %dma_wait3A_139 = arith.constant 0 : i32
    %dma_wait3A_140 = arith.constant 0 : i32
    %dma_wait3A_141 = tpu.memref_slice %arg4[%dma_wait3A_139, %dma_wait3A_140] : memref<131072x128xi32, #tpu.memory_space<hbm>> -> memref<131072x128xi32, #tpu.memory_space<hbm>>
    tpu.wait_indirect_dma semaphore(%arg14 : memref<!tpu.dma_semaphore, #tpu.memory_space<semaphore_mem>>) src(%dma_wait3A_141 : memref<131072x128xi32, #tpu.memory_space<hbm>>) dst(%dma_wait3A_136 : memref<128x128xi32, #tpu.memory_space<vmem>>)
    %scan3A_142 = arith.constant 0 : i32
    %scan3A_143 = arith.constant 0 : i32
    %scan3A_144 = arith.constant 16 : i32
    %scan3A_145 = arith.addi %scan3A_143, %scan3A_144 : i32
    %scan3A_146 = arith.constant 1 : i32
    scf.for %scan3A_148 = %scan3A_143 to %scan3A_145 step %scan3A_146  : i32 {
      %mul3A_149 = arith.constant 16 : i32
      %mul3A_150 = arith.muli %scan3A_148, %mul3A_149 : i32
      %multiple_of3A = tpu.assume_multiple %mul3A_150, 16 : i32
      %mul3A_151 = arith.constant 16 : i32
      %mul3A_152 = arith.muli %scan3A_148, %mul3A_151 : i32
      %add3A_153 = arith.constant 256 : i32
      %add3A_154 = arith.addi %add3A_153, %mul3A_152 : i32
      %multiple_of3A_155 = tpu.assume_multiple %add3A_154, 16 : i32
      %add3A_156 = vector.broadcast %multiple_of3A : i32 to vector<16xi32>
      %add3A_157 = arith.addi %iota3A, %add3A_156 : vector<16xi32>
      %get3A = arith.index_cast %multiple_of3A_155 : i32 to index
      %get3A_158 = tpu.vector_load %arg7[%get3A] {strides = array<i32>} : memref<512xi32, #tpu.memory_space<vmem>>, vector<16xi32>,
      %get3A_159 = arith.index_cast %multiple_of3A_155 : i32 to index
      %get3A_160 = tpu.vector_load %arg8[%get3A_159] {strides = array<i32>} : memref<512xi32, #tpu.memory_space<vmem>>, vector<16xi32>,
      %broadcast_in_dim3A = arith.constant 0.000000e+00 : f32
      %broadcast_in_dim3A_161 = vector.broadcast %broadcast_in_dim3A : f32 to vector<16xf32>
      %broadcast_in_dim3A_162 = arith.constant -65536 : i32
      %broadcast_in_dim3A_163 = vector.broadcast %broadcast_in_dim3A_162 : i32 to vector<16xi32>
      %add3A_164 = arith.constant 0 : i32
      %add3A_165 = vector.broadcast %add3A_164 : i32 to vector<16xi32>
      %add3A_166 = arith.addi %get3A_158, %add3A_165 : vector<16xi32>
      %gather3A = tpu.vector_load_idx %arg11[%add3A_157, %add3A_166] : memref<256x128xi32, #tpu.memory_space<vmem>>[vector<16xi32>, vector<16xi32>], vector<16xi32>,
      %add3A_167 = arith.constant 0 : i32
      %add3A_168 = vector.broadcast %add3A_167 : i32 to vector<16xi32>
      %add3A_169 = arith.addi %get3A_160, %add3A_168 : vector<16xi32>
      %gather3A_170 = tpu.vector_load_idx %arg12[%add3A_157, %add3A_169] : memref<256x128xi32, #tpu.memory_space<vmem>>[vector<16xi32>, vector<16xi32>], vector<16xi32>,
      %shift_left3A = arith.constant 16 : i32
      %shift_left3A_171 = vector.broadcast %shift_left3A : i32 to vector<16xi32>
      %shift_left3A_172 = arith.shli %gather3A, %shift_left3A_171 : vector<16xi32>
      %bitcast3A = vector.bitcast %shift_left3A_172 : vector<16xi32> to vector<16xf32>
      %shift_left3A_173 = arith.constant 16 : i32
      %shift_left3A_174 = vector.broadcast %shift_left3A_173 : i32 to vector<16xi32>
      %shift_left3A_175 = arith.shli %gather3A_170, %shift_left3A_174 : vector<16xi32>
      %bitcast3A_176 = vector.bitcast %shift_left3A_175 : vector<16xi32> to vector<16xf32>
      %and3A = arith.andi %gather3A, %broadcast_in_dim3A_163 : vector<16xi32>
      %bitcast3A_177 = vector.bitcast %and3A : vector<16xi32> to vector<16xf32>
      %and3A_178 = arith.andi %gather3A_170, %broadcast_in_dim3A_163 : vector<16xi32>
      %bitcast3A_179 = vector.bitcast %and3A_178 : vector<16xi32> to vector<16xf32>
      %mul3A_180 = arith.mulf %bitcast3A, %bitcast3A_176 : vector<16xf32>
      %add3A_181 = arith.addf %broadcast_in_dim3A_161, %mul3A_180 : vector<16xf32>
      %mul3A_182 = arith.mulf %bitcast3A_177, %bitcast3A_179 : vector<16xf32>
      %add3A_183 = arith.addf %add3A_181, %mul3A_182 : vector<16xf32>
      %add3A_184 = arith.constant 1 : i32
      %add3A_185 = vector.broadcast %add3A_184 : i32 to vector<16xi32>
      %add3A_186 = arith.addi %get3A_158, %add3A_185 : vector<16xi32>
      %gather3A_187 = tpu.vector_load_idx %arg11[%add3A_157, %add3A_186] : memref<256x128xi32, #tpu.memory_space<vmem>>[vector<16xi32>, vector<16xi32>], vector<16xi32>,
      %add3A_188 = arith.constant 1 : i32
      %add3A_189 = vector.broadcast %add3A_188 : i32 to vector<16xi32>
      %add3A_190 = arith.addi %get3A_160, %add3A_189 : vector<16xi32>
      %gather3A_191 = tpu.vector_load_idx %arg12[%add3A_157, %add3A_190] : memref<256x128xi32, #tpu.memory_space<vmem>>[vector<16xi32>, vector<16xi32>], vector<16xi32>,
      %shift_left3A_192 = arith.constant 16 : i32
      %shift_left3A_193 = vector.broadcast %shift_left3A_192 : i32 to vector<16xi32>
      %shift_left3A_194 = arith.shli %gather3A_187, %shift_left3A_193 : vector<16xi32>
      %bitcast3A_195 = vector.bitcast %shift_left3A_194 : vector<16xi32> to vector<16xf32>
      %shift_left3A_196 = arith.constant 16 : i32
      %shift_left3A_197 = vector.broadcast %shift_left3A_196 : i32 to vector<16xi32>
      %shift_left3A_198 = arith.shli %gather3A_191, %shift_left3A_197 : vector<16xi32>
      %bitcast3A_199 = vector.bitcast %shift_left3A_198 : vector<16xi32> to vector<16xf32>
      %and3A_200 = arith.andi %gather3A_187, %broadcast_in_dim3A_163 : vector<16xi32>
      %bitcast3A_201 = vector.bitcast %and3A_200 : vector<16xi32> to vector<16xf32>
      %and3A_202 = arith.andi %gather3A_191, %broadcast_in_dim3A_163 : vector<16xi32>
      %bitcast3A_203 = vector.bitcast %and3A_202 : vector<16xi32> to vector<16xf32>
      %mul3A_204 = arith.mulf %bitcast3A_195, %bitcast3A_199 : vector<16xf32>
      %add3A_205 = arith.addf %add3A_183, %mul3A_204 : vector<16xf32>
      %mul3A_206 = arith.mulf %bitcast3A_201, %bitcast3A_203 : vector<16xf32>
      %add3A_207 = arith.addf %add3A_205, %mul3A_206 : vector<16xf32>
      %add3A_208 = arith.constant 2 : i32
      %add3A_209 = vector.broadcast %add3A_208 : i32 to vector<16xi32>
      %add3A_210 = arith.addi %get3A_158, %add3A_209 : vector<16xi32>
      %gather3A_211 = tpu.vector_load_idx %arg11[%add3A_157, %add3A_210] : memref<256x128xi32, #tpu.memory_space<vmem>>[vector<16xi32>, vector<16xi32>], vector<16xi32>,
      %add3A_212 = arith.constant 2 : i32
      %add3A_213 = vector.broadcast %add3A_212 : i32 to vector<16xi32>
      %add3A_214 = arith.addi %get3A_160, %add3A_213 : vector<16xi32>
      %gather3A_215 = tpu.vector_load_idx %arg12[%add3A_157, %add3A_214] : memref<256x128xi32, #tpu.memory_space<vmem>>[vector<16xi32>, vector<16xi32>], vector<16xi32>,
      %shift_left3A_216 = arith.constant 16 : i32
      %shift_left3A_217 = vector.broadcast %shift_left3A_216 : i32 to vector<16xi32>
      %shift_left3A_218 = arith.shli %gather3A_211, %shift_left3A_217 : vector<16xi32>
      %bitcast3A_219 = vector.bitcast %shift_left3A_218 : vector<16xi32> to vector<16xf32>
      %shift_left3A_220 = arith.constant 16 : i32
      %shift_left3A_221 = vector.broadcast %shift_left3A_220 : i32 to vector<16xi32>
      %shift_left3A_222 = arith.shli %gather3A_215, %shift_left3A_221 : vector<16xi32>
      %bitcast3A_223 = vector.bitcast %shift_left3A_222 : vector<16xi32> to vector<16xf32>
      %and3A_224 = arith.andi %gather3A_211, %broadcast_in_dim3A_163 : vector<16xi32>
      %bitcast3A_225 = vector.bitcast %and3A_224 : vector<16xi32> to vector<16xf32>
      %and3A_226 = arith.andi %gather3A_215, %broadcast_in_dim3A_163 : vector<16xi32>
      %bitcast3A_227 = vector.bitcast %and3A_226 : vector<16xi32> to vector<16xf32>
      %mul3A_228 = arith.mulf %bitcast3A_219, %bitcast3A_223 : vector<16xf32>
      %add3A_229 = arith.addf %add3A_207, %mul3A_228 : vector<16xf32>
      %mul3A_230 = arith.mulf %bitcast3A_225, %bitcast3A_227 : vector<16xf32>
      %add3A_231 = arith.addf %add3A_229, %mul3A_230 : vector<16xf32>
      %add3A_232 = arith.constant 3 : i32
      %add3A_233 = vector.broadcast %add3A_232 : i32 to vector<16xi32>
      %add3A_234 = arith.addi %get3A_158, %add3A_233 : vector<16xi32>
      %gather3A_235 = tpu.vector_load_idx %arg11[%add3A_157, %add3A_234] : memref<256x128xi32, #tpu.memory_space<vmem>>[vector<16xi32>, vector<16xi32>], vector<16xi32>,
      %add3A_236 = arith.constant 3 : i32
      %add3A_237 = vector.broadcast %add3A_236 : i32 to vector<16xi32>
      %add3A_238 = arith.addi %get3A_160, %add3A_237 : vector<16xi32>
      %gather3A_239 = tpu.vector_load_idx %arg12[%add3A_157, %add3A_238] : memref<256x128xi32, #tpu.memory_space<vmem>>[vector<16xi32>, vector<16xi32>], vector<16xi32>,
      %shift_left3A_240 = arith.constant 16 : i32
      %shift_left3A_241 = vector.broadcast %shift_left3A_240 : i32 to vector<16xi32>
      %shift_left3A_242 = arith.shli %gather3A_235, %shift_left3A_241 : vector<16xi32>
      %bitcast3A_243 = vector.bitcast %shift_left3A_242 : vector<16xi32> to vector<16xf32>
      %shift_left3A_244 = arith.constant 16 : i32
      %shift_left3A_245 = vector.broadcast %shift_left3A_244 : i32 to vector<16xi32>
      %shift_left3A_246 = arith.shli %gather3A_239, %shift_left3A_245 : vector<16xi32>
      %bitcast3A_247 = vector.bitcast %shift_left3A_246 : vector<16xi32> to vector<16xf32>
      %and3A_248 = arith.andi %gather3A_235, %broadcast_in_dim3A_163 : vector<16xi32>
      %bitcast3A_249 = vector.bitcast %and3A_248 : vector<16xi32> to vector<16xf32>
      %and3A_250 = arith.andi %gather3A_239, %broadcast_in_dim3A_163 : vector<16xi32>
      %bitcast3A_251 = vector.bitcast %and3A_250 : vector<16xi32> to vector<16xf32>
      %mul3A_252 = arith.mulf %bitcast3A_243, %bitcast3A_247 : vector<16xf32>
      %add3A_253 = arith.addf %add3A_231, %mul3A_252 : vector<16xf32>
      %mul3A_254 = arith.mulf %bitcast3A_249, %bitcast3A_251 : vector<16xf32>
      %add3A_255 = arith.addf %add3A_253, %mul3A_254 : vector<16xf32>
      %add3A_256 = arith.constant 4 : i32
      %add3A_257 = vector.broadcast %add3A_256 : i32 to vector<16xi32>
      %add3A_258 = arith.addi %get3A_158, %add3A_257 : vector<16xi32>
      %gather3A_259 = tpu.vector_load_idx %arg11[%add3A_157, %add3A_258] : memref<256x128xi32, #tpu.memory_space<vmem>>[vector<16xi32>, vector<16xi32>], vector<16xi32>,
      %add3A_260 = arith.constant 4 : i32
      %add3A_261 = vector.broadcast %add3A_260 : i32 to vector<16xi32>
      %add3A_262 = arith.addi %get3A_160, %add3A_261 : vector<16xi32>
      %gather3A_263 = tpu.vector_load_idx %arg12[%add3A_157, %add3A_262] : memref<256x128xi32, #tpu.memory_space<vmem>>[vector<16xi32>, vector<16xi32>], vector<16xi32>,
      %shift_left3A_264 = arith.constant 16 : i32
      %shift_left3A_265 = vector.broadcast %shift_left3A_264 : i32 to vector<16xi32>
      %shift_left3A_266 = arith.shli %gather3A_259, %shift_left3A_265 : vector<16xi32>
      %bitcast3A_267 = vector.bitcast %shift_left3A_266 : vector<16xi32> to vector<16xf32>
      %shift_left3A_268 = arith.constant 16 : i32
      %shift_left3A_269 = vector.broadcast %shift_left3A_268 : i32 to vector<16xi32>
      %shift_left3A_270 = arith.shli %gather3A_263, %shift_left3A_269 : vector<16xi32>
      %bitcast3A_271 = vector.bitcast %shift_left3A_270 : vector<16xi32> to vector<16xf32>
      %and3A_272 = arith.andi %gather3A_259, %broadcast_in_dim3A_163 : vector<16xi32>
      %bitcast3A_273 = vector.bitcast %and3A_272 : vector<16xi32> to vector<16xf32>
      %and3A_274 = arith.andi %gather3A_263, %broadcast_in_dim3A_163 : vector<16xi32>
      %bitcast3A_275 = vector.bitcast %and3A_274 : vector<16xi32> to vector<16xf32>
      %mul3A_276 = arith.mulf %bitcast3A_267, %bitcast3A_271 : vector<16xf32>
      %add3A_277 = arith.addf %add3A_255, %mul3A_276 : vector<16xf32>
      %mul3A_278 = arith.mulf %bitcast3A_273, %bitcast3A_275 : vector<16xf32>
      %add3A_279 = arith.addf %add3A_277, %mul3A_278 : vector<16xf32>
      %add3A_280 = arith.constant 5 : i32
      %add3A_281 = vector.broadcast %add3A_280 : i32 to vector<16xi32>
      %add3A_282 = arith.addi %get3A_158, %add3A_281 : vector<16xi32>
      %gather3A_283 = tpu.vector_load_idx %arg11[%add3A_157, %add3A_282] : memref<256x128xi32, #tpu.memory_space<vmem>>[vector<16xi32>, vector<16xi32>], vector<16xi32>,
      %add3A_284 = arith.constant 5 : i32
      %add3A_285 = vector.broadcast %add3A_284 : i32 to vector<16xi32>
      %add3A_286 = arith.addi %get3A_160, %add3A_285 : vector<16xi32>
      %gather3A_287 = tpu.vector_load_idx %arg12[%add3A_157, %add3A_286] : memref<256x128xi32, #tpu.memory_space<vmem>>[vector<16xi32>, vector<16xi32>], vector<16xi32>,
      %shift_left3A_288 = arith.constant 16 : i32
      %shift_left3A_289 = vector.broadcast %shift_left3A_288 : i32 to vector<16xi32>
      %shift_left3A_290 = arith.shli %gather3A_283, %shift_left3A_289 : vector<16xi32>
      %bitcast3A_291 = vector.bitcast %shift_left3A_290 : vector<16xi32> to vector<16xf32>
      %shift_left3A_292 = arith.constant 16 : i32
      %shift_left3A_293 = vector.broadcast %shift_left3A_292 : i32 to vector<16xi32>
      %shift_left3A_294 = arith.shli %gather3A_287, %shift_left3A_293 : vector<16xi32>
      %bitcast3A_295 = vector.bitcast %shift_left3A_294 : vector<16xi32> to vector<16xf32>
      %and3A_296 = arith.andi %gather3A_283, %broadcast_in_dim3A_163 : vector<16xi32>
      %bitcast3A_297 = vector.bitcast %and3A_296 : vector<16xi32> to vector<16xf32>
      %and3A_298 = arith.andi %gather3A_287, %broadcast_in_dim3A_163 : vector<16xi32>
      %bitcast3A_299 = vector.bitcast %and3A_298 : vector<16xi32> to vector<16xf32>
      %mul3A_300 = arith.mulf %bitcast3A_291, %bitcast3A_295 : vector<16xf32>
      %add3A_301 = arith.addf %add3A_279, %mul3A_300 : vector<16xf32>
      %mul3A_302 = arith.mulf %bitcast3A_297, %bitcast3A_299 : vector<16xf32>
      %add3A_303 = arith.addf %add3A_301, %mul3A_302 : vector<16xf32>
      %add3A_304 = arith.constant 6 : i32
      %add3A_305 = vector.broadcast %add3A_304 : i32 to vector<16xi32>
      %add3A_306 = arith.addi %get3A_158, %add3A_305 : vector<16xi32>
      %gather3A_307 = tpu.vector_load_idx %arg11[%add3A_157, %add3A_306] : memref<256x128xi32, #tpu.memory_space<vmem>>[vector<16xi32>, vector<16xi32>], vector<16xi32>,
      %add3A_308 = arith.constant 6 : i32
      %add3A_309 = vector.broadcast %add3A_308 : i32 to vector<16xi32>
      %add3A_310 = arith.addi %get3A_160, %add3A_309 : vector<16xi32>
      %gather3A_311 = tpu.vector_load_idx %arg12[%add3A_157, %add3A_310] : memref<256x128xi32, #tpu.memory_space<vmem>>[vector<16xi32>, vector<16xi32>], vector<16xi32>,
      %shift_left3A_312 = arith.constant 16 : i32
      %shift_left3A_313 = vector.broadcast %shift_left3A_312 : i32 to vector<16xi32>
      %shift_left3A_314 = arith.shli %gather3A_307, %shift_left3A_313 : vector<16xi32>
      %bitcast3A_315 = vector.bitcast %shift_left3A_314 : vector<16xi32> to vector<16xf32>
      %shift_left3A_316 = arith.constant 16 : i32
      %shift_left3A_317 = vector.broadcast %shift_left3A_316 : i32 to vector<16xi32>
      %shift_left3A_318 = arith.shli %gather3A_311, %shift_left3A_317 : vector<16xi32>
      %bitcast3A_319 = vector.bitcast %shift_left3A_318 : vector<16xi32> to vector<16xf32>
      %and3A_320 = arith.andi %gather3A_307, %broadcast_in_dim3A_163 : vector<16xi32>
      %bitcast3A_321 = vector.bitcast %and3A_320 : vector<16xi32> to vector<16xf32>
      %and3A_322 = arith.andi %gather3A_311, %broadcast_in_dim3A_163 : vector<16xi32>
      %bitcast3A_323 = vector.bitcast %and3A_322 : vector<16xi32> to vector<16xf32>
      %mul3A_324 = arith.mulf %bitcast3A_315, %bitcast3A_319 : vector<16xf32>
      %add3A_325 = arith.addf %add3A_303, %mul3A_324 : vector<16xf32>
      %mul3A_326 = arith.mulf %bitcast3A_321, %bitcast3A_323 : vector<16xf32>
      %add3A_327 = arith.addf %add3A_325, %mul3A_326 : vector<16xf32>
      %add3A_328 = arith.constant 7 : i32
      %add3A_329 = vector.broadcast %add3A_328 : i32 to vector<16xi32>
      %add3A_330 = arith.addi %get3A_158, %add3A_329 : vector<16xi32>
      %gather3A_331 = tpu.vector_load_idx %arg11[%add3A_157, %add3A_330] : memref<256x128xi32, #tpu.memory_space<vmem>>[vector<16xi32>, vector<16xi32>], vector<16xi32>,
      %add3A_332 = arith.constant 7 : i32
      %add3A_333 = vector.broadcast %add3A_332 : i32 to vector<16xi32>
      %add3A_334 = arith.addi %get3A_160, %add3A_333 : vector<16xi32>
      %gather3A_335 = tpu.vector_load_idx %arg12[%add3A_157, %add3A_334] : memref<256x128xi32, #tpu.memory_space<vmem>>[vector<16xi32>, vector<16xi32>], vector<16xi32>,
      %shift_left3A_336 = arith.constant 16 : i32
      %shift_left3A_337 = vector.broadcast %shift_left3A_336 : i32 to vector<16xi32>
      %shift_left3A_338 = arith.shli %gather3A_331, %shift_left3A_337 : vector<16xi32>
      %bitcast3A_339 = vector.bitcast %shift_left3A_338 : vector<16xi32> to vector<16xf32>
      %shift_left3A_340 = arith.constant 16 : i32
      %shift_left3A_341 = vector.broadcast %shift_left3A_340 : i32 to vector<16xi32>
      %shift_left3A_342 = arith.shli %gather3A_335, %shift_left3A_341 : vector<16xi32>
      %bitcast3A_343 = vector.bitcast %shift_left3A_342 : vector<16xi32> to vector<16xf32>
      %and3A_344 = arith.andi %gather3A_331, %broadcast_in_dim3A_163 : vector<16xi32>
      %bitcast3A_345 = vector.bitcast %and3A_344 : vector<16xi32> to vector<16xf32>
      %and3A_346 = arith.andi %gather3A_335, %broadcast_in_dim3A_163 : vector<16xi32>
      %bitcast3A_347 = vector.bitcast %and3A_346 : vector<16xi32> to vector<16xf32>
      %mul3A_348 = arith.mulf %bitcast3A_339, %bitcast3A_343 : vector<16xf32>
      %add3A_349 = arith.addf %add3A_327, %mul3A_348 : vector<16xf32>
      %mul3A_350 = arith.mulf %bitcast3A_345, %bitcast3A_347 : vector<16xf32>
      %add3A_351 = arith.addf %add3A_349, %mul3A_350 : vector<16xf32>
      %add3A_352 = arith.constant 8 : i32
      %add3A_353 = vector.broadcast %add3A_352 : i32 to vector<16xi32>
      %add3A_354 = arith.addi %get3A_158, %add3A_353 : vector<16xi32>
      %gather3A_355 = tpu.vector_load_idx %arg11[%add3A_157, %add3A_354] : memref<256x128xi32, #tpu.memory_space<vmem>>[vector<16xi32>, vector<16xi32>], vector<16xi32>,
      %add3A_356 = arith.constant 8 : i32
      %add3A_357 = vector.broadcast %add3A_356 : i32 to vector<16xi32>
      %add3A_358 = arith.addi %get3A_160, %add3A_357 : vector<16xi32>
      %gather3A_359 = tpu.vector_load_idx %arg12[%add3A_157, %add3A_358] : memref<256x128xi32, #tpu.memory_space<vmem>>[vector<16xi32>, vector<16xi32>], vector<16xi32>,
      %shift_left3A_360 = arith.constant 16 : i32
      %shift_left3A_361 = vector.broadcast %shift_left3A_360 : i32 to vector<16xi32>
      %shift_left3A_362 = arith.shli %gather3A_355, %shift_left3A_361 : vector<16xi32>
      %bitcast3A_363 = vector.bitcast %shift_left3A_362 : vector<16xi32> to vector<16xf32>
      %shift_left3A_364 = arith.constant 16 : i32
      %shift_left3A_365 = vector.broadcast %shift_left3A_364 : i32 to vector<16xi32>
      %shift_left3A_366 = arith.shli %gather3A_359, %shift_left3A_365 : vector<16xi32>
      %bitcast3A_367 = vector.bitcast %shift_left3A_366 : vector<16xi32> to vector<16xf32>
      %and3A_368 = arith.andi %gather3A_355, %broadcast_in_dim3A_163 : vector<16xi32>
      %bitcast3A_369 = vector.bitcast %and3A_368 : vector<16xi32> to vector<16xf32>
      %and3A_370 = arith.andi %gather3A_359, %broadcast_in_dim3A_163 : vector<16xi32>
      %bitcast3A_371 = vector.bitcast %and3A_370 : vector<16xi32> to vector<16xf32>
      %mul3A_372 = arith.mulf %bitcast3A_363, %bitcast3A_367 : vector<16xf32>
      %add3A_373 = arith.addf %add3A_351, %mul3A_372 : vector<16xf32>
      %mul3A_374 = arith.mulf %bitcast3A_369, %bitcast3A_371 : vector<16xf32>
      %add3A_375 = arith.addf %add3A_373, %mul3A_374 : vector<16xf32>
      %add3A_376 = arith.constant 9 : i32
      %add3A_377 = vector.broadcast %add3A_376 : i32 to vector<16xi32>
      %add3A_378 = arith.addi %get3A_158, %add3A_377 : vector<16xi32>
      %gather3A_379 = tpu.vector_load_idx %arg11[%add3A_157, %add3A_378] : memref<256x128xi32, #tpu.memory_space<vmem>>[vector<16xi32>, vector<16xi32>], vector<16xi32>,
      %add3A_380 = arith.constant 9 : i32
      %add3A_381 = vector.broadcast %add3A_380 : i32 to vector<16xi32>
      %add3A_382 = arith.addi %get3A_160, %add3A_381 : vector<16xi32>
      %gather3A_383 = tpu.vector_load_idx %arg12[%add3A_157, %add3A_382] : memref<256x128xi32, #tpu.memory_space<vmem>>[vector<16xi32>, vector<16xi32>], vector<16xi32>,
      %shift_left3A_384 = arith.constant 16 : i32
      %shift_left3A_385 = vector.broadcast %shift_left3A_384 : i32 to vector<16xi32>
      %shift_left3A_386 = arith.shli %gather3A_379, %shift_left3A_385 : vector<16xi32>
      %bitcast3A_387 = vector.bitcast %shift_left3A_386 : vector<16xi32> to vector<16xf32>
      %shift_left3A_388 = arith.constant 16 : i32
      %shift_left3A_389 = vector.broadcast %shift_left3A_388 : i32 to vector<16xi32>
      %shift_left3A_390 = arith.shli %gather3A_383, %shift_left3A_389 : vector<16xi32>
      %bitcast3A_391 = vector.bitcast %shift_left3A_390 : vector<16xi32> to vector<16xf32>
      %and3A_392 = arith.andi %gather3A_379, %broadcast_in_dim3A_163 : vector<16xi32>
      %bitcast3A_393 = vector.bitcast %and3A_392 : vector<16xi32> to vector<16xf32>
      %and3A_394 = arith.andi %gather3A_383, %broadcast_in_dim3A_163 : vector<16xi32>
      %bitcast3A_395 = vector.bitcast %and3A_394 : vector<16xi32> to vector<16xf32>
      %mul3A_396 = arith.mulf %bitcast3A_387, %bitcast3A_391 : vector<16xf32>
      %add3A_397 = arith.addf %add3A_375, %mul3A_396 : vector<16xf32>
      %mul3A_398 = arith.mulf %bitcast3A_393, %bitcast3A_395 : vector<16xf32>
      %add3A_399 = arith.addf %add3A_397, %mul3A_398 : vector<16xf32>
      %add3A_400 = arith.constant 10 : i32
      %add3A_401 = vector.broadcast %add3A_400 : i32 to vector<16xi32>
      %add3A_402 = arith.addi %get3A_158, %add3A_401 : vector<16xi32>
      %gather3A_403 = tpu.vector_load_idx %arg11[%add3A_157, %add3A_402] : memref<256x128xi32, #tpu.memory_space<vmem>>[vector<16xi32>, vector<16xi32>], vector<16xi32>,
      %add3A_404 = arith.constant 10 : i32
      %add3A_405 = vector.broadcast %add3A_404 : i32 to vector<16xi32>
      %add3A_406 = arith.addi %get3A_160, %add3A_405 : vector<16xi32>
      %gather3A_407 = tpu.vector_load_idx %arg12[%add3A_157, %add3A_406] : memref<256x128xi32, #tpu.memory_space<vmem>>[vector<16xi32>, vector<16xi32>], vector<16xi32>,
      %shift_left3A_408 = arith.constant 16 : i32
      %shift_left3A_409 = vector.broadcast %shift_left3A_408 : i32 to vector<16xi32>
      %shift_left3A_410 = arith.shli %gather3A_403, %shift_left3A_409 : vector<16xi32>
      %bitcast3A_411 = vector.bitcast %shift_left3A_410 : vector<16xi32> to vector<16xf32>
      %shift_left3A_412 = arith.constant 16 : i32
      %shift_left3A_413 = vector.broadcast %shift_left3A_412 : i32 to vector<16xi32>
      %shift_left3A_414 = arith.shli %gather3A_407, %shift_left3A_413 : vector<16xi32>
      %bitcast3A_415 = vector.bitcast %shift_left3A_414 : vector<16xi32> to vector<16xf32>
      %and3A_416 = arith.andi %gather3A_403, %broadcast_in_dim3A_163 : vector<16xi32>
      %bitcast3A_417 = vector.bitcast %and3A_416 : vector<16xi32> to vector<16xf32>
      %and3A_418 = arith.andi %gather3A_407, %broadcast_in_dim3A_163 : vector<16xi32>
      %bitcast3A_419 = vector.bitcast %and3A_418 : vector<16xi32> to vector<16xf32>
      %mul3A_420 = arith.mulf %bitcast3A_411, %bitcast3A_415 : vector<16xf32>
      %add3A_421 = arith.addf %add3A_399, %mul3A_420 : vector<16xf32>
      %mul3A_422 = arith.mulf %bitcast3A_417, %bitcast3A_419 : vector<16xf32>
      %add3A_423 = arith.addf %add3A_421, %mul3A_422 : vector<16xf32>
      %add3A_424 = arith.constant 11 : i32
      %add3A_425 = vector.broadcast %add3A_424 : i32 to vector<16xi32>
      %add3A_426 = arith.addi %get3A_158, %add3A_425 : vector<16xi32>
      %gather3A_427 = tpu.vector_load_idx %arg11[%add3A_157, %add3A_426] : memref<256x128xi32, #tpu.memory_space<vmem>>[vector<16xi32>, vector<16xi32>], vector<16xi32>,
      %add3A_428 = arith.constant 11 : i32
      %add3A_429 = vector.broadcast %add3A_428 : i32 to vector<16xi32>
      %add3A_430 = arith.addi %get3A_160, %add3A_429 : vector<16xi32>
      %gather3A_431 = tpu.vector_load_idx %arg12[%add3A_157, %add3A_430] : memref<256x128xi32, #tpu.memory_space<vmem>>[vector<16xi32>, vector<16xi32>], vector<16xi32>,
      %shift_left3A_432 = arith.constant 16 : i32
      %shift_left3A_433 = vector.broadcast %shift_left3A_432 : i32 to vector<16xi32>
      %shift_left3A_434 = arith.shli %gather3A_427, %shift_left3A_433 : vector<16xi32>
      %bitcast3A_435 = vector.bitcast %shift_left3A_434 : vector<16xi32> to vector<16xf32>
      %shift_left3A_436 = arith.constant 16 : i32
      %shift_left3A_437 = vector.broadcast %shift_left3A_436 : i32 to vector<16xi32>
      %shift_left3A_438 = arith.shli %gather3A_431, %shift_left3A_437 : vector<16xi32>
      %bitcast3A_439 = vector.bitcast %shift_left3A_438 : vector<16xi32> to vector<16xf32>
      %and3A_440 = arith.andi %gather3A_427, %broadcast_in_dim3A_163 : vector<16xi32>
      %bitcast3A_441 = vector.bitcast %and3A_440 : vector<16xi32> to vector<16xf32>
      %and3A_442 = arith.andi %gather3A_431, %broadcast_in_dim3A_163 : vector<16xi32>
      %bitcast3A_443 = vector.bitcast %and3A_442 : vector<16xi32> to vector<16xf32>
      %mul3A_444 = arith.mulf %bitcast3A_435, %bitcast3A_439 : vector<16xf32>
      %add3A_445 = arith.addf %add3A_423, %mul3A_444 : vector<16xf32>
      %mul3A_446 = arith.mulf %bitcast3A_441, %bitcast3A_443 : vector<16xf32>
      %add3A_447 = arith.addf %add3A_445, %mul3A_446 : vector<16xf32>
      %add3A_448 = arith.constant 12 : i32
      %add3A_449 = vector.broadcast %add3A_448 : i32 to vector<16xi32>
      %add3A_450 = arith.addi %get3A_158, %add3A_449 : vector<16xi32>
      %gather3A_451 = tpu.vector_load_idx %arg11[%add3A_157, %add3A_450] : memref<256x128xi32, #tpu.memory_space<vmem>>[vector<16xi32>, vector<16xi32>], vector<16xi32>,
      %add3A_452 = arith.constant 12 : i32
      %add3A_453 = vector.broadcast %add3A_452 : i32 to vector<16xi32>
      %add3A_454 = arith.addi %get3A_160, %add3A_453 : vector<16xi32>
      %gather3A_455 = tpu.vector_load_idx %arg12[%add3A_157, %add3A_454] : memref<256x128xi32, #tpu.memory_space<vmem>>[vector<16xi32>, vector<16xi32>], vector<16xi32>,
      %shift_left3A_456 = arith.constant 16 : i32
      %shift_left3A_457 = vector.broadcast %shift_left3A_456 : i32 to vector<16xi32>
      %shift_left3A_458 = arith.shli %gather3A_451, %shift_left3A_457 : vector<16xi32>
      %bitcast3A_459 = vector.bitcast %shift_left3A_458 : vector<16xi32> to vector<16xf32>
      %shift_left3A_460 = arith.constant 16 : i32
      %shift_left3A_461 = vector.broadcast %shift_left3A_460 : i32 to vector<16xi32>
      %shift_left3A_462 = arith.shli %gather3A_455, %shift_left3A_461 : vector<16xi32>
      %bitcast3A_463 = vector.bitcast %shift_left3A_462 : vector<16xi32> to vector<16xf32>
      %and3A_464 = arith.andi %gather3A_451, %broadcast_in_dim3A_163 : vector<16xi32>
      %bitcast3A_465 = vector.bitcast %and3A_464 : vector<16xi32> to vector<16xf32>
      %and3A_466 = arith.andi %gather3A_455, %broadcast_in_dim3A_163 : vector<16xi32>
      %bitcast3A_467 = vector.bitcast %and3A_466 : vector<16xi32> to vector<16xf32>
      %mul3A_468 = arith.mulf %bitcast3A_459, %bitcast3A_463 : vector<16xf32>
      %add3A_469 = arith.addf %add3A_447, %mul3A_468 : vector<16xf32>
      %mul3A_470 = arith.mulf %bitcast3A_465, %bitcast3A_467 : vector<16xf32>
      %add3A_471 = arith.addf %add3A_469, %mul3A_470 : vector<16xf32>
      %add3A_472 = arith.constant 13 : i32
      %add3A_473 = vector.broadcast %add3A_472 : i32 to vector<16xi32>
      %add3A_474 = arith.addi %get3A_158, %add3A_473 : vector<16xi32>
      %gather3A_475 = tpu.vector_load_idx %arg11[%add3A_157, %add3A_474] : memref<256x128xi32, #tpu.memory_space<vmem>>[vector<16xi32>, vector<16xi32>], vector<16xi32>,
      %add3A_476 = arith.constant 13 : i32
      %add3A_477 = vector.broadcast %add3A_476 : i32 to vector<16xi32>
      %add3A_478 = arith.addi %get3A_160, %add3A_477 : vector<16xi32>
      %gather3A_479 = tpu.vector_load_idx %arg12[%add3A_157, %add3A_478] : memref<256x128xi32, #tpu.memory_space<vmem>>[vector<16xi32>, vector<16xi32>], vector<16xi32>,
      %shift_left3A_480 = arith.constant 16 : i32
      %shift_left3A_481 = vector.broadcast %shift_left3A_480 : i32 to vector<16xi32>
      %shift_left3A_482 = arith.shli %gather3A_475, %shift_left3A_481 : vector<16xi32>
      %bitcast3A_483 = vector.bitcast %shift_left3A_482 : vector<16xi32> to vector<16xf32>
      %shift_left3A_484 = arith.constant 16 : i32
      %shift_left3A_485 = vector.broadcast %shift_left3A_484 : i32 to vector<16xi32>
      %shift_left3A_486 = arith.shli %gather3A_479, %shift_left3A_485 : vector<16xi32>
      %bitcast3A_487 = vector.bitcast %shift_left3A_486 : vector<16xi32> to vector<16xf32>
      %and3A_488 = arith.andi %gather3A_475, %broadcast_in_dim3A_163 : vector<16xi32>
      %bitcast3A_489 = vector.bitcast %and3A_488 : vector<16xi32> to vector<16xf32>
      %and3A_490 = arith.andi %gather3A_479, %broadcast_in_dim3A_163 : vector<16xi32>
      %bitcast3A_491 = vector.bitcast %and3A_490 : vector<16xi32> to vector<16xf32>
      %mul3A_492 = arith.mulf %bitcast3A_483, %bitcast3A_487 : vector<16xf32>
      %add3A_493 = arith.addf %add3A_471, %mul3A_492 : vector<16xf32>
      %mul3A_494 = arith.mulf %bitcast3A_489, %bitcast3A_491 : vector<16xf32>
      %add3A_495 = arith.addf %add3A_493, %mul3A_494 : vector<16xf32>
      %add3A_496 = arith.constant 14 : i32
      %add3A_497 = vector.broadcast %add3A_496 : i32 to vector<16xi32>
      %add3A_498 = arith.addi %get3A_158, %add3A_497 : vector<16xi32>
      %gather3A_499 = tpu.vector_load_idx %arg11[%add3A_157, %add3A_498] : memref<256x128xi32, #tpu.memory_space<vmem>>[vector<16xi32>, vector<16xi32>], vector<16xi32>,
      %add3A_500 = arith.constant 14 : i32
      %add3A_501 = vector.broadcast %add3A_500 : i32 to vector<16xi32>
      %add3A_502 = arith.addi %get3A_160, %add3A_501 : vector<16xi32>
      %gather3A_503 = tpu.vector_load_idx %arg12[%add3A_157, %add3A_502] : memref<256x128xi32, #tpu.memory_space<vmem>>[vector<16xi32>, vector<16xi32>], vector<16xi32>,
      %shift_left3A_504 = arith.constant 16 : i32
      %shift_left3A_505 = vector.broadcast %shift_left3A_504 : i32 to vector<16xi32>
      %shift_left3A_506 = arith.shli %gather3A_499, %shift_left3A_505 : vector<16xi32>
      %bitcast3A_507 = vector.bitcast %shift_left3A_506 : vector<16xi32> to vector<16xf32>
      %shift_left3A_508 = arith.constant 16 : i32
      %shift_left3A_509 = vector.broadcast %shift_left3A_508 : i32 to vector<16xi32>
      %shift_left3A_510 = arith.shli %gather3A_503, %shift_left3A_509 : vector<16xi32>
      %bitcast3A_511 = vector.bitcast %shift_left3A_510 : vector<16xi32> to vector<16xf32>
      %and3A_512 = arith.andi %gather3A_499, %broadcast_in_dim3A_163 : vector<16xi32>
      %bitcast3A_513 = vector.bitcast %and3A_512 : vector<16xi32> to vector<16xf32>
      %and3A_514 = arith.andi %gather3A_503, %broadcast_in_dim3A_163 : vector<16xi32>
      %bitcast3A_515 = vector.bitcast %and3A_514 : vector<16xi32> to vector<16xf32>
      %mul3A_516 = arith.mulf %bitcast3A_507, %bitcast3A_511 : vector<16xf32>
      %add3A_517 = arith.addf %add3A_495, %mul3A_516 : vector<16xf32>
      %mul3A_518 = arith.mulf %bitcast3A_513, %bitcast3A_515 : vector<16xf32>
      %add3A_519 = arith.addf %add3A_517, %mul3A_518 : vector<16xf32>
      %add3A_520 = arith.constant 15 : i32
      %add3A_521 = vector.broadcast %add3A_520 : i32 to vector<16xi32>
      %add3A_522 = arith.addi %get3A_158, %add3A_521 : vector<16xi32>
      %gather3A_523 = tpu.vector_load_idx %arg11[%add3A_157, %add3A_522] : memref<256x128xi32, #tpu.memory_space<vmem>>[vector<16xi32>, vector<16xi32>], vector<16xi32>,
      %add3A_524 = arith.constant 15 : i32
      %add3A_525 = vector.broadcast %add3A_524 : i32 to vector<16xi32>
      %add3A_526 = arith.addi %get3A_160, %add3A_525 : vector<16xi32>
      %gather3A_527 = tpu.vector_load_idx %arg12[%add3A_157, %add3A_526] : memref<256x128xi32, #tpu.memory_space<vmem>>[vector<16xi32>, vector<16xi32>], vector<16xi32>,
      %shift_left3A_528 = arith.constant 16 : i32
      %shift_left3A_529 = vector.broadcast %shift_left3A_528 : i32 to vector<16xi32>
      %shift_left3A_530 = arith.shli %gather3A_523, %shift_left3A_529 : vector<16xi32>
      %bitcast3A_531 = vector.bitcast %shift_left3A_530 : vector<16xi32> to vector<16xf32>
      %shift_left3A_532 = arith.constant 16 : i32
      %shift_left3A_533 = vector.broadcast %shift_left3A_532 : i32 to vector<16xi32>
      %shift_left3A_534 = arith.shli %gather3A_527, %shift_left3A_533 : vector<16xi32>
      %bitcast3A_535 = vector.bitcast %shift_left3A_534 : vector<16xi32> to vector<16xf32>
      %and3A_536 = arith.andi %gather3A_523, %broadcast_in_dim3A_163 : vector<16xi32>
      %bitcast3A_537 = vector.bitcast %and3A_536 : vector<16xi32> to vector<16xf32>
      %and3A_538 = arith.andi %gather3A_527, %broadcast_in_dim3A_163 : vector<16xi32>
      %bitcast3A_539 = vector.bitcast %and3A_538 : vector<16xi32> to vector<16xf32>
      %mul3A_540 = arith.mulf %bitcast3A_531, %bitcast3A_535 : vector<16xf32>
      %add3A_541 = arith.addf %add3A_519, %mul3A_540 : vector<16xf32>
      %mul3A_542 = arith.mulf %bitcast3A_537, %bitcast3A_539 : vector<16xf32>
      %add3A_543 = arith.addf %add3A_541, %mul3A_542 : vector<16xf32>
      %swap3A = arith.index_cast %multiple_of3A_155 : i32 to index
      %swap3A_544 = tpu.vector_load %arg13[%swap3A] {strides = array<i32>} : memref<512xf32, #tpu.memory_space<vmem>>, vector<16xf32>,
      tpu.vector_store %arg13[%swap3A], %add3A_543 {strides = array<i32>} : memref<512xf32, #tpu.memory_space<vmem>>, vector<16xf32>,
    }
    %scan3A_147 = arith.constant 16 : i32
    "tpu.region"() ({
      %run_scoped3A = tpu.sem_alloc : memref<!tpu.dma_semaphore, #tpu.memory_space<semaphore_mem>>
      %dma_start3A_148 = tpu.memref_slice %arg5[%mul3A_2] : memref<16384xf32, #tpu.memory_space<hbm>> -> memref<512xf32, #tpu.memory_space<hbm>>
      %dma_start3A_149 = tpu.memref_slice %arg5[%mul3A_2] : memref<16384xf32, #tpu.memory_space<hbm>> -> memref<512xf32, #tpu.memory_space<hbm>>
      tpu.enqueue_dma source(%arg13 : memref<512xf32, #tpu.memory_space<vmem>>) target(%dma_start3A_149 : memref<512xf32, #tpu.memory_space<hbm>>) target_semaphore(%run_scoped3A : memref<!tpu.dma_semaphore, #tpu.memory_space<semaphore_mem>>)
      %dma_wait3A_150 = tpu.memref_slice %arg5[%mul3A_2] : memref<16384xf32, #tpu.memory_space<hbm>> -> memref<512xf32, #tpu.memory_space<hbm>>
      %dma_wait3A_151 = tpu.memref_slice %arg5[%mul3A_2] : memref<16384xf32, #tpu.memory_space<hbm>> -> memref<512xf32, #tpu.memory_space<hbm>>
      tpu.wait_dma2 semaphore(%run_scoped3A : memref<!tpu.dma_semaphore, #tpu.memory_space<semaphore_mem>>) src(%arg13 : memref<512xf32, #tpu.memory_space<vmem>>) dst(%dma_wait3A_151 : memref<512xf32, #tpu.memory_space<hbm>>)
      tpu.yield
    }) : () -> ()
    return
  }
}

module attributes {stable_mosaic.version = 14 : i64} {
  func.func @_tr_body(%arg0: i32, %arg1: memref<32x8192xf32, #tpu.memory_space<vmem>>, %arg2: memref<32x8192xf32, #tpu.memory_space<vmem>>, %arg3: memref<32x8192xf32, #tpu.memory_space<vmem>>, %arg4: memref<32x8192xf32, #tpu.memory_space<vmem>>, %arg5: memref<32x8192xf32, #tpu.memory_space<vmem>>, %arg6: memref<32x8192xf32, #tpu.memory_space<vmem>>, %arg7: memref<32x8192xf32, #tpu.memory_space<vmem>>, %arg8: memref<32x8192xf32, #tpu.memory_space<vmem>>, %arg9: memref<8192x128xi32, #tpu.memory_space<vmem>>) attributes {dimension_semantics = [#tpu.dimension_semantics<arbitrary>], iteration_bounds = array<i64: 16>, scalar_prefetch = 0 : i64, scratch_operands = 0 : i64, tpu.core_type = #tpu.core_type<tc>, window_params = [{transform_indices = @transform_0, window_bounds = array<i64: 32, 8192>}, {transform_indices = @transform_1, window_bounds = array<i64: 32, 8192>}, {transform_indices = @transform_2, window_bounds = array<i64: 32, 8192>}, {transform_indices = @transform_3, window_bounds = array<i64: 32, 8192>}, {transform_indices = @transform_4, window_bounds = array<i64: 32, 8192>}, {transform_indices = @transform_5, window_bounds = array<i64: 32, 8192>}, {transform_indices = @transform_6, window_bounds = array<i64: 32, 8192>}, {transform_indices = @transform_7, window_bounds = array<i64: 32, 8192>}, {transform_indices = @transform_8, window_bounds = array<i64: 8192, 128>}]} {
    %get3A = arith.constant 0 : index
    %get3A_0 = arith.constant 0 : index
    %get3A_1 = vector.load %arg1[%get3A, %get3A_0] : memref<32x8192xf32, #tpu.memory_space<vmem>>, vector<32x8192xf32>
    %convert_element_type3A = arith.truncf %get3A_1 : vector<32x8192xf32> to vector<32x8192xbf16>
    %convert_element_type3A_2 = arith.extf %convert_element_type3A : vector<32x8192xbf16> to vector<32x8192xf32>
    %bitcast_convert_type3A = tpu.bitcast %convert_element_type3A_2 : vector<32x8192xf32> -> vector<32x8192xi32>
    %slice3A = vector.extract_strided_slice %bitcast_convert_type3A {offsets = [0, 0], sizes = [16, 8192], strides = [1, 1]} : vector<32x8192xi32> to vector<16x8192xi32>
    %shift_right_arithmetic3A = arith.constant 16 : i32
    %shift_right_arithmetic3A_3 = vector.broadcast %shift_right_arithmetic3A : i32 to vector<16x8192xi32>
    %shift_right_arithmetic3A_4 = arith.shrsi %slice3A, %shift_right_arithmetic3A_3 : vector<16x8192xi32>
    %and3A = arith.constant 65535 : i32
    %and3A_5 = vector.broadcast %and3A : i32 to vector<16x8192xi32>
    %and3A_6 = arith.andi %shift_right_arithmetic3A_4, %and3A_5 : vector<16x8192xi32>
    %slice3A_7 = vector.extract_strided_slice %bitcast_convert_type3A {offsets = [16, 0], sizes = [16, 8192], strides = [1, 1]} : vector<32x8192xi32> to vector<16x8192xi32>
    %and3A_8 = arith.constant -65536 : i32
    %and3A_9 = vector.broadcast %and3A_8 : i32 to vector<16x8192xi32>
    %and3A_10 = arith.andi %slice3A_7, %and3A_9 : vector<16x8192xi32>
    %or3A = arith.ori %and3A_6, %and3A_10 : vector<16x8192xi32>
    %get3A_11 = arith.constant 0 : index
    %get3A_12 = arith.constant 0 : index
    %get3A_13 = vector.load %arg2[%get3A_11, %get3A_12] : memref<32x8192xf32, #tpu.memory_space<vmem>>, vector<32x8192xf32>
    %convert_element_type3A_14 = arith.truncf %get3A_13 : vector<32x8192xf32> to vector<32x8192xbf16>
    %convert_element_type3A_15 = arith.extf %convert_element_type3A_14 : vector<32x8192xbf16> to vector<32x8192xf32>
    %bitcast_convert_type3A_16 = tpu.bitcast %convert_element_type3A_15 : vector<32x8192xf32> -> vector<32x8192xi32>
    %slice3A_17 = vector.extract_strided_slice %bitcast_convert_type3A_16 {offsets = [0, 0], sizes = [16, 8192], strides = [1, 1]} : vector<32x8192xi32> to vector<16x8192xi32>
    %shift_right_arithmetic3A_18 = arith.constant 16 : i32
    %shift_right_arithmetic3A_19 = vector.broadcast %shift_right_arithmetic3A_18 : i32 to vector<16x8192xi32>
    %shift_right_arithmetic3A_20 = arith.shrsi %slice3A_17, %shift_right_arithmetic3A_19 : vector<16x8192xi32>
    %and3A_21 = arith.constant 65535 : i32
    %and3A_22 = vector.broadcast %and3A_21 : i32 to vector<16x8192xi32>
    %and3A_23 = arith.andi %shift_right_arithmetic3A_20, %and3A_22 : vector<16x8192xi32>
    %slice3A_24 = vector.extract_strided_slice %bitcast_convert_type3A_16 {offsets = [16, 0], sizes = [16, 8192], strides = [1, 1]} : vector<32x8192xi32> to vector<16x8192xi32>
    %and3A_25 = arith.constant -65536 : i32
    %and3A_26 = vector.broadcast %and3A_25 : i32 to vector<16x8192xi32>
    %and3A_27 = arith.andi %slice3A_24, %and3A_26 : vector<16x8192xi32>
    %or3A_28 = arith.ori %and3A_23, %and3A_27 : vector<16x8192xi32>
    %get3A_29 = arith.constant 0 : index
    %get3A_30 = arith.constant 0 : index
    %get3A_31 = vector.load %arg3[%get3A_29, %get3A_30] : memref<32x8192xf32, #tpu.memory_space<vmem>>, vector<32x8192xf32>
    %convert_element_type3A_32 = arith.truncf %get3A_31 : vector<32x8192xf32> to vector<32x8192xbf16>
    %convert_element_type3A_33 = arith.extf %convert_element_type3A_32 : vector<32x8192xbf16> to vector<32x8192xf32>
    %bitcast_convert_type3A_34 = tpu.bitcast %convert_element_type3A_33 : vector<32x8192xf32> -> vector<32x8192xi32>
    %slice3A_35 = vector.extract_strided_slice %bitcast_convert_type3A_34 {offsets = [0, 0], sizes = [16, 8192], strides = [1, 1]} : vector<32x8192xi32> to vector<16x8192xi32>
    %shift_right_arithmetic3A_36 = arith.constant 16 : i32
    %shift_right_arithmetic3A_37 = vector.broadcast %shift_right_arithmetic3A_36 : i32 to vector<16x8192xi32>
    %shift_right_arithmetic3A_38 = arith.shrsi %slice3A_35, %shift_right_arithmetic3A_37 : vector<16x8192xi32>
    %and3A_39 = arith.constant 65535 : i32
    %and3A_40 = vector.broadcast %and3A_39 : i32 to vector<16x8192xi32>
    %and3A_41 = arith.andi %shift_right_arithmetic3A_38, %and3A_40 : vector<16x8192xi32>
    %slice3A_42 = vector.extract_strided_slice %bitcast_convert_type3A_34 {offsets = [16, 0], sizes = [16, 8192], strides = [1, 1]} : vector<32x8192xi32> to vector<16x8192xi32>
    %and3A_43 = arith.constant -65536 : i32
    %and3A_44 = vector.broadcast %and3A_43 : i32 to vector<16x8192xi32>
    %and3A_45 = arith.andi %slice3A_42, %and3A_44 : vector<16x8192xi32>
    %or3A_46 = arith.ori %and3A_41, %and3A_45 : vector<16x8192xi32>
    %get3A_47 = arith.constant 0 : index
    %get3A_48 = arith.constant 0 : index
    %get3A_49 = vector.load %arg4[%get3A_47, %get3A_48] : memref<32x8192xf32, #tpu.memory_space<vmem>>, vector<32x8192xf32>
    %convert_element_type3A_50 = arith.truncf %get3A_49 : vector<32x8192xf32> to vector<32x8192xbf16>
    %convert_element_type3A_51 = arith.extf %convert_element_type3A_50 : vector<32x8192xbf16> to vector<32x8192xf32>
    %bitcast_convert_type3A_52 = tpu.bitcast %convert_element_type3A_51 : vector<32x8192xf32> -> vector<32x8192xi32>
    %slice3A_53 = vector.extract_strided_slice %bitcast_convert_type3A_52 {offsets = [0, 0], sizes = [16, 8192], strides = [1, 1]} : vector<32x8192xi32> to vector<16x8192xi32>
    %shift_right_arithmetic3A_54 = arith.constant 16 : i32
    %shift_right_arithmetic3A_55 = vector.broadcast %shift_right_arithmetic3A_54 : i32 to vector<16x8192xi32>
    %shift_right_arithmetic3A_56 = arith.shrsi %slice3A_53, %shift_right_arithmetic3A_55 : vector<16x8192xi32>
    %and3A_57 = arith.constant 65535 : i32
    %and3A_58 = vector.broadcast %and3A_57 : i32 to vector<16x8192xi32>
    %and3A_59 = arith.andi %shift_right_arithmetic3A_56, %and3A_58 : vector<16x8192xi32>
    %slice3A_60 = vector.extract_strided_slice %bitcast_convert_type3A_52 {offsets = [16, 0], sizes = [16, 8192], strides = [1, 1]} : vector<32x8192xi32> to vector<16x8192xi32>
    %and3A_61 = arith.constant -65536 : i32
    %and3A_62 = vector.broadcast %and3A_61 : i32 to vector<16x8192xi32>
    %and3A_63 = arith.andi %slice3A_60, %and3A_62 : vector<16x8192xi32>
    %or3A_64 = arith.ori %and3A_59, %and3A_63 : vector<16x8192xi32>
    %get3A_65 = arith.constant 0 : index
    %get3A_66 = arith.constant 0 : index
    %get3A_67 = vector.load %arg5[%get3A_65, %get3A_66] : memref<32x8192xf32, #tpu.memory_space<vmem>>, vector<32x8192xf32>
    %convert_element_type3A_68 = arith.truncf %get3A_67 : vector<32x8192xf32> to vector<32x8192xbf16>
    %convert_element_type3A_69 = arith.extf %convert_element_type3A_68 : vector<32x8192xbf16> to vector<32x8192xf32>
    %bitcast_convert_type3A_70 = tpu.bitcast %convert_element_type3A_69 : vector<32x8192xf32> -> vector<32x8192xi32>
    %slice3A_71 = vector.extract_strided_slice %bitcast_convert_type3A_70 {offsets = [0, 0], sizes = [16, 8192], strides = [1, 1]} : vector<32x8192xi32> to vector<16x8192xi32>
    %shift_right_arithmetic3A_72 = arith.constant 16 : i32
    %shift_right_arithmetic3A_73 = vector.broadcast %shift_right_arithmetic3A_72 : i32 to vector<16x8192xi32>
    %shift_right_arithmetic3A_74 = arith.shrsi %slice3A_71, %shift_right_arithmetic3A_73 : vector<16x8192xi32>
    %and3A_75 = arith.constant 65535 : i32
    %and3A_76 = vector.broadcast %and3A_75 : i32 to vector<16x8192xi32>
    %and3A_77 = arith.andi %shift_right_arithmetic3A_74, %and3A_76 : vector<16x8192xi32>
    %slice3A_78 = vector.extract_strided_slice %bitcast_convert_type3A_70 {offsets = [16, 0], sizes = [16, 8192], strides = [1, 1]} : vector<32x8192xi32> to vector<16x8192xi32>
    %and3A_79 = arith.constant -65536 : i32
    %and3A_80 = vector.broadcast %and3A_79 : i32 to vector<16x8192xi32>
    %and3A_81 = arith.andi %slice3A_78, %and3A_80 : vector<16x8192xi32>
    %or3A_82 = arith.ori %and3A_77, %and3A_81 : vector<16x8192xi32>
    %get3A_83 = arith.constant 0 : index
    %get3A_84 = arith.constant 0 : index
    %get3A_85 = vector.load %arg6[%get3A_83, %get3A_84] : memref<32x8192xf32, #tpu.memory_space<vmem>>, vector<32x8192xf32>
    %convert_element_type3A_86 = arith.truncf %get3A_85 : vector<32x8192xf32> to vector<32x8192xbf16>
    %convert_element_type3A_87 = arith.extf %convert_element_type3A_86 : vector<32x8192xbf16> to vector<32x8192xf32>
    %bitcast_convert_type3A_88 = tpu.bitcast %convert_element_type3A_87 : vector<32x8192xf32> -> vector<32x8192xi32>
    %slice3A_89 = vector.extract_strided_slice %bitcast_convert_type3A_88 {offsets = [0, 0], sizes = [16, 8192], strides = [1, 1]} : vector<32x8192xi32> to vector<16x8192xi32>
    %shift_right_arithmetic3A_90 = arith.constant 16 : i32
    %shift_right_arithmetic3A_91 = vector.broadcast %shift_right_arithmetic3A_90 : i32 to vector<16x8192xi32>
    %shift_right_arithmetic3A_92 = arith.shrsi %slice3A_89, %shift_right_arithmetic3A_91 : vector<16x8192xi32>
    %and3A_93 = arith.constant 65535 : i32
    %and3A_94 = vector.broadcast %and3A_93 : i32 to vector<16x8192xi32>
    %and3A_95 = arith.andi %shift_right_arithmetic3A_92, %and3A_94 : vector<16x8192xi32>
    %slice3A_96 = vector.extract_strided_slice %bitcast_convert_type3A_88 {offsets = [16, 0], sizes = [16, 8192], strides = [1, 1]} : vector<32x8192xi32> to vector<16x8192xi32>
    %and3A_97 = arith.constant -65536 : i32
    %and3A_98 = vector.broadcast %and3A_97 : i32 to vector<16x8192xi32>
    %and3A_99 = arith.andi %slice3A_96, %and3A_98 : vector<16x8192xi32>
    %or3A_100 = arith.ori %and3A_95, %and3A_99 : vector<16x8192xi32>
    %get3A_101 = arith.constant 0 : index
    %get3A_102 = arith.constant 0 : index
    %get3A_103 = vector.load %arg7[%get3A_101, %get3A_102] : memref<32x8192xf32, #tpu.memory_space<vmem>>, vector<32x8192xf32>
    %convert_element_type3A_104 = arith.truncf %get3A_103 : vector<32x8192xf32> to vector<32x8192xbf16>
    %convert_element_type3A_105 = arith.extf %convert_element_type3A_104 : vector<32x8192xbf16> to vector<32x8192xf32>
    %bitcast_convert_type3A_106 = tpu.bitcast %convert_element_type3A_105 : vector<32x8192xf32> -> vector<32x8192xi32>
    %slice3A_107 = vector.extract_strided_slice %bitcast_convert_type3A_106 {offsets = [0, 0], sizes = [16, 8192], strides = [1, 1]} : vector<32x8192xi32> to vector<16x8192xi32>
    %shift_right_arithmetic3A_108 = arith.constant 16 : i32
    %shift_right_arithmetic3A_109 = vector.broadcast %shift_right_arithmetic3A_108 : i32 to vector<16x8192xi32>
    %shift_right_arithmetic3A_110 = arith.shrsi %slice3A_107, %shift_right_arithmetic3A_109 : vector<16x8192xi32>
    %and3A_111 = arith.constant 65535 : i32
    %and3A_112 = vector.broadcast %and3A_111 : i32 to vector<16x8192xi32>
    %and3A_113 = arith.andi %shift_right_arithmetic3A_110, %and3A_112 : vector<16x8192xi32>
    %slice3A_114 = vector.extract_strided_slice %bitcast_convert_type3A_106 {offsets = [16, 0], sizes = [16, 8192], strides = [1, 1]} : vector<32x8192xi32> to vector<16x8192xi32>
    %and3A_115 = arith.constant -65536 : i32
    %and3A_116 = vector.broadcast %and3A_115 : i32 to vector<16x8192xi32>
    %and3A_117 = arith.andi %slice3A_114, %and3A_116 : vector<16x8192xi32>
    %or3A_118 = arith.ori %and3A_113, %and3A_117 : vector<16x8192xi32>
    %get3A_119 = arith.constant 0 : index
    %get3A_120 = arith.constant 0 : index
    %get3A_121 = vector.load %arg8[%get3A_119, %get3A_120] : memref<32x8192xf32, #tpu.memory_space<vmem>>, vector<32x8192xf32>
    %convert_element_type3A_122 = arith.truncf %get3A_121 : vector<32x8192xf32> to vector<32x8192xbf16>
    %convert_element_type3A_123 = arith.extf %convert_element_type3A_122 : vector<32x8192xbf16> to vector<32x8192xf32>
    %bitcast_convert_type3A_124 = tpu.bitcast %convert_element_type3A_123 : vector<32x8192xf32> -> vector<32x8192xi32>
    %slice3A_125 = vector.extract_strided_slice %bitcast_convert_type3A_124 {offsets = [0, 0], sizes = [16, 8192], strides = [1, 1]} : vector<32x8192xi32> to vector<16x8192xi32>
    %shift_right_arithmetic3A_126 = arith.constant 16 : i32
    %shift_right_arithmetic3A_127 = vector.broadcast %shift_right_arithmetic3A_126 : i32 to vector<16x8192xi32>
    %shift_right_arithmetic3A_128 = arith.shrsi %slice3A_125, %shift_right_arithmetic3A_127 : vector<16x8192xi32>
    %and3A_129 = arith.constant 65535 : i32
    %and3A_130 = vector.broadcast %and3A_129 : i32 to vector<16x8192xi32>
    %and3A_131 = arith.andi %shift_right_arithmetic3A_128, %and3A_130 : vector<16x8192xi32>
    %slice3A_132 = vector.extract_strided_slice %bitcast_convert_type3A_124 {offsets = [16, 0], sizes = [16, 8192], strides = [1, 1]} : vector<32x8192xi32> to vector<16x8192xi32>
    %and3A_133 = arith.constant -65536 : i32
    %and3A_134 = vector.broadcast %and3A_133 : i32 to vector<16x8192xi32>
    %and3A_135 = arith.andi %slice3A_132, %and3A_134 : vector<16x8192xi32>
    %or3A_136 = arith.ori %and3A_131, %and3A_135 : vector<16x8192xi32>
    %concatenate3A = tpu.concatenate %or3A, %or3A_28, %or3A_46, %or3A_64, %or3A_82, %or3A_100, %or3A_118, %or3A_136 in 0 : vector<16x8192xi32>, vector<16x8192xi32>, vector<16x8192xi32>, vector<16x8192xi32>, vector<16x8192xi32>, vector<16x8192xi32>, vector<16x8192xi32>, vector<16x8192xi32> -> vector<128x8192xi32>
    %transpose3A = tpu.transpose %concatenate3A, [1, 0] : vector<128x8192xi32> -> vector<8192x128xi32>
    %swap3A = arith.constant 0 : index
    %swap3A_137 = arith.constant 0 : index
    %swap3A_138 = vector.load %arg9[%swap3A, %swap3A_137] : memref<8192x128xi32, #tpu.memory_space<vmem>>, vector<8192x128xi32>
    tpu.vector_store %arg9[%swap3A, %swap3A_137], %transpose3A {strides = array<i32>} : memref<8192x128xi32, #tpu.memory_space<vmem>>, vector<8192x128xi32>,
    return
  }
  func.func @transform_0(%arg0: i32) -> (i32, i32) {
    %add3A = arith.constant 0 : i32
    %add3A_0 = arith.addi %arg0, %add3A : i32
    %min3A = arith.constant 122 : i32
    %min3A_1 = arith.minsi %add3A_0, %min3A : i32
    %c0_i32 = arith.constant 0 : i32
    %c0_i32_2 = arith.constant 0 : i32
    return %c0_i32, %min3A_1 : i32, i32
  }
  func.func @transform_1(%arg0: i32) -> (i32, i32) {
    %add3A = arith.constant 16 : i32
    %add3A_0 = arith.addi %arg0, %add3A : i32
    %min3A = arith.constant 122 : i32
    %min3A_1 = arith.minsi %add3A_0, %min3A : i32
    %c0_i32 = arith.constant 0 : i32
    %c0_i32_2 = arith.constant 0 : i32
    return %c0_i32, %min3A_1 : i32, i32
  }
  func.func @transform_2(%arg0: i32) -> (i32, i32) {
    %add3A = arith.constant 32 : i32
    %add3A_0 = arith.addi %arg0, %add3A : i32
    %min3A = arith.constant 122 : i32
    %min3A_1 = arith.minsi %add3A_0, %min3A : i32
    %c0_i32 = arith.constant 0 : i32
    %c0_i32_2 = arith.constant 0 : i32
    return %c0_i32, %min3A_1 : i32, i32
  }
  func.func @transform_3(%arg0: i32) -> (i32, i32) {
    %add3A = arith.constant 48 : i32
    %add3A_0 = arith.addi %arg0, %add3A : i32
    %min3A = arith.constant 122 : i32
    %min3A_1 = arith.minsi %add3A_0, %min3A : i32
    %c0_i32 = arith.constant 0 : i32
    %c0_i32_2 = arith.constant 0 : i32
    return %c0_i32, %min3A_1 : i32, i32
  }
  func.func @transform_4(%arg0: i32) -> (i32, i32) {
    %add3A = arith.constant 64 : i32
    %add3A_0 = arith.addi %arg0, %add3A : i32
    %min3A = arith.constant 122 : i32
    %min3A_1 = arith.minsi %add3A_0, %min3A : i32
    %c0_i32 = arith.constant 0 : i32
    %c0_i32_2 = arith.constant 0 : i32
    return %c0_i32, %min3A_1 : i32, i32
  }
  func.func @transform_5(%arg0: i32) -> (i32, i32) {
    %add3A = arith.constant 80 : i32
    %add3A_0 = arith.addi %arg0, %add3A : i32
    %min3A = arith.constant 122 : i32
    %min3A_1 = arith.minsi %add3A_0, %min3A : i32
    %c0_i32 = arith.constant 0 : i32
    %c0_i32_2 = arith.constant 0 : i32
    return %c0_i32, %min3A_1 : i32, i32
  }
  func.func @transform_6(%arg0: i32) -> (i32, i32) {
    %add3A = arith.constant 96 : i32
    %add3A_0 = arith.addi %arg0, %add3A : i32
    %min3A = arith.constant 122 : i32
    %min3A_1 = arith.minsi %add3A_0, %min3A : i32
    %c0_i32 = arith.constant 0 : i32
    %c0_i32_2 = arith.constant 0 : i32
    return %c0_i32, %min3A_1 : i32, i32
  }
  func.func @transform_7(%arg0: i32) -> (i32, i32) {
    %add3A = arith.constant 112 : i32
    %add3A_0 = arith.addi %arg0, %add3A : i32
    %min3A = arith.constant 122 : i32
    %min3A_1 = arith.minsi %add3A_0, %min3A : i32
    %c0_i32 = arith.constant 0 : i32
    %c0_i32_2 = arith.constant 0 : i32
    return %c0_i32, %min3A_1 : i32, i32
  }
  func.func @transform_8(%arg0: i32) -> (i32, i32) {
    %c0_i32 = arith.constant 0 : i32
    %c0_i32_0 = arith.constant 0 : i32
    return %arg0, %c0_i32 : i32, i32
  }
}

</mosaic_0001>

<sc_bundles>
// kernel: _run.5.cloned.1.call-start
scs
__scs_entry_jumppad:
0x0: {  	(pc) =	sbr.rel $0x88, $3  }
0x1: {  	(tag) =	ssettag $0x0;
	lr =	simm.s32 $0x1  }
0x2: {  	[smem:$0x3F9E] =	sst lr;
	_ =	strace $0xD0000000  }
0x3: {  	_ = 	snop  }
0x4: {  	_ = 	snop  }
0x5: {  	_ = 	snop  }
0x6: {  	_ = 	snop  }
0x7: {  	_ = 	snop  }
__scs_overlays_trampoline_lowered:
0x8: {  	[smem:$0x3FAD] =	sst s0  }
0x9: {  	[smem:$0x3FAE] =	sst s1  }
0xa: {  	[smem:$0x3FAF] =	sst s2  }
0xb: {  	[smem:$0x3FB0] =	sst s3  }
0xc: {  	[smem:$0x3FB1] =	sst s4  }
0xd: {  	[smem:$0x3FB2] =	sst s5  }
0xe: {  	[smem:$0x3FB3] =	sst s6  }
0xf: {  	[smem:$0x3FB4] =	sst s7  }
0x10: {  	[smem:$0x3FB5] =	sst s8  }
0x11: {  	[smem:$0x3FB6] =	sst s9;
	s0 =	simm.s32 @!p0 $0x0  }
0x12: {  	s1 =	sld [smem:$0x3F9C];
	s0 =	simm.s32 @p0 $0x1  }
0x13: {  	[smem:$0x3FB7] =	sst s0;
	s0 =	simm.s32 @!p1 $0x0  }
0x14: {  	s2 =	sld [smem:$0x3F9B];
	s0 =	simm.s32 @p1 $0x1  }
0x15: {  	[smem:$0x3FB8] =	sst s0;
	s0 =	simm.s32 @!p2 $0x0  }
0x16: {  	s3 =	sld [smem:$0x3FDB];
	s0 =	simm.s32 @p2 $0x1  }
0x17: {  	s4 =	simm.s32 $0x1BF5;
	[smem:$0x3FBA] =	sst s0  }
0x18: {  	s0 =	sld [smem:$0x3F9D];
	_ =	swait.ge [sflag:s4], $0x0  }
0x19: {  	s7 =	sld [smem:$0x3F9E]  }
0x1a: {  	s8 =	sadd.s32 $0xFFFFE003, lr  }
0x1b: {  	s9 =	sadd.s32 $0xFFFFFEF7, lr;
	s5 =	simm.s32 $0xFFFFFFFF;
	p2 =	slt.u32 s8, $0xFFFFF086  }
0x1c: {  	p1 =	slt.u32 s9, $0xF7A;
	s5 =	simm.s32 @!p2 $0x0  }
0x1d: {  	s5 =	simm.s32 @p1 $0x1;
	p0 =	seq.s32 s7, s2  }
0x1e: {  	s7 =	smul.u32 @!p0 $0xF7A, s2;
	p2 =	seq.s32 @!p0 s5, $0x0  }
0x1f: {  	s9 =	smul.u32 $0xF7A, s1;
	s8 =	simm.s32 @!p0 $0x1BF5;
	p2 =	por !p2, p0  }
0x20: {  	[sflag:s8] =	ssyncset.s32 @!p0 $0xFFFFF086;
	s6 =	sadd.s32 @!p0 s3, s7;
	s7 =	simm.s32 @!p0 $0x108  }
0x21: {  	s3 =	sadd.s32 s3, s9;
	s6 =	sadd.s32 @!p0 $0x88, s6;
	s7 =	simm.s32 @p2 $0x1082  }
0x22: {  	[simem:s7], [sflag:s8] =	dma.local @!p0 [hbm:s6], $0xF7A  }
0x23: {  	s9 =	sor.u32 $0xD0000000, s2;
	s6 =	simm.s32 $0x108;
	_ =	swait.ge @!p0 [sflag:s8], $0x0  }
0x24: {  	s3 =	sadd.s32 $0x88, s3;
	s6 =	simm.s32 @!p1 $0x1082;
	[sflag:s4] =	ssyncset.s32 $0xFFFFF086  }
0x25: {  	[simem:s6], [sflag:s4] =	dma.local [hbm:s3], $0xF7A  }
0x26: {  	[smem:$0x3F9E] =	sst s1;
	(tag) =	ssettag s2;
	_ =	strace s9  }
0x27: {  	s1 =	sld [smem:$0x3FAE]  }
0x28: {  	s2 =	sld [smem:$0x3FAF]  }
0x29: {  	s4 =	sld [smem:$0x3FB1]  }
0x2a: {  	p0 =	seq.s32 s5, $0x0;
	s5 =	sld [smem:$0x3FB2]  }
0x2b: {  	s6 =	sld [smem:$0x3FB3]  }
0x2c: {  	s7 =	sld [smem:$0x3FB4]  }
0x2d: {  	s3 =	simm.s32 $0x108;
	s8 =	sld [smem:$0x3FB5]  }
0x2e: {  	s3 =	simm.s32 @!p0 $0x1082;
	s9 =	sld [smem:$0x3FB6]  }
0x2f: {  	lr =	sadd.s32 s0, s3;
	s0 =	sld [smem:$0x3FAD]  }
0x30: {  	s3 =	sld [smem:$0x3FB0]  }
0x31: {  	[smem:$0x3FB9] =	sst s10  }
0x32: {  	s10 =	sld [smem:$0x3FB7];
	_ =	sdelay $0x3  }
0x33: {  	p0 =	seq.s32 s10, $0x1;
	s10 =	sld [smem:$0x3FB9];
	_ =	sdelay $0x3  }
0x34: {  	[smem:$0x3FB9] =	sst s10  }
0x35: {  	s10 =	sld [smem:$0x3FB8];
	_ =	sdelay $0x3  }
0x36: {  	p1 =	seq.s32 s10, $0x1;
	s10 =	sld [smem:$0x3FB9];
	_ =	sdelay $0x3  }
0x37: {  	[smem:$0x3FB9] =	sst s10  }
0x38: {  	s10 =	sld [smem:$0x3FBA]  }
0x39: {  	_ = 	snop;
	(pc) =	sbr.ind lr, $3  }
0x3a: {  	_ = 	snop  }
0x3b: {  	_ = 	snop  }
0x3c: {  	p2 =	seq.s32 s10, $0x1;
	s10 =	sld [smem:$0x3FB9]  }
0x3d: {  	_ =	shalt  }
0x3e: {  	_ =	shalt  }
0x3f: {  	_ =	shalt  }
0x40: {  	_ =	shalt  }
0x41: {  	_ =	shalt  }
0x42: {  	_ =	shalt  }
0x43: {  	_ =	shalt  }
0x44: {  	_ =	shalt  }
0x45: {  	_ =	shalt  }
0x46: {  	_ =	shalt  }
0x47: {  	_ =	shalt  }
0x48: {  	_ =	shalt  }
0x49: {  	_ =	shalt  }
0x4a: {  	_ =	shalt  }
0x4b: {  	_ =	shalt  }
0x4c: {  	_ =	shalt  }
0x4d: {  	_ =	shalt  }
0x4e: {  	_ =	shalt  }
0x4f: {  	_ =	shalt  }
0x50: {  	_ =	shalt  }
0x51: {  	_ =	shalt  }
0x52: {  	_ =	shalt  }
0x53: {  	_ =	shalt  }
0x54: {  	_ =	shalt  }
0x55: {  	_ =	shalt  }
0x56: {  	_ =	shalt  }
0x57: {  	_ =	shalt  }
0x58: {  	_ =	shalt  }
0x59: {  	_ =	shalt  }
0x5a: {  	_ =	shalt  }
0x5b: {  	_ =	shalt  }
0x5c: {  	_ =	shalt  }
0x5d: {  	_ =	shalt  }
0x5e: {  	_ =	shalt  }
0x5f: {  	_ =	shalt  }
0x60: {  	_ =	shalt  }
0x61: {  	_ =	shalt  }
0x62: {  	_ =	shalt  }
0x63: {  	_ =	shalt  }
0x64: {  	_ =	shalt  }
0x65: {  	_ =	shalt  }
0x66: {  	_ =	shalt  }
0x67: {  	_ =	shalt  }
0x68: {  	_ =	shalt  }
0x69: {  	_ =	shalt  }
0x6a: {  	_ =	shalt  }
0x6b: {  	_ =	shalt  }
0x6c: {  	_ =	shalt  }
0x6d: {  	_ =	shalt  }
0x6e: {  	_ =	shalt  }
0x6f: {  	_ =	shalt  }
0x70: {  	_ =	shalt  }
0x71: {  	_ =	shalt  }
0x72: {  	_ =	shalt  }
0x73: {  	_ =	shalt  }
0x74: {  	_ =	shalt  }
0x75: {  	_ =	shalt  }
0x76: {  	_ =	shalt  }
0x77: {  	_ =	shalt  }
0x78: {  	_ =	shalt  }
0x79: {  	_ =	shalt  }
0x7a: {  	_ =	shalt  }
0x7b: {  	_ =	shalt  }
0x7c: {  	_ =	shalt  }
0x7d: {  	_ =	shalt  }
0x7e: {  	_ =	shalt  }
0x7f: {  	_ =	shalt  }
0x80: {  	_ =	shalt  }
0x81: {  	_ =	shalt  }
0x82: {  	_ =	shalt  }
0x83: {  	_ =	shalt  }
0x84: {  	_ =	shalt  }
0x85: {  	_ =	shalt  }
0x86: {  	_ =	shalt  }
0x87: {  	_ =	shalt  }
.Lfunc_end0:
.L_simem_size_0:
called_computation_lowered:
.L_overlay_start_0:
0x88: {  	s2 =	sld [smem:$0x3FD9]  }
0x89: {  	s3 =	sld [smem:$0x3FFE];
	_ =	sdelay $0x1  }
0x8a: {  	s1 =	srdreg.scid  }
0x8b: {  	s0 =	sand.u32 $0x1, s1  }
0x8c: {  	s17 =	sshll.u32 s0, $0xA;
	s2 =	sadd.s32 s3, s2  }
0x8d: {  	s2 =	sadd.s32 s2, s17  }
0x8e: {  	[smem:$0x3FC5] =	sst s2  }
0x8f: {  	_ = 	snop  }
0x90: {  	s2 =	sld [smem:$0x3FC9]  }
0x91: {  	s18 =	sld [smem:$0x3FD0];
	(tm) =	ssettm $0x1  }
0x92: {  	s4 =	sld [smem:$0x3FFB];
	_ =	sdelay $0x3  }
0x93: {  	_ =	strace s4  }
0x94: {  	s4 =	sld [smem:$0x3FFC];
	_ =	sdelay $0x3  }
0x95: {  	_ =	strace s4  }
0x96: {  	s4 =	sld [smem:$0x3FFD];
	_ =	sdelay $0x3  }
0x97: {  	_ =	strace s4  }
0x98: {  	_ =	strace $0x8FFFFFFF  }
0x99: {  	s19 =	sld [smem:$0x3FDB];
	_ =	sdelay $0x1  }
0x9a: {  	s5 =	simm.s32 $_scs_section_size  }
0x9b: {  	s6 =	simm.s32 $_size__tile_overlayer_lowered;
	s7 =	simm.s32 $_tile_overlayer_lowered  }
0x9c: {  	s22 =	simm.s32 $0x1BFF;
	s21 =	sshll.u32 s7, $0x1;
	s4 =	sadd.s32 s5, s19  }
0x9d: {  	s8 =	simm.s32 $0x0;
	s20 =	sshll.u32 s6, $0x1;
	s6 =	sadd.s32 s21, s4  }
0x9e: {  	[timem:s8], [sflag:s22] =	dma.local [hbm:s6], s20  }
0x9f: {  	_ =	swait.ge [sflag:s22], s20  }
0xa0: {  	s5 =	ssub.s32 $0x0, s20;
	[sflag:s22] =	ssyncset.done $0x0  }
0xa1: {  	[sflag:s22] =	ssyncadd.s32 s5;
	_ =	sdelay $0x1  }
0xa2: {  	s23 =	simm.s32 $0x1B8B  }
0xa3: {  	_ =	swait.ge [sflag:s23], $0x1  }
0xa4: {  	[sflag:s23] =	ssyncset.done $0x0  }
0xa5: {  	s25 =	simm.s32 $0x1B8E;
	s24 =	sld [smem:$0x3FFE];
	[sflag:s23] =	ssyncadd.s32 $0xFFFFFFFF  }
0xa6: {  	s26 =	simm.s32 $execute0_lowered;
	[smem:$0x3FD2] =	sst s25  }
0xa7: {  	s6 =	sshll.u32 s26, $0x1;
	_ =	strace $0x80000046;
	[dreg:$0x1] =	wrdreg $0xFFFFFFFF  }
0xa8: {  	s28 =	simm.s32 $_size_execute0_lowered;
	s4 =	sadd.s32 s4, s6;
	[dreg:$0x0] =	wrdreg $0x0  }
0xa9: {  	s6 =	sshll.u32 s28, $0x1;
	[dreg:$0x2] =	wrdreg s4  }
0xaa: {  	[dreg:$0x3] =	wrdreg s6  }
0xab: {  	[dreg:$0x4] =	wrdreg $0xC0  }
0xac: {  	_ =	task [dreg:s8], $0x5FFFF  }
0xad: {  	[dreg:$0x1] =	wrdreg $0xFFFFFFFF  }
0xae: {  	[dreg:$0x0] =	wrdreg $0x60  }
0xaf: {  	[dreg:$0x2] =	wrdreg s2  }
0xb0: {  	[dreg:$0x3] =	wrdreg s24  }
0xb1: {  	[dreg:$0x4] =	wrdreg s18  }
0xb2: {  	[dreg:$0x5] =	wrdreg $0x9  }
0xb3: {  	_ =	task.clear_ibuf [dreg:s8], $0x6FFFF;
	_ =	strace $0x90000046  }
0xb4: {  	s29 =	simm.s32 $0x9;
	_ =	strace $0x80000048  }
0xb5: {  	_ =	swait.ge [sflag:s29], $0x1  }
0xb6: {  	[sflag:s29] =	ssyncadd.s32 $0xFFFFFFFF  }
0xb7: {  	_ =	strace $0x90000048  }
0xb8: {  	_ =	sfence  }
0xb9: {  	s30 =	sld [smem:$0x0];
	_ =	sdelay $0x2  }
0xba: {  	s31 =	sshll.u32 s1, $0xD;
	s1 =	sshrl.u32 s1, $0x2  }
0xbb: {  	s3 =	sand.u32 $0x4000, s31;
	s1 =	sadd.s32 s1, s30  }
0xbc: {  	s0 =	sor.u32 s3, s0;
	s1 =	sshll.u32 s1, $0x11  }
0xbd: {  	s0 =	sor.u32 s1, s0  }
0xbe: {  	s0 =	sadd.s32 $0x8F2B, s0  }
0xbf: {  	[sflag:s0] =	ssyncadd.remote.s32 $0x1  }
0xc0: {  	_ =	sfence.sel $0xFFFF  }
0xc1: {  	[dreg:$0x0] =	wrdreg $0xFFFFFFFF;
	(pc) =	sbr.abs _section_cstart, $3  }
0xc2: {  	[dreg:$0x1] =	wrdreg $0xFFFFFFFF  }
0xc3: {  	_ =	task.clear_ibuf [dreg:s8], $0x2FFFF;
	_ =	strace $0x9FFFFFFF  }
0xc4: {  	(tm) =	ssettm $0x7FFFFFFF  }
0xc5: {  	_ =	shalt  }
tec
execute0_lowered:
.L_overlay_start_1:
0x0: {  	(tag) =	ssettag $0x1  }
0x1: {  	s5 =	rddreg [dreg:$0x0]  }
0x2: {  	s4 =	rddreg [dreg:$0x1]  }
0x3: {  	s6 =	rddreg [dreg:$0x2];
	s2 =	simm.s32 $0x0;
	s7 =	srdreg.scid  }
0x4: {  	s0 =	stileid.u32;
	s11 =	simm.s32 $0xC00;
	s12 =	simm.s32 $0xA00  }
0x5: {  	s13 =	simm.s32 $0x8C00;
	s14 =	simm.s32 $0x880;
	s15 =	simm.s32 $0x4C00  }
0x6: {  	s16 =	simm.s32 $0xA80;
	s17 =	simm.s32 $0xCC00;
	s18 =	simm.s32 $0x1  }
0x7: {  	s19 =	simm.s32 $0x900;
	s20 =	simm.s32 $0xB00;
	s21 =	simm.s32 $0x980  }
0x8: {  	s22 =	simm.s32 $0xB80;
	s23 =	simm.s32 $0x10C00;
	s24 =	simm.s32 $0x0  }
0x9: {  	[smem:$0x7FF] =	sst s2;
	s3 =	sadd.s32 $0x400, s4;
	s7 =	sand.u32 $0x1, s7  }
0xa: {  	s8 =	sshll.u32 s0, $0x1;
	s4 =	sadd.s32 $0x200400, s4;
	s9 =	ssub.s32 $0x2, s7  }
0xb: {  	_ =	strace $0x80000047;
	s7 =	sor.u32 s7, s8;
	s31 =	sshrl.u32 s9, $0x1  }
0xc: {  	s10 =	sshll.u32 s7, $0x7;
	s7 =	sshll.u32 s7, $0x6;
	s8 =	ssub.s32 s9, s31  }
0xd: {  	v1 =	vlaneseq.u32;
	s5 =	sadd.s32 s5, s10;
	s6 =	sadd.s32 s6, s7;
	s9 =	simm.s32 $0x80  }
0xe: {  	v0 =	vmul.u32 $0x2, v1;
	v1 =	vmul.u32 $0x80, v1;
	s10 =	simm.s32 $0x800;
	s7 =	smax.u32 s8, $0x1;
	s8 =	simm.s32 $0x2  }
.LBB2_1:
0xf: {  	v2 =	vmov s2  }
0x10: {  	v2 =	vshll.u32 v2, $0x1  }
0x11: {  	v2 =	vor.u32 v0, v2  }
0x12: {  	[tilespmem:s2], [sflag:$0x2] =	stream.linear.gather [hbm4b:s5+s2], $0x400, $0x38;
	v3 =	vor.u32 $0x1, v2;
	[tilespmem:$0x10E00] =	vst v63  }
0x13: {  	_ =	swait.ge [sflag:s8], $0x400  }
0x14: {  	[sflag:s8] =	ssyncset.done $0x0  }
0x15: {  	[sflag:s8] =	ssyncadd.s32 $0xFFFFFC00  }
0x16: {  	v2 =	vld.idx.msk [tilespmem:v2+s2+$0x0], $0xffff  }
0x17: {  	v3 =	vld.idx.msk [tilespmem:v3+s2+$0x0], $0xffff;
	_ =	sdelay $0x1  }
0x18: {  	s25 =	simm.s32 $0x10  }
0x19: {  	v4 =	vmov s25  }
0x1a: {  	v4 =	vshll.u32 v4, $0x1;
	v5 =	vand.u32 $0x1FFFF, v2  }
0x1b: {  	s26 =	simm.s32 $0x400;
	v6 =	vshra.s32 v2, $0xD;
	v2 =	vor.u32 v0, v4;
	[tilespmem:s10+$0x0] =	vst v5;
	v5 =	vand.u32 $0x1FFFF, v3  }
0x1c: {  	s28 =	simm.s32 $0x600;
	s31 =	simm.s32 $0x20;
	s30 =	simm.s32 $0x800;
	v4 =	vshra.s32 v3, $0xD;
	v3 =	vor.u32 $0x1, v2;
	[tilespmem:s12+$0x0] =	vst v5;
	v5 =	vand.u32 $0xFFFFFFF0, v6  }
0x1d: {  	s29 =	simm.s32 $0xA00;
	s25 =	simm.s32 $0x410;
	v4 =	vand.u32 $0xFFFFFFF0, v4;
	[tilespmem:s26+$0x0] =	vst v5;
	s26 =	simm.s32 $0x610  }
.LBB2_2:
0x1e: {  	s30 =	sadd.s32 $0x10, s30;
	s29 =	sadd.s32 $0x10, s29  }
0x1f: {  	[tilespmem:s28+$0x0] =	vst v4;
	s0 =	smov.u32 s31;
	s1 =	sadd.s32 $0x10, s31;
	s28 =	smov.u32 s26  }
0x20: {  	p0 =	sne.s32 s31, $0x1F0;
	v4 =	vld.idx.msk [tilespmem:v2+s2+$0x0], $0xffff  }
0x21: {  	v5 =	vld.idx.msk [tilespmem:v3+s2+$0x0], $0xffff;
	_ =	sdelay $0x2  }
0x22: {  	v2 =	vmov s0  }
.Ltmp0:
0x23: {  	v2 =	vshll.u32 v2, $0x1;
	(pc) =	sbr.rel @p0 .LBB2_2-.Ltmp0, $4  }
0x24: {  	v2 =	vor.u32 v0, v2;
	v6 =	vand.u32 $0x1FFFF, v4;
	v4 =	vshra.s32 v4, $0xD  }
0x25: {  	v3 =	vor.u32 $0x1, v2;
	[tilespmem:s30+$0x0] =	vst v6;
	v6 =	vand.u32 $0x1FFFF, v5;
	v5 =	vshra.s32 v5, $0xD  }
0x26: {  	v4 =	vand.u32 $0xFFFFFFF0, v4;
	[tilespmem:s29+$0x0] =	vst v6  }
0x27: {  	s26 =	sadd.s32 $0x10, s26;
	s31 =	smov.u32 s1;
	[tilespmem:s25+$0x0] =	vst v4;
	v4 =	vand.u32 $0xFFFFFFF0, v5;
	s25 =	sadd.s32 $0x10, s25  }
0x28: {  	_ =	sdelay $0x2  }
0x29: {  	[tilespmem:s28+$0x0] =	vst v4  }
0x2a: {  	v2 =	vld.idx.msk [tilespmem:v2+s2+$0x0], $0xffff  }
0x2b: {  	v3 =	vld.idx.msk [tilespmem:v3+s2+$0x0], $0xffff;
	_ =	sdelay $0x3  }
0x2c: {  	s0 =	sadd.s32 $0x10, s30;
	v4 =	vand.u32 $0x1FFFF, v2  }
0x2d: {  	s1 =	sadd.s32 $0x10, s29;
	v2 =	vshra.s32 v2, $0xD;
	[tilespmem:s0+$0x0] =	vst v4;
	v4 =	vand.u32 $0x1FFFF, v3  }
0x2e: {  	v3 =	vshra.s32 v3, $0xD;
	v2 =	vand.u32 $0xFFFFFFF0, v2;
	[tilespmem:s1+$0x0] =	vst v4  }
0x2f: {  	[tilespmem:s25+$0x0] =	vst v2;
	v2 =	vand.u32 $0xFFFFFFF0, v3  }
0x30: {  	[tilespmem:s26+$0x0] =	vst v2  }
0x31: {  	[tilespmem:s11], [sflag:$0x1] =	stream.indirect.gather [hbm4b:s3+s9], $0x80, s10, s9, $0xb8;
	[tilespmem:$0x10E00] =	vst v63  }
0x32: {  	_ = 	snop  }
0x33: {  	[tilespmem:s13], [sflag:$0x1] =	stream.indirect.gather [hbm4b:s4+s9], $0x80, s12, s9, $0xb8;
	[tilespmem:$0x10E00] =	vst v63  }
0x34: {  	_ = 	snop  }
0x35: {  	[tilespmem:s15], [sflag:$0x1] =	stream.indirect.gather [hbm4b:s3+s9], $0x80, s14, s9, $0xb8;
	[tilespmem:$0x10E00] =	vst v63  }
0x36: {  	_ = 	snop  }
0x37: {  	[tilespmem:s17], [sflag:$0x1] =	stream.indirect.gather [hbm4b:s4+s9], $0x80, s16, s9, $0xb8;
	[tilespmem:$0x10E00] =	vst v63  }
0x38: {  	_ =	swait.ge [sflag:s18], $0x4000  }
0x39: {  	[sflag:s18] =	ssyncset.done $0x0  }
0x3a: {  	[sflag:s18] =	ssyncadd.s32 $0xFFFFC000  }
0x3b: {  	_ =	swait.ge [sflag:s18], $0x4000  }
0x3c: {  	[sflag:s18] =	ssyncset.done $0x0  }
0x3d: {  	[sflag:s18] =	ssyncadd.s32 $0xFFFFC000  }
0x3e: {  	_ =	swait.ge [sflag:s18], $0x4000  }
0x3f: {  	[sflag:s18] =	ssyncset.done $0x0  }
0x40: {  	[sflag:s18] =	ssyncadd.s32 $0xFFFFC000  }
0x41: {  	_ =	swait.ge [sflag:s18], $0x4000  }
0x42: {  	[sflag:s18] =	ssyncset.done $0x0  }
0x43: {  	s25 =	simm.s32 $0x400;
	[sflag:s18] =	ssyncadd.s32 $0xFFFFC000  }
0x44: {  	v3 =	vld [tilespmem:s25+$0x0];
	_ =	sdelay $0x1  }
0x45: {  	s26 =	simm.s32 $0x0  }
0x46: {  	v2 =	vmov s26  }
0x47: {  	v2 =	vshll.u32 v2, $0x7  }
0x48: {  	v2 =	vor.u32 v1, v2;
	v4 =	vadd.s32 $0xE, v3  }
0x49: {  	v5 =	vadd.s32 $0xF, v3;
	v6 =	vadd.s32 $0xB, v3;
	v7 =	vadd.s32 $0xC, v3  }
0x4a: {  	v8 =	vadd.s32 $0xD, v3;
	v9 =	vadd.s32 $0x8, v3;
	v10 =	vadd.s32 $0x9, v3  }
0x4b: {  	v11 =	vadd.s32 $0xA, v3;
	v12 =	vadd.s32 $0x5, v3;
	v13 =	vadd.s32 $0x6, v3  }
0x4c: {  	v14 =	vadd.s32 $0x7, v3;
	v15 =	vadd.s32 $0x2, v3;
	v16 =	vadd.s32 $0x3, v3  }
0x4d: {  	v17 =	vadd.s32 $0x4, v3;
	v18 =	vand.u32 $0xFFFFFF80, v3;
	v19 =	vand.u32 $0x7F, v3  }
0x4e: {  	v20 =	vadd.s32 $0x1, v3;
	v21 =	vand.u32 $0x7F, v4;
	v22 =	vand.u32 $0xFFFFFF80, v5  }
0x4f: {  	v23 =	vand.u32 $0x7F, v5;
	v24 =	vand.u32 $0xFFFFFF80, v8;
	v25 =	vand.u32 $0x7F, v8  }
0x50: {  	v26 =	vand.u32 $0xFFFFFF80, v4;
	v3 =	vand.u32 $0x7F, v6;
	v4 =	vand.u32 $0xFFFFFF80, v7  }
0x51: {  	v5 =	vand.u32 $0x7F, v7;
	v7 =	vand.u32 $0xFFFFFF80, v11;
	v8 =	vand.u32 $0x7F, v11  }
0x52: {  	v6 =	vand.u32 $0xFFFFFF80, v6;
	v11 =	vand.u32 $0x7F, v9;
	v27 =	vand.u32 $0xFFFFFF80, v10  }
0x53: {  	v10 =	vand.u32 $0x7F, v10;
	v28 =	vand.u32 $0xFFFFFF80, v14;
	v14 =	vand.u32 $0x7F, v14  }
0x54: {  	v9 =	vand.u32 $0xFFFFFF80, v9;
	v29 =	vand.u32 $0x7F, v12;
	v30 =	vand.u32 $0xFFFFFF80, v13  }
0x55: {  	v13 =	vand.u32 $0x7F, v13;
	v18 =	vadd.s32 v2, v18;
	v31 =	vand.u32 $0x7F, v17  }
0x56: {  	v12 =	vand.u32 $0xFFFFFF80, v12;
	v17 =	vand.u32 $0xFFFFFF80, v17;
	v18 =	vor.u32 v19, v18  }
0x57: {  	v4 =	vadd.s32 v2, v4;
	v19 =	vand.u32 $0x7F, v16;
	v6 =	vadd.s32 v2, v6  }
0x58: {  	v16 =	vand.u32 $0xFFFFFF80, v16;
	v27 =	vadd.s32 v2, v27;
	v4 =	vor.u32 v5, v4  }
0x59: {  	v5 =	vadd.s32 v2, v7;
	v6 =	vor.u32 v3, v6;
	v7 =	vand.u32 $0x7F, v15  }
0x5a: {  	s30 =	simm.s32 $0x600;
	v15 =	vand.u32 $0xFFFFFF80, v15;
	v16 =	vadd.s32 v2, v16;
	v8 =	vor.u32 v8, v5  }
0x5b: {  	v3 =	vld [tilespmem:s30+$0x0];
	v5 =	vadd.s32 v2, v9;
	v9 =	vor.u32 v10, v27;
	v10 =	vand.u32 $0x7F, v20  }
0x5c: {  	v27 =	vadd.s32 v2, v28;
	v20 =	vand.u32 $0xFFFFFF80, v20;
	v16 =	vor.u32 v19, v16  }
0x5d: {  	v19 =	vadd.s32 v2, v15;
	v28 =	vor.u32 v11, v5;
	v5 =	vadd.s32 v2, v30  }
0x5e: {  	v14 =	vor.u32 v14, v27;
	v11 =	vadd.s32 v2, v12;
	v20 =	vadd.s32 v2, v20;
	v18 =	vld.idx.msk [tilespmem:v18+s11+$0x0], $0xffff  }
0x5f: {  	v19 =	vor.u32 v7, v19;
	v12 =	vor.u32 v13, v5;
	v13 =	vadd.s32 v2, v17;
	v5 =	vld.idx.msk [tilespmem:v6+s11+$0x0], $0xffff  }
0x60: {  	v6 =	vadd.s32 v2, v22;
	v22 =	vadd.s32 v2, v26;
	v26 =	vand.u32 $0xFFFFFF80, v3;
	v8 =	vld.idx.msk [tilespmem:v8+s11+$0x0], $0xffff  }
0x61: {  	v17 =	vor.u32 v29, v11;
	v11 =	vld.idx.msk [tilespmem:v9+s11+$0x0], $0xffff;
	v9 =	vand.u32 $0x7F, v3;
	v26 =	vadd.s32 v2, v26  }
0x62: {  	v20 =	vor.u32 v10, v20;
	v27 =	vor.u32 v31, v13;
	v13 =	vld.idx.msk [tilespmem:v28+s11+$0x0], $0xffff;
	v9 =	vor.u32 v9, v26  }
0x63: {  	v30 =	vadd.s32 $0x3, v3;
	v15 =	vld.idx.msk [tilespmem:v14+s11+$0x0], $0xffff;
	v14 =	vadd.s32 v2, v24;
	v24 =	vadd.s32 $0x1, v3  }
0x64: {  	v37 =	vadd.s32 $0x4, v3;
	v60 =	vadd.s32 $0x5, v3;
	v19 =	vld.idx.msk [tilespmem:v19+s11+$0x0], $0xffff;
	v7 =	vand.u32 $0xFFFFFF80, v24  }
0x65: {  	v33 =	vand.u32 $0xFFFFFF80, v30;
	v26 =	vld.idx.msk [tilespmem:v12+s11+$0x0], $0xffff;
	v10 =	vand.u32 $0x7F, v24;
	v12 =	vadd.s32 v2, v7  }
0x66: {  	v30 =	vand.u32 $0x7F, v30;
	v24 =	vld.idx.msk [tilespmem:v16+s11+$0x0], $0xffff;
	v7 =	vor.u32 v21, v22;
	v22 =	vor.u32 v10, v12  }
0x67: {  	v33 =	vadd.s32 v2, v33;
	v16 =	vadd.s32 $0x2, v3;
	v10 =	vor.u32 v25, v14;
	v25 =	vld.idx.msk [tilespmem:v9+s13+$0x0], $0xffff  }
0x68: {  	v6 =	vor.u32 v23, v6;
	v30 =	vor.u32 v30, v33;
	v23 =	vld.idx.msk [tilespmem:v27+s11+$0x0], $0xffff;
	v27 =	vand.u32 $0xFFFFFF80, v16  }
0x69: {  	v17 =	vld.idx.msk [tilespmem:v17+s11+$0x0], $0xffff;
	v33 =	vand.u32 $0x7F, v60;
	v28 =	vand.u32 $0x7F, v16;
	v27 =	vadd.s32 v2, v27  }
0x6a: {  	v20 =	vld.idx.msk [tilespmem:v20+s11+$0x0], $0xffff;
	v21 =	vand.u32 $0xFFFF0000, v18;
	v18 =	vshll.u32 v18, $0x10;
	v27 =	vor.u32 v28, v27  }
0x6b: {  	v12 =	vshll.u32 v5, $0x10;
	v5 =	vand.u32 $0xFFFF0000, v5;
	v14 =	vshll.u32 v8, $0x10;
	v22 =	vld.idx.msk [tilespmem:v22+s13+$0x0], $0xffff  }
0x6c: {  	v16 =	vshll.u32 v11, $0x10;
	v28 =	vshll.u32 v15, $0x10;
	v36 =	vshll.u32 v25, $0x10  }
0x6d: {  	v29 =	vshll.u32 v13, $0x10;
	v58 =	vshll.u32 v19, $0x10;
	v18 =	vmul.f32 v36, v18  }
0x6e: {  	v19 =	vand.u32 $0xFFFF0000, v19;
	v31 =	vshll.u32 v17, $0x10;
	v25 =	vand.u32 $0xFFFF0000, v25  }
0x6f: {  	v59 =	vshll.u32 v20, $0x10;
	v27 =	vld.idx.msk [tilespmem:v27+s13+$0x0], $0xffff;
	v21 =	vmul.f32 v25, v21;
	v18 =	vadd.f32 $0.0e+00, v18  }
0x70: {  	v25 =	vand.u32 $0xFFFFFF80, v37;
	v37 =	vand.u32 $0x7F, v37;
	v38 =	vshll.u32 v22, $0x10  }
0x71: {  	v25 =	vadd.s32 v2, v25;
	v18 =	vadd.f32 v18, v21;
	v21 =	vmul.f32 v38, v59  }
0x72: {  	v20 =	vand.u32 $0xFFFF0000, v20;
	v25 =	vor.u32 v37, v25;
	v22 =	vand.u32 $0xFFFF0000, v22  }
0x73: {  	v32 =	vshll.u32 v26, $0x10;
	v30 =	vld.idx.msk [tilespmem:v30+s13+$0x0], $0xffff;
	v20 =	vmul.f32 v22, v20;
	v18 =	vadd.f32 v21, v18  }
0x74: {  	v34 =	vshll.u32 v24, $0x10;
	v22 =	vshll.u32 v27, $0x10;
	v21 =	vand.u32 $0xFFFFFF80, v60  }
0x75: {  	v21 =	vadd.s32 v2, v21;
	v18 =	vadd.f32 v18, v20;
	v20 =	vmul.f32 v22, v58  }
0x76: {  	v35 =	vshll.u32 v23, $0x10;
	v21 =	vor.u32 v33, v21;
	v22 =	vand.u32 $0xFFFF0000, v27  }
0x77: {  	v25 =	vld.idx.msk [tilespmem:v25+s13+$0x0], $0xffff;
	v27 =	vadd.s32 $0x6, v3;
	v19 =	vmul.f32 v22, v19;
	v18 =	vadd.f32 v20, v18  }
0x78: {  	v22 =	vshll.u32 v30, $0x10;
	v20 =	vand.u32 $0xFFFFFF80, v27;
	v27 =	vand.u32 $0x7F, v27  }
0x79: {  	v20 =	vadd.s32 v2, v20;
	v18 =	vadd.f32 v18, v19;
	v19 =	vmul.f32 v22, v34  }
0x7a: {  	v20 =	vor.u32 v27, v20;
	v22 =	vand.u32 $0xFFFF0000, v24;
	v24 =	vand.u32 $0xFFFF0000, v30  }
0x7b: {  	v27 =	vadd.s32 $0x7, v3;
	v21 =	vld.idx.msk [tilespmem:v21+s13+$0x0], $0xffff;
	v18 =	vadd.f32 v19, v18;
	v19 =	vmul.f32 v24, v22  }
0x7c: {  	v22 =	vand.u32 $0xFFFFFF80, v27;
	v24 =	vshll.u32 v25, $0x10;
	v27 =	vand.u32 $0x7F, v27  }
0x7d: {  	v22 =	vadd.s32 v2, v22;
	v18 =	vadd.f32 v18, v19;
	v19 =	vmul.f32 v24, v35  }
0x7e: {  	v23 =	vand.u32 $0xFFFF0000, v23;
	v22 =	vor.u32 v27, v22;
	v24 =	vand.u32 $0xFFFF0000, v25  }
0x7f: {  	v25 =	vadd.s32 $0x8, v3;
	v20 =	vld.idx.msk [tilespmem:v20+s13+$0x0], $0xffff;
	v18 =	vadd.f32 v19, v18;
	v19 =	vmul.f32 v24, v23  }
0x80: {  	v23 =	vand.u32 $0xFFFFFF80, v25;
	v24 =	vshll.u32 v21, $0x10;
	v25 =	vand.u32 $0x7F, v25  }
0x81: {  	v23 =	vadd.s32 v2, v23;
	v18 =	vadd.f32 v18, v19;
	v19 =	vmul.f32 v24, v31  }
0x82: {  	v17 =	vand.u32 $0xFFFF0000, v17;
	v21 =	vand.u32 $0xFFFF0000, v21;
	v23 =	vor.u32 v25, v23  }
0x83: {  	v17 =	vmul.f32 v21, v17;
	v24 =	vadd.s32 $0x9, v3;
	v22 =	vld.idx.msk [tilespmem:v22+s13+$0x0], $0xffff;
	v18 =	vadd.f32 v19, v18  }
0x84: {  	v19 =	vand.u32 $0xFFFFFF80, v24;
	v21 =	vshll.u32 v20, $0x10;
	v24 =	vand.u32 $0x7F, v24  }
0x85: {  	v19 =	vadd.s32 v2, v19;
	v17 =	vadd.f32 v18, v17;
	v18 =	vmul.f32 v21, v32  }
0x86: {  	v20 =	vand.u32 $0xFFFF0000, v20;
	v19 =	vor.u32 v24, v19;
	v21 =	vand.u32 $0xFFFF0000, v26  }
0x87: {  	v24 =	vadd.s32 $0xA, v3;
	v23 =	vld.idx.msk [tilespmem:v23+s13+$0x0], $0xffff;
	v17 =	vadd.f32 v18, v17;
	v18 =	vmul.f32 v20, v21  }
0x88: {  	v20 =	vand.u32 $0xFFFFFF80, v24;
	v21 =	vshll.u32 v22, $0x10;
	v24 =	vand.u32 $0x7F, v24  }
0x89: {  	v20 =	vadd.s32 v2, v20;
	v17 =	vadd.f32 v17, v18;
	v18 =	vmul.f32 v21, v28  }
0x8a: {  	v15 =	vand.u32 $0xFFFF0000, v15;
	v20 =	vor.u32 v24, v20;
	v21 =	vand.u32 $0xFFFF0000, v22  }
0x8b: {  	v22 =	vadd.s32 $0xB, v3;
	v19 =	vld.idx.msk [tilespmem:v19+s13+$0x0], $0xffff;
	v15 =	vmul.f32 v21, v15;
	v17 =	vadd.f32 v18, v17  }
0x8c: {  	v18 =	vand.u32 $0xFFFFFF80, v22;
	v21 =	vshll.u32 v23, $0x10;
	v22 =	vand.u32 $0x7F, v22  }
0x8d: {  	v18 =	vadd.s32 v2, v18;
	v15 =	vadd.f32 v17, v15;
	v17 =	vmul.f32 v21, v29  }
0x8e: {  	v13 =	vand.u32 $0xFFFF0000, v13;
	v18 =	vor.u32 v22, v18;
	v21 =	vand.u32 $0xFFFF0000, v23  }
0x8f: {  	v22 =	vadd.s32 $0xC, v3;
	v20 =	vld.idx.msk [tilespmem:v20+s13+$0x0], $0xffff;
	v13 =	vmul.f32 v21, v13;
	v15 =	vadd.f32 v17, v15  }
0x90: {  	v17 =	vand.u32 $0xFFFFFF80, v22;
	v21 =	vshll.u32 v19, $0x10;
	v22 =	vand.u32 $0x7F, v22  }
0x91: {  	v17 =	vadd.s32 v2, v17;
	v13 =	vadd.f32 v15, v13;
	v15 =	vmul.f32 v21, v16  }
0x92: {  	v11 =	vand.u32 $0xFFFF0000, v11;
	v16 =	vor.u32 v22, v17;
	v17 =	vand.u32 $0xFFFF0000, v19  }
0x93: {  	v19 =	vadd.s32 $0xD, v3;
	v18 =	vld.idx.msk [tilespmem:v18+s13+$0x0], $0xffff;
	v11 =	vmul.f32 v17, v11;
	v13 =	vadd.f32 v15, v13  }
0x94: {  	v15 =	vand.u32 $0xFFFFFF80, v19;
	v17 =	vshll.u32 v20, $0x10;
	v19 =	vand.u32 $0x7F, v19  }
0x95: {  	v4 =	vld.idx.msk [tilespmem:v4+s11+$0x0], $0xffff;
	v15 =	vadd.s32 v2, v15;
	v11 =	vadd.f32 v13, v11;
	v13 =	vmul.f32 v17, v14  }
0x96: {  	v8 =	vand.u32 $0xFFFF0000, v8;
	v14 =	vor.u32 v19, v15;
	v15 =	vand.u32 $0xFFFF0000, v20  }
0x97: {  	v17 =	vadd.s32 $0xE, v3;
	v16 =	vld.idx.msk [tilespmem:v16+s13+$0x0], $0xffff;
	v8 =	vmul.f32 v15, v8;
	v11 =	vadd.f32 v13, v11  }
0x98: {  	v13 =	vand.u32 $0xFFFFFF80, v17;
	v15 =	vshll.u32 v18, $0x10;
	v17 =	vand.u32 $0x7F, v17  }
0x99: {  	v13 =	vadd.s32 v2, v13;
	v8 =	vadd.f32 v11, v8;
	v11 =	vmul.f32 v15, v12  }
0x9a: {  	v9 =	vshll.u32 v4, $0x10;
	v10 =	vld.idx.msk [tilespmem:v10+s11+$0x0], $0xffff;
	v12 =	vor.u32 v17, v13;
	v13 =	vand.u32 $0xFFFF0000, v18  }
0x9b: {  	v3 =	vadd.s32 $0xF, v3;
	v14 =	vld.idx.msk [tilespmem:v14+s13+$0x0], $0xffff;
	v5 =	vmul.f32 v13, v5;
	v8 =	vadd.f32 v11, v8  }
0x9c: {  	v11 =	vand.u32 $0xFFFFFF80, v3;
	v13 =	vshll.u32 v16, $0x10;
	v3 =	vand.u32 $0x7F, v3  }
0x9d: {  	v2 =	vadd.s32 v2, v11;
	v5 =	vadd.f32 v8, v5;
	v8 =	vmul.f32 v13, v9  }
0x9e: {  	v7 =	vld.idx.msk [tilespmem:v7+s11+$0x0], $0xffff;
	v2 =	vor.u32 v3, v2;
	v3 =	vand.u32 $0xFFFF0000, v4;
	v4 =	vand.u32 $0xFFFF0000, v16  }
0x9f: {  	v9 =	vld.idx.msk [tilespmem:v12+s13+$0x0], $0xffff;
	v3 =	vmul.f32 v4, v3;
	v5 =	vadd.f32 v8, v5  }
0xa0: {  	v4 =	vshll.u32 v10, $0x10;
	v8 =	vshll.u32 v14, $0x10  }
0xa1: {  	v4 =	vmul.f32 v8, v4;
	v3 =	vadd.f32 v5, v3  }
0xa2: {  	v8 =	vand.u32 $0xFFFF0000, v14;
	v5 =	vld.idx.msk [tilespmem:v6+s11+$0x0], $0xffff;
	v6 =	vand.u32 $0xFFFF0000, v10  }
0xa3: {  	v2 =	vld.idx.msk [tilespmem:v2+s13+$0x0], $0xffff;
	v3 =	vadd.f32 v4, v3;
	v4 =	vmul.f32 v8, v6  }
0xa4: {  	v6 =	vshll.u32 v7, $0x10;
	v8 =	vshll.u32 v9, $0x10  }
0xa5: {  	v3 =	vadd.f32 v3, v4;
	v4 =	vmul.f32 v8, v6  }
0xa6: {  	v6 =	vand.u32 $0xFFFF0000, v7;
	v7 =	vand.u32 $0xFFFF0000, v9  }
0xa7: {  	v3 =	vadd.f32 v4, v3;
	v4 =	vmul.f32 v7, v6  }
0xa8: {  	v6 =	vshll.u32 v5, $0x10;
	v7 =	vshll.u32 v2, $0x10  }
0xa9: {  	v3 =	vadd.f32 v3, v4;
	v4 =	vmul.f32 v7, v6  }
0xaa: {  	v5 =	vand.u32 $0xFFFF0000, v5;
	v2 =	vand.u32 $0xFFFF0000, v2  }
0xab: {  	v2 =	vmul.f32 v2, v5;
	v3 =	vadd.f32 v4, v3;
	_ =	sdelay $0x1  }
0xac: {  	v2 =	vadd.f32 v3, v2  }
0xad: {  	s25 =	simm.s32 $0x10C00  }
0xae: {  	s26 =	simm.s32 $0x410;
	[tilespmem:s25+$0x0] =	vst v2  }
0xaf: {  	v3 =	vld [tilespmem:s26+$0x0];
	_ =	sdelay $0x1  }
0xb0: {  	s31 =	simm.s32 $0x10  }
0xb1: {  	v2 =	vmov s31  }
0xb2: {  	v2 =	vshll.u32 v2, $0x7  }
0xb3: {  	v2 =	vor.u32 v1, v2;
	v5 =	vadd.s32 $0xE, v3;
	v6 =	vadd.s32 $0xF, v3  }
0xb4: {  	v12 =	vadd.s32 $0xB, v3;
	v13 =	vadd.s32 $0xC, v3;
	v9 =	vadd.s32 $0xD, v3  }
0xb5: {  	v14 =	vadd.s32 $0x8, v3;
	v15 =	vadd.s32 $0x9, v3;
	v16 =	vadd.s32 $0xA, v3  }
0xb6: {  	v18 =	vadd.s32 $0x5, v3;
	v17 =	vadd.s32 $0x6, v3;
	v20 =	vadd.s32 $0x7, v3  }
0xb7: {  	v21 =	vadd.s32 $0x2, v3;
	v24 =	vadd.s32 $0x3, v3;
	v25 =	vadd.s32 $0x4, v3  }
0xb8: {  	v23 =	vand.u32 $0xFFFFFF80, v3;
	v26 =	vand.u32 $0x7F, v3;
	v4 =	vadd.s32 $0x1, v3  }
0xb9: {  	v7 =	vand.u32 $0x7F, v5;
	v8 =	vand.u32 $0xFFFFFF80, v6;
	v6 =	vand.u32 $0x7F, v6  }
0xba: {  	v10 =	vand.u32 $0xFFFFFF80, v9;
	v9 =	vand.u32 $0x7F, v9;
	v11 =	vand.u32 $0xFFFFFF80, v5  }
0xbb: {  	v3 =	vand.u32 $0x7F, v12;
	v27 =	vand.u32 $0xFFFFFF80, v13;
	v29 =	vand.u32 $0x7F, v13  }
0xbc: {  	v30 =	vand.u32 $0xFFFFFF80, v16;
	v31 =	vand.u32 $0x7F, v16;
	v12 =	vand.u32 $0xFFFFFF80, v12  }
0xbd: {  	v5 =	vand.u32 $0x7F, v14;
	v61 =	vand.u32 $0xFFFFFF80, v15;
	v62 =	vand.u32 $0x7F, v15  }
0xbe: {  	v19 =	vand.u32 $0xFFFFFF80, v20;
	v16 =	vand.u32 $0x7F, v20;
	v63 =	vand.u32 $0xFFFFFF80, v14  }
0xbf: {  	v14 =	vand.u32 $0x7F, v18;
	v22 =	vand.u32 $0xFFFFFF80, v17;
	v17 =	vand.u32 $0x7F, v17  }
0xc0: {  	v15 =	vadd.s32 v2, v23;
	v13 =	vand.u32 $0x7F, v25;
	v23 =	vand.u32 $0xFFFFFF80, v18  }
0xc1: {  	v18 =	vand.u32 $0xFFFFFF80, v25;
	v28 =	vor.u32 v26, v15;
	v20 =	vadd.s32 v2, v27  }
0xc2: {  	v15 =	vand.u32 $0x7F, v24;
	v12 =	vadd.s32 v2, v12;
	v26 =	vor.u32 v29, v20  }
0xc3: {  	v20 =	vand.u32 $0xFFFFFF80, v24;
	v24 =	vadd.s32 v2, v30;
	v27 =	vor.u32 v3, v12  }
0xc4: {  	s28 =	simm.s32 $0x610;
	v25 =	vadd.s32 v2, v61;
	v12 =	vand.u32 $0x7F, v21;
	v24 =	vor.u32 v31, v24  }
0xc5: {  	s29 =	simm.s32 $0x20;
	v3 =	vld [tilespmem:s28+$0x0];
	v21 =	vand.u32 $0xFFFFFF80, v21;
	v29 =	vadd.s32 v2, v63;
	v25 =	vor.u32 v62, v25  }
.LBB2_4:
0xc6: {  	p0 =	sne.s32 s29, $0xF0;
	v28 =	vld.idx.msk [tilespmem:v28+s11+$0x0], $0xffff;
	v30 =	vand.u32 $0x7F, v4;
	v19 =	vadd.s32 v2, v19;
	v29 =	vor.u32 v5, v29  }
0xc7: {  	v31 =	vand.u32 $0xFFFFFF80, v4;
	v5 =	vadd.s32 v2, v22;
	v16 =	vor.u32 v16, v19;
	v4 =	vld.idx.msk [tilespmem:v26+s11+$0x0], $0xffff  }
0xc8: {  	v22 =	vadd.s32 v2, v8;
	v19 =	vadd.s32 v2, v23;
	v17 =	vor.u32 v17, v5;
	v5 =	vld.idx.msk [tilespmem:v27+s11+$0x0], $0xffff  }
0xc9: {  	v18 =	vadd.s32 v2, v18;
	v14 =	vor.u32 v14, v19;
	v19 =	vadd.s32 v2, v11;
	v8 =	vld.idx.msk [tilespmem:v24+s11+$0x0], $0xffff  }
0xca: {  	v20 =	vadd.s32 v2, v20;
	v18 =	vor.u32 v13, v18;
	v23 =	vand.u32 $0xFFFFFF80, v3;
	v11 =	vld.idx.msk [tilespmem:v25+s11+$0x0], $0xffff  }
0xcb: {  	v24 =	vand.u32 $0x7F, v3;
	v25 =	vor.u32 v15, v20;
	v23 =	vadd.s32 v2, v23;
	v13 =	vld.idx.msk [tilespmem:v29+s11+$0x0], $0xffff  }
0xcc: {  	v10 =	vadd.s32 v2, v10;
	v20 =	vadd.s32 v2, v21;
	v23 =	vor.u32 v24, v23;
	v15 =	vld.idx.msk [tilespmem:v16+s11+$0x0], $0xffff  }
0xcd: {  	v21 =	vadd.s32 $0x1, v3;
	v12 =	vor.u32 v12, v20;
	v16 =	vadd.s32 v2, v31;
	v17 =	vld.idx.msk [tilespmem:v17+s11+$0x0], $0xffff  }
0xce: {  	v6 =	vor.u32 v6, v22;
	v24 =	vand.u32 $0xFFFFFF80, v21;
	v16 =	vor.u32 v30, v16;
	v20 =	vld.idx.msk [tilespmem:v14+s11+$0x0], $0xffff  }
0xcf: {  	v7 =	vor.u32 v7, v19;
	v14 =	vand.u32 $0x7F, v21;
	v21 =	vadd.s32 v2, v24;
	v22 =	vld.idx.msk [tilespmem:v18+s11+$0x0], $0xffff  }
0xd0: {  	v10 =	vor.u32 v9, v10;
	v24 =	vand.u32 $0xFFFF0000, v28;
	v21 =	vor.u32 v14, v21;
	v25 =	vld.idx.msk [tilespmem:v25+s11+$0x0], $0xffff  }
0xd1: {  	v26 =	vshll.u32 v28, $0x10;
	v9 =	vshll.u32 v4, $0x10;
	v18 =	vadd.s32 $0x2, v3;
	v23 =	vld.idx.msk [tilespmem:v23+s13+$0x0], $0xffff  }
0xd2: {  	v14 =	vshll.u32 v8, $0x10;
	v19 =	vand.u32 $0xFFFFFF80, v18;
	v27 =	vld.idx.msk [tilespmem:v12+s11+$0x0], $0xffff;
	v12 =	vshll.u32 v5, $0x10  }
0xd3: {  	v18 =	vand.u32 $0x7F, v18;
	v19 =	vadd.s32 v2, v19;
	v28 =	vld.idx.msk [tilespmem:v16+s11+$0x0], $0xffff;
	v16 =	vshll.u32 v11, $0x10  }
0xd4: {  	v29 =	vor.u32 v18, v19;
	v19 =	vshll.u32 v15, $0x10;
	v18 =	vshll.u32 v13, $0x10  }
0xd5: {  	v30 =	vadd.s32 $0x3, v3;
	v32 =	vshll.u32 v17, $0x10;
	v31 =	vshll.u32 v20, $0x10;
	v21 =	vld.idx.msk [tilespmem:v21+s13+$0x0], $0xffff  }
0xd6: {  	v33 =	vand.u32 $0xFFFFFF80, v30;
	v35 =	vshll.u32 v22, $0x10;
	v34 =	vshll.u32 v25, $0x10  }
0xd7: {  	v30 =	vand.u32 $0x7F, v30;
	v33 =	vadd.s32 v2, v33;
	v36 =	vshll.u32 v23, $0x10  }
0xd8: {  	v30 =	vor.u32 v30, v33;
	v26 =	vmul.f32 v36, v26;
	v36 =	vshll.u32 v27, $0x10  }
0xd9: {  	v37 =	vadd.s32 $0x4, v3;
	v23 =	vand.u32 $0xFFFF0000, v23;
	v33 =	vshll.u32 v28, $0x10;
	v29 =	vld.idx.msk [tilespmem:v29+s13+$0x0], $0xffff  }
0xda: {  	v23 =	vmul.f32 v23, v24;
	v24 =	vand.u32 $0xFFFFFF80, v37;
	v26 =	vadd.f32 $0.0e+00, v26  }
0xdb: {  	v37 =	vand.u32 $0x7F, v37;
	v24 =	vadd.s32 v2, v24;
	v38 =	vshll.u32 v21, $0x10  }
0xdc: {  	v24 =	vor.u32 v37, v24;
	v23 =	vadd.f32 v26, v23;
	v26 =	vmul.f32 v38, v33  }
0xdd: {  	v28 =	vand.u32 $0xFFFF0000, v28;
	v21 =	vand.u32 $0xFFFF0000, v21;
	v33 =	vadd.s32 $0x5, v3;
	v30 =	vld.idx.msk [tilespmem:v30+s13+$0x0], $0xffff  }
0xde: {  	v21 =	vmul.f32 v21, v28;
	v23 =	vadd.f32 v26, v23;
	v26 =	vand.u32 $0xFFFFFF80, v33  }
0xdf: {  	v33 =	vand.u32 $0x7F, v33;
	v28 =	vshll.u32 v29, $0x10;
	v26 =	vadd.s32 v2, v26  }
0xe0: {  	v21 =	vadd.f32 v23, v21;
	v23 =	vmul.f32 v28, v36;
	v26 =	vor.u32 v33, v26  }
0xe1: {  	v27 =	vand.u32 $0xFFFF0000, v27;
	v28 =	vand.u32 $0xFFFF0000, v29;
	v29 =	vadd.s32 $0x6, v3;
	v24 =	vld.idx.msk [tilespmem:v24+s13+$0x0], $0xffff  }
0xe2: {  	v21 =	vadd.f32 v23, v21;
	v23 =	vmul.f32 v28, v27;
	v27 =	vand.u32 $0xFFFFFF80, v29  }
0xe3: {  	v29 =	vand.u32 $0x7F, v29;
	v28 =	vshll.u32 v30, $0x10;
	v27 =	vadd.s32 v2, v27  }
0xe4: {  	v21 =	vadd.f32 v21, v23;
	v23 =	vmul.f32 v28, v34;
	v27 =	vor.u32 v29, v27  }
0xe5: {  	v25 =	vand.u32 $0xFFFF0000, v25;
	v28 =	vand.u32 $0xFFFF0000, v30;
	v29 =	vadd.s32 $0x7, v3;
	v26 =	vld.idx.msk [tilespmem:v26+s13+$0x0], $0xffff  }
0xe6: {  	v21 =	vadd.f32 v23, v21;
	v23 =	vmul.f32 v28, v25;
	v25 =	vand.u32 $0xFFFFFF80, v29  }
0xe7: {  	v29 =	vand.u32 $0x7F, v29;
	v28 =	vshll.u32 v24, $0x10;
	v25 =	vadd.s32 v2, v25  }
0xe8: {  	v21 =	vadd.f32 v21, v23;
	v23 =	vmul.f32 v28, v35;
	v25 =	vor.u32 v29, v25  }
0xe9: {  	v22 =	vand.u32 $0xFFFF0000, v22;
	v24 =	vand.u32 $0xFFFF0000, v24;
	v28 =	vadd.s32 $0x8, v3;
	v27 =	vld.idx.msk [tilespmem:v27+s13+$0x0], $0xffff  }
0xea: {  	v22 =	vmul.f32 v24, v22;
	v21 =	vadd.f32 v23, v21;
	v23 =	vand.u32 $0xFFFFFF80, v28  }
0xeb: {  	v28 =	vand.u32 $0x7F, v28;
	v24 =	vshll.u32 v26, $0x10;
	v23 =	vadd.s32 v2, v23  }
0xec: {  	v21 =	vadd.f32 v21, v22;
	v22 =	vmul.f32 v24, v31;
	v23 =	vor.u32 v28, v23  }
0xed: {  	v20 =	vand.u32 $0xFFFF0000, v20;
	v24 =	vand.u32 $0xFFFF0000, v26;
	v26 =	vadd.s32 $0x9, v3;
	v25 =	vld.idx.msk [tilespmem:v25+s13+$0x0], $0xffff  }
0xee: {  	v20 =	vmul.f32 v24, v20;
	v21 =	vadd.f32 v22, v21;
	v22 =	vand.u32 $0xFFFFFF80, v26  }
0xef: {  	v26 =	vand.u32 $0x7F, v26;
	v24 =	vshll.u32 v27, $0x10;
	v22 =	vadd.s32 v2, v22  }
0xf0: {  	v20 =	vadd.f32 v21, v20;
	v21 =	vmul.f32 v24, v32;
	v22 =	vor.u32 v26, v22  }
0xf1: {  	v17 =	vand.u32 $0xFFFF0000, v17;
	v24 =	vand.u32 $0xFFFF0000, v27;
	v26 =	vadd.s32 $0xA, v3;
	v23 =	vld.idx.msk [tilespmem:v23+s13+$0x0], $0xffff  }
0xf2: {  	v17 =	vmul.f32 v24, v17;
	v20 =	vadd.f32 v21, v20;
	v21 =	vand.u32 $0xFFFFFF80, v26  }
0xf3: {  	v26 =	vand.u32 $0x7F, v26;
	v24 =	vshll.u32 v25, $0x10;
	v21 =	vadd.s32 v2, v21  }
0xf4: {  	v17 =	vadd.f32 v20, v17;
	v19 =	vmul.f32 v24, v19;
	v20 =	vor.u32 v26, v21  }
0xf5: {  	v15 =	vand.u32 $0xFFFF0000, v15;
	v21 =	vand.u32 $0xFFFF0000, v25;
	v24 =	vadd.s32 $0xB, v3;
	v22 =	vld.idx.msk [tilespmem:v22+s13+$0x0], $0xffff  }
0xf6: {  	v15 =	vmul.f32 v21, v15;
	v17 =	vadd.f32 v19, v17;
	v19 =	vand.u32 $0xFFFFFF80, v24  }
0xf7: {  	v24 =	vand.u32 $0x7F, v24;
	v21 =	vshll.u32 v23, $0x10;
	v19 =	vadd.s32 v2, v19  }
0xf8: {  	v15 =	vadd.f32 v17, v15;
	v17 =	vmul.f32 v21, v18;
	v18 =	vor.u32 v24, v19  }
0xf9: {  	v13 =	vand.u32 $0xFFFF0000, v13;
	v19 =	vand.u32 $0xFFFF0000, v23;
	v21 =	vadd.s32 $0xC, v3;
	v20 =	vld.idx.msk [tilespmem:v20+s13+$0x0], $0xffff  }
0xfa: {  	v13 =	vmul.f32 v19, v13;
	v15 =	vadd.f32 v17, v15;
	v17 =	vand.u32 $0xFFFFFF80, v21  }
0xfb: {  	v21 =	vand.u32 $0x7F, v21;
	v19 =	vshll.u32 v22, $0x10;
	v17 =	vadd.s32 v2, v17  }
0xfc: {  	v13 =	vadd.f32 v15, v13;
	v15 =	vmul.f32 v19, v16;
	v16 =	vor.u32 v21, v17  }
0xfd: {  	v11 =	vand.u32 $0xFFFF0000, v11;
	v17 =	vand.u32 $0xFFFF0000, v22;
	v19 =	vadd.s32 $0xD, v3;
	v18 =	vld.idx.msk [tilespmem:v18+s13+$0x0], $0xffff  }
0xfe: {  	v11 =	vmul.f32 v17, v11;
	v13 =	vadd.f32 v15, v13;
	v15 =	vand.u32 $0xFFFFFF80, v19  }
0xff: {  	v19 =	vand.u32 $0x7F, v19;
	v17 =	vshll.u32 v20, $0x10;
	v15 =	vadd.s32 v2, v15  }
0x100: {  	v11 =	vadd.f32 v13, v11;
	v13 =	vmul.f32 v17, v14;
	v14 =	vor.u32 v19, v15  }
0x101: {  	v8 =	vand.u32 $0xFFFF0000, v8;
	v15 =	vand.u32 $0xFFFF0000, v20;
	v17 =	vadd.s32 $0xE, v3;
	v16 =	vld.idx.msk [tilespmem:v16+s13+$0x0], $0xffff  }
0x102: {  	v8 =	vmul.f32 v15, v8;
	v11 =	vadd.f32 v13, v11;
	v13 =	vand.u32 $0xFFFFFF80, v17  }
0x103: {  	v17 =	vand.u32 $0x7F, v17;
	v15 =	vshll.u32 v18, $0x10;
	v13 =	vadd.s32 v2, v13  }
0x104: {  	v8 =	vadd.f32 v11, v8;
	v11 =	vmul.f32 v15, v12;
	v12 =	vor.u32 v17, v13;
	v10 =	vld.idx.msk [tilespmem:v10+s11+$0x0], $0xffff  }
0x105: {  	v5 =	vand.u32 $0xFFFF0000, v5;
	v3 =	vadd.s32 $0xF, v3;
	v13 =	vand.u32 $0xFFFF0000, v18;
	v14 =	vld.idx.msk [tilespmem:v14+s13+$0x0], $0xffff  }
0x106: {  	v5 =	vmul.f32 v13, v5;
	v8 =	vadd.f32 v11, v8;
	v11 =	vand.u32 $0xFFFFFF80, v3  }
0x107: {  	v3 =	vand.u32 $0x7F, v3;
	v13 =	vshll.u32 v16, $0x10;
	v2 =	vadd.s32 v2, v11  }
0x108: {  	v5 =	vadd.f32 v8, v5;
	v8 =	vmul.f32 v13, v9;
	v2 =	vor.u32 v3, v2;
	v7 =	vld.idx.msk [tilespmem:v7+s11+$0x0], $0xffff  }
0x109: {  	v3 =	vand.u32 $0xFFFF0000, v4;
	v4 =	vand.u32 $0xFFFF0000, v16;
	v9 =	vld.idx.msk [tilespmem:v12+s13+$0x0], $0xffff  }
0x10a: {  	v3 =	vmul.f32 v4, v3;
	v5 =	vadd.f32 v8, v5  }
0x10b: {  	v4 =	vshll.u32 v10, $0x10;
	v8 =	vshll.u32 v14, $0x10  }
0x10c: {  	v3 =	vadd.f32 v5, v3;
	v4 =	vmul.f32 v8, v4;
	v5 =	vld.idx.msk [tilespmem:v6+s11+$0x0], $0xffff  }
0x10d: {  	v8 =	vand.u32 $0xFFFF0000, v14;
	v6 =	vand.u32 $0xFFFF0000, v10;
	v2 =	vld.idx.msk [tilespmem:v2+s13+$0x0], $0xffff  }
0x10e: {  	v3 =	vadd.f32 v4, v3;
	v4 =	vmul.f32 v8, v6  }
0x10f: {  	v6 =	vshll.u32 v7, $0x10;
	v8 =	vshll.u32 v9, $0x10  }
0x110: {  	v3 =	vadd.f32 v3, v4;
	v4 =	vmul.f32 v8, v6  }
0x111: {  	v6 =	vand.u32 $0xFFFF0000, v7;
	v7 =	vand.u32 $0xFFFF0000, v9  }
0x112: {  	v3 =	vadd.f32 v4, v3;
	v4 =	vmul.f32 v7, v6  }
0x113: {  	v6 =	vshll.u32 v5, $0x10;
	v7 =	vshll.u32 v2, $0x10  }
0x114: {  	v3 =	vadd.f32 v3, v4;
	v4 =	vmul.f32 v7, v6  }
0x115: {  	v5 =	vand.u32 $0xFFFF0000, v5;
	v2 =	vand.u32 $0xFFFF0000, v2  }
0x116: {  	v2 =	vmul.f32 v2, v5;
	v3 =	vadd.f32 v4, v3;
	_ =	sdelay $0x1  }
0x117: {  	v2 =	vadd.f32 v3, v2  }
0x118: {  	s25 =	sadd.s32 $0x10, s25  }
0x119: {  	s26 =	sadd.s32 $0x10, s26;
	[tilespmem:s25+$0x0] =	vst v2  }
0x11a: {  	v3 =	vld [tilespmem:s26+$0x0];
	_ =	sdelay $0x2  }
0x11b: {  	v2 =	vmov s29  }
0x11c: {  	v2 =	vshll.u32 v2, $0x7  }
0x11d: {  	v2 =	vor.u32 v1, v2;
	v5 =	vadd.s32 $0xE, v3;
	v6 =	vadd.s32 $0xF, v3  }
0x11e: {  	v12 =	vadd.s32 $0xB, v3;
	v13 =	vadd.s32 $0xC, v3;
	v9 =	vadd.s32 $0xD, v3  }
0x11f: {  	v14 =	vadd.s32 $0x8, v3;
	v15 =	vadd.s32 $0x9, v3;
	v16 =	vadd.s32 $0xA, v3  }
0x120: {  	v18 =	vadd.s32 $0x5, v3;
	v17 =	vadd.s32 $0x6, v3;
	v20 =	vadd.s32 $0x7, v3  }
0x121: {  	v21 =	vadd.s32 $0x2, v3;
	v24 =	vadd.s32 $0x3, v3;
	v25 =	vadd.s32 $0x4, v3  }
0x122: {  	v23 =	vand.u32 $0xFFFFFF80, v3;
	v26 =	vand.u32 $0x7F, v3;
	v4 =	vadd.s32 $0x1, v3  }
0x123: {  	v7 =	vand.u32 $0x7F, v5;
	v8 =	vand.u32 $0xFFFFFF80, v6;
	v6 =	vand.u32 $0x7F, v6  }
0x124: {  	v10 =	vand.u32 $0xFFFFFF80, v9;
	v9 =	vand.u32 $0x7F, v9;
	v11 =	vand.u32 $0xFFFFFF80, v5  }
0x125: {  	v3 =	vand.u32 $0x7F, v12;
	v27 =	vand.u32 $0xFFFFFF80, v13;
	v29 =	vand.u32 $0x7F, v13  }
0x126: {  	v30 =	vand.u32 $0xFFFFFF80, v16;
	v31 =	vand.u32 $0x7F, v16;
	v12 =	vand.u32 $0xFFFFFF80, v12  }
0x127: {  	v5 =	vand.u32 $0x7F, v14;
	v32 =	vand.u32 $0xFFFFFF80, v15;
	v33 =	vand.u32 $0x7F, v15  }
0x128: {  	v19 =	vand.u32 $0xFFFFFF80, v20;
	v16 =	vand.u32 $0x7F, v20;
	v34 =	vand.u32 $0xFFFFFF80, v14  }
0x129: {  	v14 =	vand.u32 $0x7F, v18;
	v22 =	vand.u32 $0xFFFFFF80, v17;
	v17 =	vand.u32 $0x7F, v17  }
0x12a: {  	v15 =	vadd.s32 v2, v23;
	v13 =	vand.u32 $0x7F, v25;
	v23 =	vand.u32 $0xFFFFFF80, v18  }
.Ltmp1:
0x12b: {  	v18 =	vand.u32 $0xFFFFFF80, v25;
	v28 =	vor.u32 v26, v15;
	v20 =	vadd.s32 v2, v27;
	(pc) =	sbr.rel @p0 .LBB2_4-.Ltmp1, $4  }
0x12c: {  	v15 =	vand.u32 $0x7F, v24;
	v12 =	vadd.s32 v2, v12;
	v26 =	vor.u32 v29, v20  }
0x12d: {  	v20 =	vand.u32 $0xFFFFFF80, v24;
	v24 =	vadd.s32 v2, v30;
	v27 =	vor.u32 v3, v12  }
0x12e: {  	s28 =	sadd.s32 $0x10, s28;
	v25 =	vadd.s32 v2, v32;
	v12 =	vand.u32 $0x7F, v21;
	v24 =	vor.u32 v31, v24  }
0x12f: {  	s29 =	sadd.s32 $0x10, s29;
	v21 =	vand.u32 $0xFFFFFF80, v21;
	v29 =	vadd.s32 v2, v34;
	v25 =	vor.u32 v33, v25;
	v3 =	vld [tilespmem:s28+$0x0]  }
0x130: {  	_ =	sdelay $0x1  }
0x131: {  	v30 =	vand.u32 $0x7F, v4;
	v19 =	vadd.s32 v2, v19  }
0x132: {  	v29 =	vor.u32 v5, v29;
	v31 =	vand.u32 $0xFFFFFF80, v4;
	v5 =	vadd.s32 v2, v22  }
0x133: {  	v28 =	vld.idx.msk [tilespmem:v28+s11+$0x0], $0xffff;
	v22 =	vadd.s32 v2, v8;
	v18 =	vadd.s32 v2, v18;
	v20 =	vadd.s32 v2, v20  }
0x134: {  	v4 =	vld.idx.msk [tilespmem:v26+s11+$0x0], $0xffff;
	v21 =	vadd.s32 v2, v21;
	v10 =	vadd.s32 v2, v10;
	v16 =	vor.u32 v16, v19  }
0x135: {  	v8 =	vld.idx.msk [tilespmem:v24+s11+$0x0], $0xffff;
	v19 =	vadd.s32 v2, v23;
	v17 =	vor.u32 v17, v5;
	v18 =	vor.u32 v13, v18  }
0x136: {  	v5 =	vld.idx.msk [tilespmem:v27+s11+$0x0], $0xffff;
	v20 =	vor.u32 v15, v20;
	v14 =	vor.u32 v14, v19;
	v23 =	vand.u32 $0xFFFFFF80, v3  }
0x137: {  	v19 =	vadd.s32 v2, v11;
	v11 =	vld.idx.msk [tilespmem:v25+s11+$0x0], $0xffff;
	v24 =	vand.u32 $0x7F, v3;
	v23 =	vadd.s32 v2, v23  }
0x138: {  	v12 =	vor.u32 v12, v21;
	v6 =	vor.u32 v6, v22;
	v13 =	vld.idx.msk [tilespmem:v29+s11+$0x0], $0xffff;
	v23 =	vor.u32 v24, v23  }
0x139: {  	v10 =	vor.u32 v9, v10;
	v7 =	vor.u32 v7, v19;
	v15 =	vld.idx.msk [tilespmem:v16+s11+$0x0], $0xffff;
	v24 =	vadd.s32 $0x1, v3  }
0x13a: {  	v37 =	vadd.s32 $0x4, v3;
	v16 =	vadd.s32 v2, v31;
	v17 =	vld.idx.msk [tilespmem:v17+s11+$0x0], $0xffff;
	v21 =	vand.u32 $0xFFFFFF80, v24  }
0x13b: {  	v16 =	vor.u32 v30, v16;
	v25 =	vld.idx.msk [tilespmem:v14+s11+$0x0], $0xffff;
	v14 =	vand.u32 $0x7F, v24;
	v21 =	vadd.s32 v2, v21  }
0x13c: {  	v50 =	vadd.s32 $0x5, v3;
	v19 =	vand.u32 $0xFFFF0000, v28;
	v18 =	vld.idx.msk [tilespmem:v18+s11+$0x0], $0xffff;
	v21 =	vor.u32 v14, v21  }
0x13d: {  	v22 =	vshll.u32 v28, $0x10;
	v9 =	vshll.u32 v4, $0x10;
	v24 =	vadd.s32 $0x2, v3;
	v23 =	vld.idx.msk [tilespmem:v23+s13+$0x0], $0xffff  }
0x13e: {  	v27 =	vld.idx.msk [tilespmem:v12+s11+$0x0], $0xffff;
	v12 =	vshll.u32 v5, $0x10;
	v30 =	vadd.s32 $0x3, v3;
	v26 =	vand.u32 $0xFFFFFF80, v24  }
0x13f: {  	v20 =	vld.idx.msk [tilespmem:v20+s11+$0x0], $0xffff;
	v24 =	vand.u32 $0x7F, v24;
	v33 =	vand.u32 $0xFFFFFF80, v30;
	v26 =	vadd.s32 v2, v26  }
0x140: {  	v30 =	vand.u32 $0x7F, v30;
	v33 =	vadd.s32 v2, v33;
	v24 =	vor.u32 v24, v26;
	v28 =	vld.idx.msk [tilespmem:v16+s11+$0x0], $0xffff  }
0x141: {  	v14 =	vshll.u32 v8, $0x10;
	v29 =	vshll.u32 v13, $0x10;
	v30 =	vor.u32 v30, v33;
	v21 =	vld.idx.msk [tilespmem:v21+s13+$0x0], $0xffff  }
0x142: {  	v33 =	vand.u32 $0x7F, v50;
	v13 =	vand.u32 $0xFFFF0000, v13;
	v36 =	vshll.u32 v23, $0x10  }
0x143: {  	v26 =	vshll.u32 v15, $0x10;
	v32 =	vshll.u32 v17, $0x10;
	v22 =	vmul.f32 v36, v22  }
0x144: {  	v34 =	vshll.u32 v20, $0x10;
	v35 =	vshll.u32 v18, $0x10;
	v23 =	vand.u32 $0xFFFF0000, v23  }
0x145: {  	v24 =	vld.idx.msk [tilespmem:v24+s13+$0x0], $0xffff;
	v49 =	vshll.u32 v28, $0x10;
	v19 =	vmul.f32 v23, v19;
	v22 =	vadd.f32 $0.0e+00, v22  }
0x146: {  	v23 =	vand.u32 $0xFFFFFF80, v37;
	v37 =	vand.u32 $0x7F, v37;
	v38 =	vshll.u32 v21, $0x10  }
0x147: {  	v23 =	vadd.s32 v2, v23;
	v19 =	vadd.f32 v22, v19;
	v22 =	vmul.f32 v38, v49  }
0x148: {  	v28 =	vand.u32 $0xFFFF0000, v28;
	v23 =	vor.u32 v37, v23;
	v21 =	vand.u32 $0xFFFF0000, v21  }
0x149: {  	v48 =	vshll.u32 v27, $0x10;
	v30 =	vld.idx.msk [tilespmem:v30+s13+$0x0], $0xffff;
	v21 =	vmul.f32 v21, v28;
	v19 =	vadd.f32 v22, v19  }
0x14a: {  	v27 =	vand.u32 $0xFFFF0000, v27;
	v28 =	vshll.u32 v24, $0x10;
	v22 =	vand.u32 $0xFFFFFF80, v50  }
0x14b: {  	v22 =	vadd.s32 v2, v22;
	v19 =	vadd.f32 v19, v21;
	v21 =	vmul.f32 v28, v48  }
0x14c: {  	v20 =	vand.u32 $0xFFFF0000, v20;
	v24 =	vand.u32 $0xFFFF0000, v24;
	v22 =	vor.u32 v33, v22  }
0x14d: {  	v23 =	vld.idx.msk [tilespmem:v23+s13+$0x0], $0xffff;
	v28 =	vadd.s32 $0x6, v3;
	v19 =	vadd.f32 v21, v19;
	v21 =	vmul.f32 v24, v27  }
0x14e: {  	v24 =	vand.u32 $0xFFFFFF80, v28;
	v27 =	vshll.u32 v30, $0x10;
	v28 =	vand.u32 $0x7F, v28  }
0x14f: {  	v24 =	vadd.s32 v2, v24;
	v19 =	vadd.f32 v19, v21;
	v21 =	vmul.f32 v27, v34  }
0x150: {  	v18 =	vand.u32 $0xFFFF0000, v18;
	v24 =	vor.u32 v28, v24;
	v27 =	vand.u32 $0xFFFF0000, v30  }
0x151: {  	v28 =	vadd.s32 $0x7, v3;
	v22 =	vld.idx.msk [tilespmem:v22+s13+$0x0], $0xffff;
	v20 =	vmul.f32 v27, v20;
	v19 =	vadd.f32 v21, v19  }
0x152: {  	v27 =	vshll.u32 v23, $0x10;
	v21 =	vand.u32 $0xFFFFFF80, v28;
	v28 =	vand.u32 $0x7F, v28  }
0x153: {  	v21 =	vadd.s32 v2, v21;
	v19 =	vadd.f32 v19, v20;
	v20 =	vmul.f32 v27, v35  }
0x154: {  	v31 =	vshll.u32 v25, $0x10;
	v23 =	vand.u32 $0xFFFF0000, v23;
	v21 =	vor.u32 v28, v21  }
0x155: {  	v18 =	vmul.f32 v23, v18;
	v27 =	vadd.s32 $0x8, v3;
	v24 =	vld.idx.msk [tilespmem:v24+s13+$0x0], $0xffff;
	v19 =	vadd.f32 v20, v19  }
0x156: {  	v20 =	vand.u32 $0xFFFFFF80, v27;
	v23 =	vshll.u32 v22, $0x10;
	v27 =	vand.u32 $0x7F, v27  }
0x157: {  	v20 =	vadd.s32 v2, v20;
	v18 =	vadd.f32 v19, v18;
	v19 =	vmul.f32 v23, v31  }
0x158: {  	v22 =	vand.u32 $0xFFFF0000, v22;
	v20 =	vor.u32 v27, v20;
	v23 =	vand.u32 $0xFFFF0000, v25  }
0x159: {  	v25 =	vadd.s32 $0x9, v3;
	v21 =	vld.idx.msk [tilespmem:v21+s13+$0x0], $0xffff;
	v18 =	vadd.f32 v19, v18;
	v19 =	vmul.f32 v22, v23  }
0x15a: {  	v22 =	vand.u32 $0xFFFFFF80, v25;
	v23 =	vshll.u32 v24, $0x10;
	v25 =	vand.u32 $0x7F, v25  }
0x15b: {  	v22 =	vadd.s32 v2, v22;
	v18 =	vadd.f32 v18, v19;
	v19 =	vmul.f32 v23, v32  }
0x15c: {  	v17 =	vand.u32 $0xFFFF0000, v17;
	v22 =	vor.u32 v25, v22;
	v23 =	vand.u32 $0xFFFF0000, v24  }
0x15d: {  	v24 =	vadd.s32 $0xA, v3;
	v20 =	vld.idx.msk [tilespmem:v20+s13+$0x0], $0xffff;
	v17 =	vmul.f32 v23, v17;
	v18 =	vadd.f32 v19, v18  }
0x15e: {  	v19 =	vand.u32 $0xFFFFFF80, v24;
	v23 =	vshll.u32 v21, $0x10;
	v24 =	vand.u32 $0x7F, v24  }
0x15f: {  	v19 =	vadd.s32 v2, v19;
	v17 =	vadd.f32 v18, v17;
	v18 =	vmul.f32 v23, v26  }
0x160: {  	v15 =	vand.u32 $0xFFFF0000, v15;
	v21 =	vand.u32 $0xFFFF0000, v21;
	v19 =	vor.u32 v24, v19  }
0x161: {  	v15 =	vmul.f32 v21, v15;
	v23 =	vadd.s32 $0xB, v3;
	v22 =	vld.idx.msk [tilespmem:v22+s13+$0x0], $0xffff;
	v17 =	vadd.f32 v18, v17  }
0x162: {  	v18 =	vand.u32 $0xFFFFFF80, v23;
	v21 =	vshll.u32 v20, $0x10;
	v23 =	vand.u32 $0x7F, v23  }
0x163: {  	v18 =	vadd.s32 v2, v18;
	v15 =	vadd.f32 v17, v15;
	v17 =	vmul.f32 v21, v29  }
0x164: {  	v16 =	vshll.u32 v11, $0x10;
	v20 =	vand.u32 $0xFFFF0000, v20;
	v18 =	vor.u32 v23, v18  }
0x165: {  	v13 =	vmul.f32 v20, v13;
	v21 =	vadd.s32 $0xC, v3;
	v19 =	vld.idx.msk [tilespmem:v19+s13+$0x0], $0xffff;
	v15 =	vadd.f32 v17, v15  }
0x166: {  	v17 =	vand.u32 $0xFFFFFF80, v21;
	v20 =	vshll.u32 v22, $0x10;
	v21 =	vand.u32 $0x7F, v21  }
0x167: {  	v17 =	vadd.s32 v2, v17;
	v13 =	vadd.f32 v15, v13;
	v15 =	vmul.f32 v20, v16  }
0x168: {  	v11 =	vand.u32 $0xFFFF0000, v11;
	v16 =	vor.u32 v21, v17;
	v17 =	vand.u32 $0xFFFF0000, v22  }
0x169: {  	v20 =	vadd.s32 $0xD, v3;
	v18 =	vld.idx.msk [tilespmem:v18+s13+$0x0], $0xffff;
	v11 =	vmul.f32 v17, v11;
	v13 =	vadd.f32 v15, v13  }
0x16a: {  	v15 =	vand.u32 $0xFFFFFF80, v20;
	v17 =	vshll.u32 v19, $0x10;
	v20 =	vand.u32 $0x7F, v20  }
0x16b: {  	v15 =	vadd.s32 v2, v15;
	v11 =	vadd.f32 v13, v11;
	v13 =	vmul.f32 v17, v14  }
0x16c: {  	v8 =	vand.u32 $0xFFFF0000, v8;
	v14 =	vor.u32 v20, v15;
	v15 =	vand.u32 $0xFFFF0000, v19  }
0x16d: {  	v17 =	vadd.s32 $0xE, v3;
	v16 =	vld.idx.msk [tilespmem:v16+s13+$0x0], $0xffff;
	v8 =	vmul.f32 v15, v8;
	v11 =	vadd.f32 v13, v11  }
0x16e: {  	v13 =	vand.u32 $0xFFFFFF80, v17;
	v15 =	vshll.u32 v18, $0x10;
	v17 =	vand.u32 $0x7F, v17  }
0x16f: {  	v13 =	vadd.s32 v2, v13;
	v8 =	vadd.f32 v11, v8;
	v11 =	vmul.f32 v15, v12  }
0x170: {  	v10 =	vld.idx.msk [tilespmem:v10+s11+$0x0], $0xffff;
	v5 =	vand.u32 $0xFFFF0000, v5;
	v12 =	vor.u32 v17, v13;
	v13 =	vand.u32 $0xFFFF0000, v18  }
0x171: {  	v3 =	vadd.s32 $0xF, v3;
	v14 =	vld.idx.msk [tilespmem:v14+s13+$0x0], $0xffff;
	v5 =	vmul.f32 v13, v5;
	v8 =	vadd.f32 v11, v8  }
0x172: {  	v11 =	vand.u32 $0xFFFFFF80, v3;
	v13 =	vshll.u32 v16, $0x10;
	v3 =	vand.u32 $0x7F, v3  }
0x173: {  	v2 =	vadd.s32 v2, v11;
	v5 =	vadd.f32 v8, v5;
	v8 =	vmul.f32 v13, v9  }
0x174: {  	v7 =	vld.idx.msk [tilespmem:v7+s11+$0x0], $0xffff;
	v2 =	vor.u32 v3, v2;
	v3 =	vand.u32 $0xFFFF0000, v4;
	v4 =	vand.u32 $0xFFFF0000, v16  }
0x175: {  	v9 =	vld.idx.msk [tilespmem:v12+s13+$0x0], $0xffff;
	v3 =	vmul.f32 v4, v3;
	v5 =	vadd.f32 v8, v5  }
0x176: {  	v4 =	vshll.u32 v10, $0x10;
	v8 =	vshll.u32 v14, $0x10  }
0x177: {  	v4 =	vmul.f32 v8, v4;
	v3 =	vadd.f32 v5, v3  }
0x178: {  	v8 =	vand.u32 $0xFFFF0000, v14;
	v5 =	vld.idx.msk [tilespmem:v6+s11+$0x0], $0xffff;
	v6 =	vand.u32 $0xFFFF0000, v10  }
0x179: {  	v2 =	vld.idx.msk [tilespmem:v2+s13+$0x0], $0xffff;
	v3 =	vadd.f32 v4, v3;
	v4 =	vmul.f32 v8, v6  }
0x17a: {  	v6 =	vshll.u32 v7, $0x10;
	v8 =	vshll.u32 v9, $0x10  }
0x17b: {  	v3 =	vadd.f32 v3, v4;
	v4 =	vmul.f32 v8, v6  }
0x17c: {  	v6 =	vand.u32 $0xFFFF0000, v7;
	v7 =	vand.u32 $0xFFFF0000, v9  }
0x17d: {  	v3 =	vadd.f32 v4, v3;
	v4 =	vmul.f32 v7, v6  }
0x17e: {  	v6 =	vshll.u32 v5, $0x10;
	v7 =	vshll.u32 v2, $0x10  }
0x17f: {  	v3 =	vadd.f32 v3, v4;
	v4 =	vmul.f32 v7, v6  }
0x180: {  	v5 =	vand.u32 $0xFFFF0000, v5;
	v2 =	vand.u32 $0xFFFF0000, v2  }
0x181: {  	v2 =	vmul.f32 v2, v5;
	v3 =	vadd.f32 v4, v3;
	_ =	sdelay $0x1  }
0x182: {  	v2 =	vadd.f32 v3, v2  }
0x183: {  	s0 =	sadd.s32 $0x10, s25  }
0x184: {  	[tilespmem:s0+$0x0] =	vst v2  }
0x185: {  	[tilespmem:s11], [sflag:$0x1] =	stream.indirect.gather [hbm4b:s3+s9], $0x80, s19, s9, $0xb8;
	[tilespmem:$0x10E00] =	vst v63  }
0x186: {  	_ = 	snop  }
0x187: {  	[tilespmem:s13], [sflag:$0x1] =	stream.indirect.gather [hbm4b:s4+s9], $0x80, s20, s9, $0xb8;
	[tilespmem:$0x10E00] =	vst v63  }
0x188: {  	_ = 	snop  }
0x189: {  	[tilespmem:s15], [sflag:$0x1] =	stream.indirect.gather [hbm4b:s3+s9], $0x80, s21, s9, $0xb8;
	[tilespmem:$0x10E00] =	vst v63  }
0x18a: {  	_ = 	snop  }
0x18b: {  	[tilespmem:s17], [sflag:$0x1] =	stream.indirect.gather [hbm4b:s4+s9], $0x80, s22, s9, $0xb8;
	[tilespmem:$0x10E00] =	vst v63  }
0x18c: {  	_ =	swait.ge [sflag:s18], $0x4000  }
0x18d: {  	[sflag:s18] =	ssyncset.done $0x0  }
0x18e: {  	[sflag:s18] =	ssyncadd.s32 $0xFFFFC000  }
0x18f: {  	_ =	swait.ge [sflag:s18], $0x4000  }
0x190: {  	[sflag:s18] =	ssyncset.done $0x0  }
0x191: {  	[sflag:s18] =	ssyncadd.s32 $0xFFFFC000  }
0x192: {  	_ =	swait.ge [sflag:s18], $0x4000  }
0x193: {  	[sflag:s18] =	ssyncset.done $0x0  }
0x194: {  	[sflag:s18] =	ssyncadd.s32 $0xFFFFC000  }
0x195: {  	_ =	swait.ge [sflag:s18], $0x4000  }
0x196: {  	[sflag:s18] =	ssyncset.done $0x0  }
0x197: {  	s25 =	simm.s32 $0x500;
	[sflag:s18] =	ssyncadd.s32 $0xFFFFC000  }
0x198: {  	v3 =	vld [tilespmem:s25+$0x0];
	_ =	sdelay $0x1  }
0x199: {  	s26 =	simm.s32 $0x0  }
0x19a: {  	v2 =	vmov s26  }
0x19b: {  	v2 =	vshll.u32 v2, $0x7  }
0x19c: {  	v2 =	vor.u32 v1, v2;
	v4 =	vadd.s32 $0xE, v3  }
0x19d: {  	v5 =	vadd.s32 $0xF, v3;
	v6 =	vadd.s32 $0xB, v3;
	v7 =	vadd.s32 $0xC, v3  }
0x19e: {  	v8 =	vadd.s32 $0xD, v3;
	v9 =	vadd.s32 $0x8, v3;
	v10 =	vadd.s32 $0x9, v3  }
0x19f: {  	v11 =	vadd.s32 $0xA, v3;
	v12 =	vadd.s32 $0x5, v3;
	v13 =	vadd.s32 $0x6, v3  }
0x1a0: {  	v14 =	vadd.s32 $0x7, v3;
	v15 =	vadd.s32 $0x2, v3;
	v16 =	vadd.s32 $0x3, v3  }
0x1a1: {  	v17 =	vadd.s32 $0x4, v3;
	v18 =	vand.u32 $0xFFFFFF80, v3;
	v19 =	vand.u32 $0x7F, v3  }
0x1a2: {  	v20 =	vadd.s32 $0x1, v3;
	v21 =	vand.u32 $0x7F, v4;
	v22 =	vand.u32 $0xFFFFFF80, v5  }
0x1a3: {  	v23 =	vand.u32 $0x7F, v5;
	v24 =	vand.u32 $0xFFFFFF80, v8;
	v25 =	vand.u32 $0x7F, v8  }
0x1a4: {  	v26 =	vand.u32 $0xFFFFFF80, v4;
	v3 =	vand.u32 $0x7F, v6;
	v4 =	vand.u32 $0xFFFFFF80, v7  }
0x1a5: {  	v5 =	vand.u32 $0x7F, v7;
	v7 =	vand.u32 $0xFFFFFF80, v11;
	v8 =	vand.u32 $0x7F, v11  }
0x1a6: {  	v6 =	vand.u32 $0xFFFFFF80, v6;
	v11 =	vand.u32 $0x7F, v9;
	v27 =	vand.u32 $0xFFFFFF80, v10  }
0x1a7: {  	v10 =	vand.u32 $0x7F, v10;
	v28 =	vand.u32 $0xFFFFFF80, v14;
	v14 =	vand.u32 $0x7F, v14  }
0x1a8: {  	v9 =	vand.u32 $0xFFFFFF80, v9;
	v29 =	vand.u32 $0x7F, v12;
	v30 =	vand.u32 $0xFFFFFF80, v13  }
0x1a9: {  	v13 =	vand.u32 $0x7F, v13;
	v18 =	vadd.s32 v2, v18;
	v31 =	vand.u32 $0x7F, v17  }
0x1aa: {  	v12 =	vand.u32 $0xFFFFFF80, v12;
	v17 =	vand.u32 $0xFFFFFF80, v17;
	v18 =	vor.u32 v19, v18  }
0x1ab: {  	v4 =	vadd.s32 v2, v4;
	v19 =	vand.u32 $0x7F, v16;
	v6 =	vadd.s32 v2, v6  }
0x1ac: {  	v16 =	vand.u32 $0xFFFFFF80, v16;
	v27 =	vadd.s32 v2, v27;
	v4 =	vor.u32 v5, v4  }
0x1ad: {  	v5 =	vadd.s32 v2, v7;
	v6 =	vor.u32 v3, v6;
	v7 =	vand.u32 $0x7F, v15  }
0x1ae: {  	s30 =	simm.s32 $0x700;
	v15 =	vand.u32 $0xFFFFFF80, v15;
	v16 =	vadd.s32 v2, v16;
	v8 =	vor.u32 v8, v5  }
0x1af: {  	v3 =	vld [tilespmem:s30+$0x0];
	v5 =	vadd.s32 v2, v9;
	v9 =	vor.u32 v10, v27;
	v10 =	vand.u32 $0x7F, v20  }
0x1b0: {  	v27 =	vadd.s32 v2, v28;
	v20 =	vand.u32 $0xFFFFFF80, v20;
	v16 =	vor.u32 v19, v16  }
0x1b1: {  	v19 =	vadd.s32 v2, v15;
	v28 =	vor.u32 v11, v5;
	v5 =	vadd.s32 v2, v30  }
0x1b2: {  	v14 =	vor.u32 v14, v27;
	v11 =	vadd.s32 v2, v12;
	v20 =	vadd.s32 v2, v20;
	v18 =	vld.idx.msk [tilespmem:v18+s11+$0x0], $0xffff  }
0x1b3: {  	v19 =	vor.u32 v7, v19;
	v12 =	vor.u32 v13, v5;
	v13 =	vadd.s32 v2, v17;
	v5 =	vld.idx.msk [tilespmem:v6+s11+$0x0], $0xffff  }
0x1b4: {  	v6 =	vadd.s32 v2, v22;
	v22 =	vadd.s32 v2, v26;
	v26 =	vand.u32 $0xFFFFFF80, v3;
	v8 =	vld.idx.msk [tilespmem:v8+s11+$0x0], $0xffff  }
0x1b5: {  	v17 =	vor.u32 v29, v11;
	v11 =	vld.idx.msk [tilespmem:v9+s11+$0x0], $0xffff;
	v9 =	vand.u32 $0x7F, v3;
	v26 =	vadd.s32 v2, v26  }
0x1b6: {  	v20 =	vor.u32 v10, v20;
	v27 =	vor.u32 v31, v13;
	v13 =	vld.idx.msk [tilespmem:v28+s11+$0x0], $0xffff;
	v9 =	vor.u32 v9, v26  }
0x1b7: {  	v30 =	vadd.s32 $0x3, v3;
	v15 =	vld.idx.msk [tilespmem:v14+s11+$0x0], $0xffff;
	v14 =	vadd.s32 v2, v24;
	v24 =	vadd.s32 $0x1, v3  }
0x1b8: {  	v58 =	vadd.s32 $0x4, v3;
	v60 =	vadd.s32 $0x5, v3;
	v19 =	vld.idx.msk [tilespmem:v19+s11+$0x0], $0xffff;
	v7 =	vand.u32 $0xFFFFFF80, v24  }
0x1b9: {  	v6 =	vor.u32 v23, v6;
	v26 =	vld.idx.msk [tilespmem:v12+s11+$0x0], $0xffff;
	v10 =	vand.u32 $0x7F, v24;
	v12 =	vadd.s32 v2, v7  }
0x1ba: {  	v52 =	vand.u32 $0xFFFFFF80, v30;
	v24 =	vld.idx.msk [tilespmem:v16+s11+$0x0], $0xffff;
	v7 =	vor.u32 v21, v22;
	v22 =	vor.u32 v10, v12  }
0x1bb: {  	v30 =	vand.u32 $0x7F, v30;
	v16 =	vadd.s32 $0x2, v3;
	v10 =	vor.u32 v25, v14;
	v25 =	vld.idx.msk [tilespmem:v9+s13+$0x0], $0xffff  }
0x1bc: {  	v37 =	vand.u32 $0x7F, v58;
	v33 =	vadd.s32 v2, v52;
	v23 =	vld.idx.msk [tilespmem:v27+s11+$0x0], $0xffff;
	v27 =	vand.u32 $0xFFFFFF80, v16  }
0x1bd: {  	v17 =	vld.idx.msk [tilespmem:v17+s11+$0x0], $0xffff;
	v30 =	vor.u32 v30, v33;
	v28 =	vand.u32 $0x7F, v16;
	v27 =	vadd.s32 v2, v27  }
0x1be: {  	v20 =	vld.idx.msk [tilespmem:v20+s11+$0x0], $0xffff;
	v33 =	vand.u32 $0x7F, v60;
	v21 =	vand.u32 $0xFFFF0000, v18;
	v27 =	vor.u32 v28, v27  }
0x1bf: {  	v18 =	vshll.u32 v18, $0x10;
	v12 =	vshll.u32 v5, $0x10;
	v5 =	vand.u32 $0xFFFF0000, v5;
	v22 =	vld.idx.msk [tilespmem:v22+s13+$0x0], $0xffff  }
0x1c0: {  	v14 =	vshll.u32 v8, $0x10;
	v16 =	vshll.u32 v11, $0x10;
	v55 =	vshll.u32 v25, $0x10  }
0x1c1: {  	v28 =	vshll.u32 v15, $0x10;
	v29 =	vshll.u32 v13, $0x10;
	v18 =	vmul.f32 v55, v18  }
0x1c2: {  	v56 =	vshll.u32 v19, $0x10;
	v19 =	vand.u32 $0xFFFF0000, v19;
	v25 =	vand.u32 $0xFFFF0000, v25  }
0x1c3: {  	v31 =	vshll.u32 v17, $0x10;
	v27 =	vld.idx.msk [tilespmem:v27+s13+$0x0], $0xffff;
	v21 =	vmul.f32 v25, v21;
	v18 =	vadd.f32 $0.0e+00, v18  }
0x1c4: {  	v57 =	vshll.u32 v20, $0x10;
	v25 =	vand.u32 $0xFFFFFF80, v58;
	v59 =	vshll.u32 v22, $0x10  }
0x1c5: {  	v25 =	vadd.s32 v2, v25;
	v18 =	vadd.f32 v18, v21;
	v21 =	vmul.f32 v59, v57  }
0x1c6: {  	v20 =	vand.u32 $0xFFFF0000, v20;
	v25 =	vor.u32 v37, v25;
	v22 =	vand.u32 $0xFFFF0000, v22  }
0x1c7: {  	v51 =	vshll.u32 v26, $0x10;
	v30 =	vld.idx.msk [tilespmem:v30+s13+$0x0], $0xffff;
	v20 =	vmul.f32 v22, v20;
	v18 =	vadd.f32 v21, v18  }
0x1c8: {  	v53 =	vshll.u32 v24, $0x10;
	v22 =	vshll.u32 v27, $0x10;
	v21 =	vand.u32 $0xFFFFFF80, v60  }
0x1c9: {  	v21 =	vadd.s32 v2, v21;
	v18 =	vadd.f32 v18, v20;
	v20 =	vmul.f32 v22, v56  }
0x1ca: {  	v54 =	vshll.u32 v23, $0x10;
	v21 =	vor.u32 v33, v21;
	v22 =	vand.u32 $0xFFFF0000, v27  }
0x1cb: {  	v25 =	vld.idx.msk [tilespmem:v25+s13+$0x0], $0xffff;
	v27 =	vadd.s32 $0x6, v3;
	v19 =	vmul.f32 v22, v19;
	v18 =	vadd.f32 v20, v18  }
0x1cc: {  	v22 =	vshll.u32 v30, $0x10;
	v20 =	vand.u32 $0xFFFFFF80, v27;
	v27 =	vand.u32 $0x7F, v27  }
0x1cd: {  	v20 =	vadd.s32 v2, v20;
	v18 =	vadd.f32 v18, v19;
	v19 =	vmul.f32 v22, v53  }
0x1ce: {  	v20 =	vor.u32 v27, v20;
	v22 =	vand.u32 $0xFFFF0000, v24;
	v24 =	vand.u32 $0xFFFF0000, v30  }
0x1cf: {  	v27 =	vadd.s32 $0x7, v3;
	v21 =	vld.idx.msk [tilespmem:v21+s13+$0x0], $0xffff;
	v18 =	vadd.f32 v19, v18;
	v19 =	vmul.f32 v24, v22  }
0x1d0: {  	v22 =	vand.u32 $0xFFFFFF80, v27;
	v24 =	vshll.u32 v25, $0x10;
	v27 =	vand.u32 $0x7F, v27  }
0x1d1: {  	v22 =	vadd.s32 v2, v22;
	v18 =	vadd.f32 v18, v19;
	v19 =	vmul.f32 v24, v54  }
0x1d2: {  	v23 =	vand.u32 $0xFFFF0000, v23;
	v22 =	vor.u32 v27, v22;
	v24 =	vand.u32 $0xFFFF0000, v25  }
0x1d3: {  	v25 =	vadd.s32 $0x8, v3;
	v20 =	vld.idx.msk [tilespmem:v20+s13+$0x0], $0xffff;
	v18 =	vadd.f32 v19, v18;
	v19 =	vmul.f32 v24, v23  }
0x1d4: {  	v23 =	vand.u32 $0xFFFFFF80, v25;
	v24 =	vshll.u32 v21, $0x10;
	v25 =	vand.u32 $0x7F, v25  }
0x1d5: {  	v23 =	vadd.s32 v2, v23;
	v18 =	vadd.f32 v18, v19;
	v19 =	vmul.f32 v24, v31  }
0x1d6: {  	v17 =	vand.u32 $0xFFFF0000, v17;
	v21 =	vand.u32 $0xFFFF0000, v21;
	v23 =	vor.u32 v25, v23  }
0x1d7: {  	v17 =	vmul.f32 v21, v17;
	v24 =	vadd.s32 $0x9, v3;
	v22 =	vld.idx.msk [tilespmem:v22+s13+$0x0], $0xffff;
	v18 =	vadd.f32 v19, v18  }
0x1d8: {  	v19 =	vand.u32 $0xFFFFFF80, v24;
	v21 =	vshll.u32 v20, $0x10;
	v24 =	vand.u32 $0x7F, v24  }
0x1d9: {  	v19 =	vadd.s32 v2, v19;
	v17 =	vadd.f32 v18, v17;
	v18 =	vmul.f32 v21, v51  }
0x1da: {  	v20 =	vand.u32 $0xFFFF0000, v20;
	v19 =	vor.u32 v24, v19;
	v21 =	vand.u32 $0xFFFF0000, v26  }
0x1db: {  	v24 =	vadd.s32 $0xA, v3;
	v23 =	vld.idx.msk [tilespmem:v23+s13+$0x0], $0xffff;
	v17 =	vadd.f32 v18, v17;
	v18 =	vmul.f32 v20, v21  }
0x1dc: {  	v20 =	vand.u32 $0xFFFFFF80, v24;
	v21 =	vshll.u32 v22, $0x10;
	v24 =	vand.u32 $0x7F, v24  }
0x1dd: {  	v20 =	vadd.s32 v2, v20;
	v17 =	vadd.f32 v17, v18;
	v18 =	vmul.f32 v21, v28  }
0x1de: {  	v15 =	vand.u32 $0xFFFF0000, v15;
	v20 =	vor.u32 v24, v20;
	v21 =	vand.u32 $0xFFFF0000, v22  }
0x1df: {  	v22 =	vadd.s32 $0xB, v3;
	v19 =	vld.idx.msk [tilespmem:v19+s13+$0x0], $0xffff;
	v15 =	vmul.f32 v21, v15;
	v17 =	vadd.f32 v18, v17  }
0x1e0: {  	v18 =	vand.u32 $0xFFFFFF80, v22;
	v21 =	vshll.u32 v23, $0x10;
	v22 =	vand.u32 $0x7F, v22  }
0x1e1: {  	v18 =	vadd.s32 v2, v18;
	v15 =	vadd.f32 v17, v15;
	v17 =	vmul.f32 v21, v29  }
0x1e2: {  	v13 =	vand.u32 $0xFFFF0000, v13;
	v18 =	vor.u32 v22, v18;
	v21 =	vand.u32 $0xFFFF0000, v23  }
0x1e3: {  	v22 =	vadd.s32 $0xC, v3;
	v20 =	vld.idx.msk [tilespmem:v20+s13+$0x0], $0xffff;
	v13 =	vmul.f32 v21, v13;
	v15 =	vadd.f32 v17, v15  }
0x1e4: {  	v17 =	vand.u32 $0xFFFFFF80, v22;
	v21 =	vshll.u32 v19, $0x10;
	v22 =	vand.u32 $0x7F, v22  }
0x1e5: {  	v17 =	vadd.s32 v2, v17;
	v13 =	vadd.f32 v15, v13;
	v15 =	vmul.f32 v21, v16  }
0x1e6: {  	v11 =	vand.u32 $0xFFFF0000, v11;
	v16 =	vor.u32 v22, v17;
	v17 =	vand.u32 $0xFFFF0000, v19  }
0x1e7: {  	v19 =	vadd.s32 $0xD, v3;
	v18 =	vld.idx.msk [tilespmem:v18+s13+$0x0], $0xffff;
	v11 =	vmul.f32 v17, v11;
	v13 =	vadd.f32 v15, v13  }
0x1e8: {  	v15 =	vand.u32 $0xFFFFFF80, v19;
	v17 =	vshll.u32 v20, $0x10;
	v19 =	vand.u32 $0x7F, v19  }
0x1e9: {  	v4 =	vld.idx.msk [tilespmem:v4+s11+$0x0], $0xffff;
	v15 =	vadd.s32 v2, v15;
	v11 =	vadd.f32 v13, v11;
	v13 =	vmul.f32 v17, v14  }
0x1ea: {  	v8 =	vand.u32 $0xFFFF0000, v8;
	v14 =	vor.u32 v19, v15;
	v15 =	vand.u32 $0xFFFF0000, v20  }
0x1eb: {  	v17 =	vadd.s32 $0xE, v3;
	v16 =	vld.idx.msk [tilespmem:v16+s13+$0x0], $0xffff;
	v8 =	vmul.f32 v15, v8;
	v11 =	vadd.f32 v13, v11  }
0x1ec: {  	v13 =	vand.u32 $0xFFFFFF80, v17;
	v15 =	vshll.u32 v18, $0x10;
	v17 =	vand.u32 $0x7F, v17  }
0x1ed: {  	v13 =	vadd.s32 v2, v13;
	v8 =	vadd.f32 v11, v8;
	v11 =	vmul.f32 v15, v12  }
0x1ee: {  	v9 =	vshll.u32 v4, $0x10;
	v10 =	vld.idx.msk [tilespmem:v10+s11+$0x0], $0xffff;
	v12 =	vor.u32 v17, v13;
	v13 =	vand.u32 $0xFFFF0000, v18  }
0x1ef: {  	v3 =	vadd.s32 $0xF, v3;
	v14 =	vld.idx.msk [tilespmem:v14+s13+$0x0], $0xffff;
	v5 =	vmul.f32 v13, v5;
	v8 =	vadd.f32 v11, v8  }
0x1f0: {  	v11 =	vand.u32 $0xFFFFFF80, v3;
	v13 =	vshll.u32 v16, $0x10;
	v3 =	vand.u32 $0x7F, v3  }
0x1f1: {  	v2 =	vadd.s32 v2, v11;
	v5 =	vadd.f32 v8, v5;
	v8 =	vmul.f32 v13, v9  }
0x1f2: {  	v7 =	vld.idx.msk [tilespmem:v7+s11+$0x0], $0xffff;
	v2 =	vor.u32 v3, v2;
	v3 =	vand.u32 $0xFFFF0000, v4;
	v4 =	vand.u32 $0xFFFF0000, v16  }
0x1f3: {  	v9 =	vld.idx.msk [tilespmem:v12+s13+$0x0], $0xffff;
	v3 =	vmul.f32 v4, v3;
	v5 =	vadd.f32 v8, v5  }
0x1f4: {  	v4 =	vshll.u32 v10, $0x10;
	v8 =	vshll.u32 v14, $0x10  }
0x1f5: {  	v4 =	vmul.f32 v8, v4;
	v3 =	vadd.f32 v5, v3  }
0x1f6: {  	v8 =	vand.u32 $0xFFFF0000, v14;
	v5 =	vld.idx.msk [tilespmem:v6+s11+$0x0], $0xffff;
	v6 =	vand.u32 $0xFFFF0000, v10  }
0x1f7: {  	v2 =	vld.idx.msk [tilespmem:v2+s13+$0x0], $0xffff;
	v3 =	vadd.f32 v4, v3;
	v4 =	vmul.f32 v8, v6  }
0x1f8: {  	v6 =	vshll.u32 v7, $0x10;
	v8 =	vshll.u32 v9, $0x10  }
0x1f9: {  	v3 =	vadd.f32 v3, v4;
	v4 =	vmul.f32 v8, v6  }
0x1fa: {  	v6 =	vand.u32 $0xFFFF0000, v7;
	v7 =	vand.u32 $0xFFFF0000, v9  }
0x1fb: {  	v3 =	vadd.f32 v4, v3;
	v4 =	vmul.f32 v7, v6  }
0x1fc: {  	v6 =	vshll.u32 v5, $0x10;
	v7 =	vshll.u32 v2, $0x10  }
0x1fd: {  	v3 =	vadd.f32 v3, v4;
	v4 =	vmul.f32 v7, v6  }
0x1fe: {  	v5 =	vand.u32 $0xFFFF0000, v5;
	v2 =	vand.u32 $0xFFFF0000, v2  }
0x1ff: {  	v2 =	vmul.f32 v2, v5;
	v3 =	vadd.f32 v4, v3;
	_ =	sdelay $0x1  }
0x200: {  	v2 =	vadd.f32 v3, v2  }
0x201: {  	s25 =	simm.s32 $0x10D00  }
0x202: {  	s26 =	simm.s32 $0x510;
	[tilespmem:s25+$0x0] =	vst v2  }
0x203: {  	v3 =	vld [tilespmem:s26+$0x0];
	_ =	sdelay $0x1  }
0x204: {  	s31 =	simm.s32 $0x10  }
0x205: {  	v2 =	vmov s31  }
0x206: {  	v2 =	vshll.u32 v2, $0x7  }
0x207: {  	v2 =	vor.u32 v1, v2;
	v5 =	vadd.s32 $0xE, v3;
	v6 =	vadd.s32 $0xF, v3  }
0x208: {  	v12 =	vadd.s32 $0xB, v3;
	v13 =	vadd.s32 $0xC, v3;
	v9 =	vadd.s32 $0xD, v3  }
0x209: {  	v14 =	vadd.s32 $0x8, v3;
	v15 =	vadd.s32 $0x9, v3;
	v16 =	vadd.s32 $0xA, v3  }
0x20a: {  	v18 =	vadd.s32 $0x5, v3;
	v17 =	vadd.s32 $0x6, v3;
	v20 =	vadd.s32 $0x7, v3  }
0x20b: {  	v21 =	vadd.s32 $0x2, v3;
	v24 =	vadd.s32 $0x3, v3;
	v25 =	vadd.s32 $0x4, v3  }
0x20c: {  	v23 =	vand.u32 $0xFFFFFF80, v3;
	v26 =	vand.u32 $0x7F, v3;
	v4 =	vadd.s32 $0x1, v3  }
0x20d: {  	v7 =	vand.u32 $0x7F, v5;
	v8 =	vand.u32 $0xFFFFFF80, v6;
	v6 =	vand.u32 $0x7F, v6  }
0x20e: {  	v10 =	vand.u32 $0xFFFFFF80, v9;
	v9 =	vand.u32 $0x7F, v9;
	v11 =	vand.u32 $0xFFFFFF80, v5  }
0x20f: {  	v3 =	vand.u32 $0x7F, v12;
	v27 =	vand.u32 $0xFFFFFF80, v13;
	v29 =	vand.u32 $0x7F, v13  }
0x210: {  	v30 =	vand.u32 $0xFFFFFF80, v16;
	v31 =	vand.u32 $0x7F, v16;
	v12 =	vand.u32 $0xFFFFFF80, v12  }
0x211: {  	v5 =	vand.u32 $0x7F, v14;
	v61 =	vand.u32 $0xFFFFFF80, v15;
	v62 =	vand.u32 $0x7F, v15  }
0x212: {  	v19 =	vand.u32 $0xFFFFFF80, v20;
	v16 =	vand.u32 $0x7F, v20;
	v63 =	vand.u32 $0xFFFFFF80, v14  }
0x213: {  	v14 =	vand.u32 $0x7F, v18;
	v22 =	vand.u32 $0xFFFFFF80, v17;
	v17 =	vand.u32 $0x7F, v17  }
0x214: {  	v15 =	vadd.s32 v2, v23;
	v13 =	vand.u32 $0x7F, v25;
	v23 =	vand.u32 $0xFFFFFF80, v18  }
0x215: {  	v18 =	vand.u32 $0xFFFFFF80, v25;
	v28 =	vor.u32 v26, v15;
	v20 =	vadd.s32 v2, v27  }
0x216: {  	v15 =	vand.u32 $0x7F, v24;
	v12 =	vadd.s32 v2, v12;
	v26 =	vor.u32 v29, v20  }
0x217: {  	v20 =	vand.u32 $0xFFFFFF80, v24;
	v24 =	vadd.s32 v2, v30;
	v27 =	vor.u32 v3, v12  }
0x218: {  	s28 =	simm.s32 $0x710;
	v25 =	vadd.s32 v2, v61;
	v12 =	vand.u32 $0x7F, v21;
	v24 =	vor.u32 v31, v24  }
0x219: {  	s29 =	simm.s32 $0x20;
	v3 =	vld [tilespmem:s28+$0x0];
	v21 =	vand.u32 $0xFFFFFF80, v21;
	v29 =	vadd.s32 v2, v63;
	v25 =	vor.u32 v62, v25  }
.LBB2_6:
0x21a: {  	p0 =	sne.s32 s29, $0xF0;
	v28 =	vld.idx.msk [tilespmem:v28+s11+$0x0], $0xffff;
	v30 =	vand.u32 $0x7F, v4;
	v19 =	vadd.s32 v2, v19;
	v29 =	vor.u32 v5, v29  }
0x21b: {  	v31 =	vand.u32 $0xFFFFFF80, v4;
	v5 =	vadd.s32 v2, v22;
	v16 =	vor.u32 v16, v19;
	v4 =	vld.idx.msk [tilespmem:v26+s11+$0x0], $0xffff  }
0x21c: {  	v22 =	vadd.s32 v2, v8;
	v19 =	vadd.s32 v2, v23;
	v17 =	vor.u32 v17, v5;
	v5 =	vld.idx.msk [tilespmem:v27+s11+$0x0], $0xffff  }
0x21d: {  	v18 =	vadd.s32 v2, v18;
	v14 =	vor.u32 v14, v19;
	v19 =	vadd.s32 v2, v11;
	v8 =	vld.idx.msk [tilespmem:v24+s11+$0x0], $0xffff  }
0x21e: {  	v20 =	vadd.s32 v2, v20;
	v18 =	vor.u32 v13, v18;
	v23 =	vand.u32 $0xFFFFFF80, v3;
	v11 =	vld.idx.msk [tilespmem:v25+s11+$0x0], $0xffff  }
0x21f: {  	v24 =	vand.u32 $0x7F, v3;
	v25 =	vor.u32 v15, v20;
	v23 =	vadd.s32 v2, v23;
	v13 =	vld.idx.msk [tilespmem:v29+s11+$0x0], $0xffff  }
0x220: {  	v10 =	vadd.s32 v2, v10;
	v20 =	vadd.s32 v2, v21;
	v23 =	vor.u32 v24, v23;
	v15 =	vld.idx.msk [tilespmem:v16+s11+$0x0], $0xffff  }
0x221: {  	v21 =	vadd.s32 $0x1, v3;
	v12 =	vor.u32 v12, v20;
	v16 =	vadd.s32 v2, v31;
	v17 =	vld.idx.msk [tilespmem:v17+s11+$0x0], $0xffff  }
0x222: {  	v6 =	vor.u32 v6, v22;
	v24 =	vand.u32 $0xFFFFFF80, v21;
	v16 =	vor.u32 v30, v16;
	v20 =	vld.idx.msk [tilespmem:v14+s11+$0x0], $0xffff  }
0x223: {  	v7 =	vor.u32 v7, v19;
	v14 =	vand.u32 $0x7F, v21;
	v21 =	vadd.s32 v2, v24;
	v22 =	vld.idx.msk [tilespmem:v18+s11+$0x0], $0xffff  }
0x224: {  	v10 =	vor.u32 v9, v10;
	v24 =	vand.u32 $0xFFFF0000, v28;
	v21 =	vor.u32 v14, v21;
	v25 =	vld.idx.msk [tilespmem:v25+s11+$0x0], $0xffff  }
0x225: {  	v26 =	vshll.u32 v28, $0x10;
	v9 =	vshll.u32 v4, $0x10;
	v18 =	vadd.s32 $0x2, v3;
	v23 =	vld.idx.msk [tilespmem:v23+s13+$0x0], $0xffff  }
0x226: {  	v14 =	vshll.u32 v8, $0x10;
	v19 =	vand.u32 $0xFFFFFF80, v18;
	v27 =	vld.idx.msk [tilespmem:v12+s11+$0x0], $0xffff;
	v12 =	vshll.u32 v5, $0x10  }
0x227: {  	v18 =	vand.u32 $0x7F, v18;
	v19 =	vadd.s32 v2, v19;
	v28 =	vld.idx.msk [tilespmem:v16+s11+$0x0], $0xffff;
	v16 =	vshll.u32 v11, $0x10  }
0x228: {  	v29 =	vor.u32 v18, v19;
	v19 =	vshll.u32 v15, $0x10;
	v18 =	vshll.u32 v13, $0x10  }
0x229: {  	v30 =	vadd.s32 $0x3, v3;
	v32 =	vshll.u32 v17, $0x10;
	v31 =	vshll.u32 v20, $0x10;
	v21 =	vld.idx.msk [tilespmem:v21+s13+$0x0], $0xffff  }
0x22a: {  	v33 =	vand.u32 $0xFFFFFF80, v30;
	v35 =	vshll.u32 v22, $0x10;
	v34 =	vshll.u32 v25, $0x10  }
0x22b: {  	v30 =	vand.u32 $0x7F, v30;
	v33 =	vadd.s32 v2, v33;
	v36 =	vshll.u32 v23, $0x10  }
0x22c: {  	v30 =	vor.u32 v30, v33;
	v26 =	vmul.f32 v36, v26;
	v36 =	vshll.u32 v27, $0x10  }
0x22d: {  	v37 =	vadd.s32 $0x4, v3;
	v23 =	vand.u32 $0xFFFF0000, v23;
	v33 =	vshll.u32 v28, $0x10;
	v29 =	vld.idx.msk [tilespmem:v29+s13+$0x0], $0xffff  }
0x22e: {  	v23 =	vmul.f32 v23, v24;
	v24 =	vand.u32 $0xFFFFFF80, v37;
	v26 =	vadd.f32 $0.0e+00, v26  }
0x22f: {  	v37 =	vand.u32 $0x7F, v37;
	v24 =	vadd.s32 v2, v24;
	v38 =	vshll.u32 v21, $0x10  }
0x230: {  	v24 =	vor.u32 v37, v24;
	v23 =	vadd.f32 v26, v23;
	v26 =	vmul.f32 v38, v33  }
0x231: {  	v28 =	vand.u32 $0xFFFF0000, v28;
	v21 =	vand.u32 $0xFFFF0000, v21;
	v33 =	vadd.s32 $0x5, v3;
	v30 =	vld.idx.msk [tilespmem:v30+s13+$0x0], $0xffff  }
0x232: {  	v21 =	vmul.f32 v21, v28;
	v23 =	vadd.f32 v26, v23;
	v26 =	vand.u32 $0xFFFFFF80, v33  }
0x233: {  	v33 =	vand.u32 $0x7F, v33;
	v28 =	vshll.u32 v29, $0x10;
	v26 =	vadd.s32 v2, v26  }
0x234: {  	v21 =	vadd.f32 v23, v21;
	v23 =	vmul.f32 v28, v36;
	v26 =	vor.u32 v33, v26  }
0x235: {  	v27 =	vand.u32 $0xFFFF0000, v27;
	v28 =	vand.u32 $0xFFFF0000, v29;
	v29 =	vadd.s32 $0x6, v3;
	v24 =	vld.idx.msk [tilespmem:v24+s13+$0x0], $0xffff  }
0x236: {  	v21 =	vadd.f32 v23, v21;
	v23 =	vmul.f32 v28, v27;
	v27 =	vand.u32 $0xFFFFFF80, v29  }
0x237: {  	v29 =	vand.u32 $0x7F, v29;
	v28 =	vshll.u32 v30, $0x10;
	v27 =	vadd.s32 v2, v27  }
0x238: {  	v21 =	vadd.f32 v21, v23;
	v23 =	vmul.f32 v28, v34;
	v27 =	vor.u32 v29, v27  }
0x239: {  	v25 =	vand.u32 $0xFFFF0000, v25;
	v28 =	vand.u32 $0xFFFF0000, v30;
	v29 =	vadd.s32 $0x7, v3;
	v26 =	vld.idx.msk [tilespmem:v26+s13+$0x0], $0xffff  }
0x23a: {  	v21 =	vadd.f32 v23, v21;
	v23 =	vmul.f32 v28, v25;
	v25 =	vand.u32 $0xFFFFFF80, v29  }
0x23b: {  	v29 =	vand.u32 $0x7F, v29;
	v28 =	vshll.u32 v24, $0x10;
	v25 =	vadd.s32 v2, v25  }
0x23c: {  	v21 =	vadd.f32 v21, v23;
	v23 =	vmul.f32 v28, v35;
	v25 =	vor.u32 v29, v25  }
0x23d: {  	v22 =	vand.u32 $0xFFFF0000, v22;
	v24 =	vand.u32 $0xFFFF0000, v24;
	v28 =	vadd.s32 $0x8, v3;
	v27 =	vld.idx.msk [tilespmem:v27+s13+$0x0], $0xffff  }
0x23e: {  	v22 =	vmul.f32 v24, v22;
	v21 =	vadd.f32 v23, v21;
	v23 =	vand.u32 $0xFFFFFF80, v28  }
0x23f: {  	v28 =	vand.u32 $0x7F, v28;
	v24 =	vshll.u32 v26, $0x10;
	v23 =	vadd.s32 v2, v23  }
0x240: {  	v21 =	vadd.f32 v21, v22;
	v22 =	vmul.f32 v24, v31;
	v23 =	vor.u32 v28, v23  }
0x241: {  	v20 =	vand.u32 $0xFFFF0000, v20;
	v24 =	vand.u32 $0xFFFF0000, v26;
	v26 =	vadd.s32 $0x9, v3;
	v25 =	vld.idx.msk [tilespmem:v25+s13+$0x0], $0xffff  }
0x242: {  	v20 =	vmul.f32 v24, v20;
	v21 =	vadd.f32 v22, v21;
	v22 =	vand.u32 $0xFFFFFF80, v26  }
0x243: {  	v26 =	vand.u32 $0x7F, v26;
	v24 =	vshll.u32 v27, $0x10;
	v22 =	vadd.s32 v2, v22  }
0x244: {  	v20 =	vadd.f32 v21, v20;
	v21 =	vmul.f32 v24, v32;
	v22 =	vor.u32 v26, v22  }
0x245: {  	v17 =	vand.u32 $0xFFFF0000, v17;
	v24 =	vand.u32 $0xFFFF0000, v27;
	v26 =	vadd.s32 $0xA, v3;
	v23 =	vld.idx.msk [tilespmem:v23+s13+$0x0], $0xffff  }
0x246: {  	v17 =	vmul.f32 v24, v17;
	v20 =	vadd.f32 v21, v20;
	v21 =	vand.u32 $0xFFFFFF80, v26  }
0x247: {  	v26 =	vand.u32 $0x7F, v26;
	v24 =	vshll.u32 v25, $0x10;
	v21 =	vadd.s32 v2, v21  }
0x248: {  	v17 =	vadd.f32 v20, v17;
	v19 =	vmul.f32 v24, v19;
	v20 =	vor.u32 v26, v21  }
0x249: {  	v15 =	vand.u32 $0xFFFF0000, v15;
	v21 =	vand.u32 $0xFFFF0000, v25;
	v24 =	vadd.s32 $0xB, v3;
	v22 =	vld.idx.msk [tilespmem:v22+s13+$0x0], $0xffff  }
0x24a: {  	v15 =	vmul.f32 v21, v15;
	v17 =	vadd.f32 v19, v17;
	v19 =	vand.u32 $0xFFFFFF80, v24  }
0x24b: {  	v24 =	vand.u32 $0x7F, v24;
	v21 =	vshll.u32 v23, $0x10;
	v19 =	vadd.s32 v2, v19  }
0x24c: {  	v15 =	vadd.f32 v17, v15;
	v17 =	vmul.f32 v21, v18;
	v18 =	vor.u32 v24, v19  }
0x24d: {  	v13 =	vand.u32 $0xFFFF0000, v13;
	v19 =	vand.u32 $0xFFFF0000, v23;
	v21 =	vadd.s32 $0xC, v3;
	v20 =	vld.idx.msk [tilespmem:v20+s13+$0x0], $0xffff  }
0x24e: {  	v13 =	vmul.f32 v19, v13;
	v15 =	vadd.f32 v17, v15;
	v17 =	vand.u32 $0xFFFFFF80, v21  }
0x24f: {  	v21 =	vand.u32 $0x7F, v21;
	v19 =	vshll.u32 v22, $0x10;
	v17 =	vadd.s32 v2, v17  }
0x250: {  	v13 =	vadd.f32 v15, v13;
	v15 =	vmul.f32 v19, v16;
	v16 =	vor.u32 v21, v17  }
0x251: {  	v11 =	vand.u32 $0xFFFF0000, v11;
	v17 =	vand.u32 $0xFFFF0000, v22;
	v19 =	vadd.s32 $0xD, v3;
	v18 =	vld.idx.msk [tilespmem:v18+s13+$0x0], $0xffff  }
0x252: {  	v11 =	vmul.f32 v17, v11;
	v13 =	vadd.f32 v15, v13;
	v15 =	vand.u32 $0xFFFFFF80, v19  }
0x253: {  	v19 =	vand.u32 $0x7F, v19;
	v17 =	vshll.u32 v20, $0x10;
	v15 =	vadd.s32 v2, v15  }
0x254: {  	v11 =	vadd.f32 v13, v11;
	v13 =	vmul.f32 v17, v14;
	v14 =	vor.u32 v19, v15  }
0x255: {  	v8 =	vand.u32 $0xFFFF0000, v8;
	v15 =	vand.u32 $0xFFFF0000, v20;
	v17 =	vadd.s32 $0xE, v3;
	v16 =	vld.idx.msk [tilespmem:v16+s13+$0x0], $0xffff  }
0x256: {  	v8 =	vmul.f32 v15, v8;
	v11 =	vadd.f32 v13, v11;
	v13 =	vand.u32 $0xFFFFFF80, v17  }
0x257: {  	v17 =	vand.u32 $0x7F, v17;
	v15 =	vshll.u32 v18, $0x10;
	v13 =	vadd.s32 v2, v13  }
0x258: {  	v8 =	vadd.f32 v11, v8;
	v11 =	vmul.f32 v15, v12;
	v12 =	vor.u32 v17, v13;
	v10 =	vld.idx.msk [tilespmem:v10+s11+$0x0], $0xffff  }
0x259: {  	v5 =	vand.u32 $0xFFFF0000, v5;
	v3 =	vadd.s32 $0xF, v3;
	v13 =	vand.u32 $0xFFFF0000, v18;
	v14 =	vld.idx.msk [tilespmem:v14+s13+$0x0], $0xffff  }
0x25a: {  	v5 =	vmul.f32 v13, v5;
	v8 =	vadd.f32 v11, v8;
	v11 =	vand.u32 $0xFFFFFF80, v3  }
0x25b: {  	v3 =	vand.u32 $0x7F, v3;
	v13 =	vshll.u32 v16, $0x10;
	v2 =	vadd.s32 v2, v11  }
0x25c: {  	v5 =	vadd.f32 v8, v5;
	v8 =	vmul.f32 v13, v9;
	v2 =	vor.u32 v3, v2;
	v7 =	vld.idx.msk [tilespmem:v7+s11+$0x0], $0xffff  }
0x25d: {  	v3 =	vand.u32 $0xFFFF0000, v4;
	v4 =	vand.u32 $0xFFFF0000, v16;
	v9 =	vld.idx.msk [tilespmem:v12+s13+$0x0], $0xffff  }
0x25e: {  	v3 =	vmul.f32 v4, v3;
	v5 =	vadd.f32 v8, v5  }
0x25f: {  	v4 =	vshll.u32 v10, $0x10;
	v8 =	vshll.u32 v14, $0x10  }
0x260: {  	v3 =	vadd.f32 v5, v3;
	v4 =	vmul.f32 v8, v4;
	v5 =	vld.idx.msk [tilespmem:v6+s11+$0x0], $0xffff  }
0x261: {  	v8 =	vand.u32 $0xFFFF0000, v14;
	v6 =	vand.u32 $0xFFFF0000, v10;
	v2 =	vld.idx.msk [tilespmem:v2+s13+$0x0], $0xffff  }
0x262: {  	v3 =	vadd.f32 v4, v3;
	v4 =	vmul.f32 v8, v6  }
0x263: {  	v6 =	vshll.u32 v7, $0x10;
	v8 =	vshll.u32 v9, $0x10  }
0x264: {  	v3 =	vadd.f32 v3, v4;
	v4 =	vmul.f32 v8, v6  }
0x265: {  	v6 =	vand.u32 $0xFFFF0000, v7;
	v7 =	vand.u32 $0xFFFF0000, v9  }
0x266: {  	v3 =	vadd.f32 v4, v3;
	v4 =	vmul.f32 v7, v6  }
0x267: {  	v6 =	vshll.u32 v5, $0x10;
	v7 =	vshll.u32 v2, $0x10  }
0x268: {  	v3 =	vadd.f32 v3, v4;
	v4 =	vmul.f32 v7, v6  }
0x269: {  	v5 =	vand.u32 $0xFFFF0000, v5;
	v2 =	vand.u32 $0xFFFF0000, v2  }
0x26a: {  	v2 =	vmul.f32 v2, v5;
	v3 =	vadd.f32 v4, v3;
	_ =	sdelay $0x1  }
0x26b: {  	v2 =	vadd.f32 v3, v2  }
0x26c: {  	s25 =	sadd.s32 $0x10, s25  }
0x26d: {  	s26 =	sadd.s32 $0x10, s26;
	[tilespmem:s25+$0x0] =	vst v2  }
0x26e: {  	v3 =	vld [tilespmem:s26+$0x0];
	_ =	sdelay $0x2  }
0x26f: {  	v2 =	vmov s29  }
0x270: {  	v2 =	vshll.u32 v2, $0x7  }
0x271: {  	v2 =	vor.u32 v1, v2;
	v5 =	vadd.s32 $0xE, v3;
	v6 =	vadd.s32 $0xF, v3  }
0x272: {  	v12 =	vadd.s32 $0xB, v3;
	v13 =	vadd.s32 $0xC, v3;
	v9 =	vadd.s32 $0xD, v3  }
0x273: {  	v14 =	vadd.s32 $0x8, v3;
	v15 =	vadd.s32 $0x9, v3;
	v16 =	vadd.s32 $0xA, v3  }
0x274: {  	v18 =	vadd.s32 $0x5, v3;
	v17 =	vadd.s32 $0x6, v3;
	v20 =	vadd.s32 $0x7, v3  }
0x275: {  	v21 =	vadd.s32 $0x2, v3;
	v24 =	vadd.s32 $0x3, v3;
	v25 =	vadd.s32 $0x4, v3  }
0x276: {  	v23 =	vand.u32 $0xFFFFFF80, v3;
	v26 =	vand.u32 $0x7F, v3;
	v4 =	vadd.s32 $0x1, v3  }
0x277: {  	v7 =	vand.u32 $0x7F, v5;
	v8 =	vand.u32 $0xFFFFFF80, v6;
	v6 =	vand.u32 $0x7F, v6  }
0x278: {  	v10 =	vand.u32 $0xFFFFFF80, v9;
	v9 =	vand.u32 $0x7F, v9;
	v11 =	vand.u32 $0xFFFFFF80, v5  }
0x279: {  	v3 =	vand.u32 $0x7F, v12;
	v27 =	vand.u32 $0xFFFFFF80, v13;
	v29 =	vand.u32 $0x7F, v13  }
0x27a: {  	v30 =	vand.u32 $0xFFFFFF80, v16;
	v31 =	vand.u32 $0x7F, v16;
	v12 =	vand.u32 $0xFFFFFF80, v12  }
0x27b: {  	v5 =	vand.u32 $0x7F, v14;
	v32 =	vand.u32 $0xFFFFFF80, v15;
	v33 =	vand.u32 $0x7F, v15  }
0x27c: {  	v19 =	vand.u32 $0xFFFFFF80, v20;
	v16 =	vand.u32 $0x7F, v20;
	v34 =	vand.u32 $0xFFFFFF80, v14  }
0x27d: {  	v14 =	vand.u32 $0x7F, v18;
	v22 =	vand.u32 $0xFFFFFF80, v17;
	v17 =	vand.u32 $0x7F, v17  }
0x27e: {  	v15 =	vadd.s32 v2, v23;
	v13 =	vand.u32 $0x7F, v25;
	v23 =	vand.u32 $0xFFFFFF80, v18  }
.Ltmp2:
0x27f: {  	v18 =	vand.u32 $0xFFFFFF80, v25;
	v28 =	vor.u32 v26, v15;
	v20 =	vadd.s32 v2, v27;
	(pc) =	sbr.rel @p0 .LBB2_6-.Ltmp2, $4  }
0x280: {  	v15 =	vand.u32 $0x7F, v24;
	v12 =	vadd.s32 v2, v12;
	v26 =	vor.u32 v29, v20  }
0x281: {  	v20 =	vand.u32 $0xFFFFFF80, v24;
	v24 =	vadd.s32 v2, v30;
	v27 =	vor.u32 v3, v12  }
0x282: {  	s28 =	sadd.s32 $0x10, s28;
	v25 =	vadd.s32 v2, v32;
	v12 =	vand.u32 $0x7F, v21;
	v24 =	vor.u32 v31, v24  }
0x283: {  	s29 =	sadd.s32 $0x10, s29;
	v21 =	vand.u32 $0xFFFFFF80, v21;
	v29 =	vadd.s32 v2, v34;
	v25 =	vor.u32 v33, v25;
	v3 =	vld [tilespmem:s28+$0x0]  }
0x284: {  	v30 =	vand.u32 $0x7F, v4;
	v19 =	vadd.s32 v2, v19  }
0x285: {  	v29 =	vor.u32 v5, v29;
	v31 =	vand.u32 $0xFFFFFF80, v4;
	v39 =	vadd.s32 v2, v22  }
0x286: {  	v40 =	vadd.s32 v2, v23;
	v41 =	vadd.s32 v2, v8;
	v18 =	vadd.s32 v2, v18  }
0x287: {  	v42 =	vadd.s32 v2, v11;
	v20 =	vadd.s32 v2, v20;
	v21 =	vadd.s32 v2, v21  }
0x288: {  	v10 =	vadd.s32 v2, v10;
	v16 =	vor.u32 v16, v19;
	v17 =	vor.u32 v17, v39  }
0x289: {  	v14 =	vor.u32 v14, v40;
	v18 =	vor.u32 v13, v18;
	v43 =	vand.u32 $0xFFFFFF80, v3  }
0x28a: {  	v20 =	vor.u32 v15, v20;
	v44 =	vand.u32 $0x7F, v3;
	v23 =	vadd.s32 v2, v43  }
0x28b: {  	v28 =	vld.idx.msk [tilespmem:v28+s11+$0x0], $0xffff;
	v45 =	vadd.s32 v2, v31;
	v12 =	vor.u32 v12, v21;
	v23 =	vor.u32 v44, v23  }
0x28c: {  	v4 =	vld.idx.msk [tilespmem:v26+s11+$0x0], $0xffff;
	v6 =	vor.u32 v6, v41;
	v7 =	vor.u32 v7, v42;
	v46 =	vadd.s32 $0x1, v3  }
0x28d: {  	v10 =	vor.u32 v9, v10;
	v51 =	vadd.s32 $0x2, v3;
	v47 =	vand.u32 $0xFFFFFF80, v46  }
0x28e: {  	v48 =	vand.u32 $0x7F, v46;
	v15 =	vld.idx.msk [tilespmem:v16+s11+$0x0], $0xffff;
	v16 =	vor.u32 v30, v45;
	v21 =	vadd.s32 v2, v47  }
0x28f: {  	v8 =	vld.idx.msk [tilespmem:v24+s11+$0x0], $0xffff;
	v55 =	vadd.s32 $0x3, v3;
	v37 =	vadd.s32 $0x4, v3;
	v21 =	vor.u32 v48, v21  }
0x290: {  	v61 =	vadd.s32 $0x5, v3;
	v49 =	vand.u32 $0xFFFF0000, v28;
	v50 =	vshll.u32 v28, $0x10;
	v23 =	vld.idx.msk [tilespmem:v23+s13+$0x0], $0xffff  }
0x291: {  	v5 =	vld.idx.msk [tilespmem:v27+s11+$0x0], $0xffff;
	v9 =	vshll.u32 v4, $0x10;
	v52 =	vand.u32 $0xFFFFFF80, v51;
	v24 =	vand.u32 $0x7F, v51  }
0x292: {  	v11 =	vld.idx.msk [tilespmem:v25+s11+$0x0], $0xffff;
	v33 =	vand.u32 $0xFFFFFF80, v55;
	v59 =	vand.u32 $0xFFFFFF80, v37;
	v26 =	vadd.s32 v2, v52  }
0x293: {  	v37 =	vand.u32 $0x7F, v37;
	v62 =	vand.u32 $0xFFFFFF80, v61;
	v24 =	vor.u32 v24, v26;
	v54 =	vld.idx.msk [tilespmem:v16+s11+$0x0], $0xffff  }
0x294: {  	v43 =	vadd.s32 $0x7, v3;
	v30 =	vand.u32 $0x7F, v55;
	v33 =	vadd.s32 v2, v33;
	v21 =	vld.idx.msk [tilespmem:v21+s13+$0x0], $0xffff  }
0x295: {  	v25 =	vld.idx.msk [tilespmem:v14+s11+$0x0], $0xffff;
	v14 =	vshll.u32 v8, $0x10;
	v30 =	vor.u32 v30, v33;
	v36 =	vshll.u32 v23, $0x10  }
0x296: {  	v53 =	vld.idx.msk [tilespmem:v12+s11+$0x0], $0xffff;
	v12 =	vshll.u32 v5, $0x10;
	v44 =	vand.u32 $0xFFFFFF80, v43;
	v22 =	vmul.f32 v36, v50  }
0x297: {  	v20 =	vld.idx.msk [tilespmem:v20+s11+$0x0], $0xffff;
	v47 =	vadd.s32 $0x8, v3;
	v52 =	vadd.s32 $0x9, v3;
	v23 =	vand.u32 $0xFFFF0000, v23  }
0x298: {  	v33 =	vand.u32 $0x7F, v61;
	v24 =	vld.idx.msk [tilespmem:v24+s13+$0x0], $0xffff;
	v19 =	vmul.f32 v23, v49;
	v22 =	vadd.f32 $0.0e+00, v22  }
0x299: {  	v48 =	vand.u32 $0xFFFFFF80, v47;
	v58 =	vshll.u32 v54, $0x10;
	v38 =	vshll.u32 v21, $0x10  }
0x29a: {  	v30 =	vld.idx.msk [tilespmem:v30+s13+$0x0], $0xffff;
	v23 =	vadd.s32 v2, v59;
	v60 =	vmul.f32 v38, v58;
	v19 =	vadd.f32 v22, v19  }
0x29b: {  	v28 =	vand.u32 $0xFFFF0000, v54;
	v21 =	vand.u32 $0xFFFF0000, v21;
	v23 =	vor.u32 v37, v23  }
0x29c: {  	v13 =	vld.idx.msk [tilespmem:v29+s11+$0x0], $0xffff;
	v34 =	vshll.u32 v20, $0x10;
	v21 =	vmul.f32 v21, v28;
	v19 =	vadd.f32 v60, v19  }
0x29d: {  	v57 =	vshll.u32 v53, $0x10;
	v27 =	vand.u32 $0xFFFF0000, v53;
	v63 =	vshll.u32 v24, $0x10  }
0x29e: {  	v36 =	vmul.f32 v63, v57;
	v22 =	vadd.s32 v2, v62;
	v19 =	vadd.f32 v19, v21  }
0x29f: {  	v18 =	vld.idx.msk [tilespmem:v18+s11+$0x0], $0xffff;
	v24 =	vand.u32 $0xFFFF0000, v24;
	v40 =	vshll.u32 v30, $0x10;
	v22 =	vor.u32 v33, v22  }
0x2a0: {  	v37 =	vadd.s32 $0x6, v3;
	v38 =	vmul.f32 v24, v27;
	v23 =	vld.idx.msk [tilespmem:v23+s13+$0x0], $0xffff;
	v19 =	vadd.f32 v36, v19  }
0x2a1: {  	v29 =	vshll.u32 v13, $0x10;
	v41 =	vmul.f32 v40, v34;
	v39 =	vand.u32 $0xFFFFFF80, v37  }
0x2a2: {  	v28 =	vand.u32 $0x7F, v37;
	v24 =	vadd.s32 v2, v39;
	v19 =	vadd.f32 v19, v38  }
0x2a3: {  	v20 =	vand.u32 $0xFFFF0000, v20;
	v42 =	vand.u32 $0xFFFF0000, v30;
	v24 =	vor.u32 v28, v24  }
0x2a4: {  	v13 =	vand.u32 $0xFFFF0000, v13;
	v20 =	vmul.f32 v42, v20;
	v22 =	vld.idx.msk [tilespmem:v22+s13+$0x0], $0xffff;
	v19 =	vadd.f32 v41, v19  }
0x2a5: {  	v35 =	vshll.u32 v18, $0x10;
	v28 =	vand.u32 $0x7F, v43;
	v45 =	vshll.u32 v23, $0x10  }
0x2a6: {  	v21 =	vadd.s32 v2, v44;
	v46 =	vmul.f32 v45, v35;
	v19 =	vadd.f32 v19, v20  }
0x2a7: {  	v17 =	vld.idx.msk [tilespmem:v17+s11+$0x0], $0xffff;
	v18 =	vand.u32 $0xFFFF0000, v18;
	v21 =	vor.u32 v28, v21;
	v23 =	vand.u32 $0xFFFF0000, v23  }
0x2a8: {  	v26 =	vshll.u32 v15, $0x10;
	v24 =	vld.idx.msk [tilespmem:v24+s13+$0x0], $0xffff;
	v18 =	vmul.f32 v23, v18;
	v19 =	vadd.f32 v46, v19  }
0x2a9: {  	v56 =	vshll.u32 v25, $0x10;
	v27 =	vand.u32 $0x7F, v47;
	v49 =	vshll.u32 v22, $0x10  }
0x2aa: {  	v20 =	vadd.s32 v2, v48;
	v50 =	vmul.f32 v49, v56;
	v18 =	vadd.f32 v19, v18  }
0x2ab: {  	v51 =	vand.u32 $0xFFFF0000, v25;
	v22 =	vand.u32 $0xFFFF0000, v22;
	v20 =	vor.u32 v27, v20  }
0x2ac: {  	v32 =	vshll.u32 v17, $0x10;
	v21 =	vld.idx.msk [tilespmem:v21+s13+$0x0], $0xffff;
	v53 =	vmul.f32 v22, v51;
	v18 =	vadd.f32 v50, v18  }
0x2ad: {  	v25 =	vand.u32 $0x7F, v52;
	v54 =	vand.u32 $0xFFFFFF80, v52;
	v55 =	vshll.u32 v24, $0x10  }
0x2ae: {  	v22 =	vadd.s32 v2, v54;
	v56 =	vmul.f32 v55, v32;
	v18 =	vadd.f32 v18, v53  }
0x2af: {  	v17 =	vand.u32 $0xFFFF0000, v17;
	v57 =	vand.u32 $0xFFFF0000, v24;
	v22 =	vor.u32 v25, v22  }
0x2b0: {  	v58 =	vadd.s32 $0xA, v3;
	v17 =	vmul.f32 v57, v17;
	v20 =	vld.idx.msk [tilespmem:v20+s13+$0x0], $0xffff;
	v18 =	vadd.f32 v56, v18  }
0x2b1: {  	v59 =	vand.u32 $0xFFFFFF80, v58;
	v24 =	vand.u32 $0x7F, v58;
	v60 =	vshll.u32 v21, $0x10  }
0x2b2: {  	v19 =	vadd.s32 v2, v59;
	v61 =	vmul.f32 v60, v26;
	v17 =	vadd.f32 v18, v17  }
0x2b3: {  	v15 =	vand.u32 $0xFFFF0000, v15;
	v21 =	vand.u32 $0xFFFF0000, v21;
	v19 =	vor.u32 v24, v19  }
0x2b4: {  	v62 =	vadd.s32 $0xB, v3;
	v15 =	vmul.f32 v21, v15;
	v22 =	vld.idx.msk [tilespmem:v22+s13+$0x0], $0xffff;
	v17 =	vadd.f32 v61, v17  }
0x2b5: {  	v63 =	vand.u32 $0xFFFFFF80, v62;
	v23 =	vand.u32 $0x7F, v62;
	v24 =	vshll.u32 v20, $0x10  }
0x2b6: {  	v18 =	vadd.s32 v2, v63;
	v25 =	vmul.f32 v24, v29;
	v15 =	vadd.f32 v17, v15  }
0x2b7: {  	v16 =	vshll.u32 v11, $0x10;
	v20 =	vand.u32 $0xFFFF0000, v20;
	v18 =	vor.u32 v23, v18  }
0x2b8: {  	v26 =	vadd.s32 $0xC, v3;
	v19 =	vld.idx.msk [tilespmem:v19+s13+$0x0], $0xffff;
	v13 =	vmul.f32 v20, v13;
	v15 =	vadd.f32 v25, v15  }
0x2b9: {  	v27 =	vand.u32 $0xFFFFFF80, v26;
	v21 =	vand.u32 $0x7F, v26;
	v28 =	vshll.u32 v22, $0x10  }
0x2ba: {  	v29 =	vmul.f32 v28, v16;
	v17 =	vadd.s32 v2, v27;
	v13 =	vadd.f32 v15, v13  }
0x2bb: {  	v11 =	vand.u32 $0xFFFF0000, v11;
	v31 =	vand.u32 $0xFFFF0000, v22;
	v30 =	vor.u32 v21, v17  }
0x2bc: {  	v32 =	vadd.s32 $0xD, v3;
	v11 =	vmul.f32 v31, v11;
	v18 =	vld.idx.msk [tilespmem:v18+s13+$0x0], $0xffff;
	v13 =	vadd.f32 v29, v13  }
0x2bd: {  	v33 =	vand.u32 $0xFFFFFF80, v32;
	v20 =	vand.u32 $0x7F, v32;
	v34 =	vshll.u32 v19, $0x10  }
0x2be: {  	v35 =	vmul.f32 v34, v14;
	v15 =	vadd.s32 v2, v33;
	v11 =	vadd.f32 v13, v11  }
0x2bf: {  	v8 =	vand.u32 $0xFFFF0000, v8;
	v37 =	vand.u32 $0xFFFF0000, v19;
	v36 =	vor.u32 v20, v15  }
0x2c0: {  	v38 =	vadd.s32 $0xE, v3;
	v8 =	vmul.f32 v37, v8;
	v16 =	vld.idx.msk [tilespmem:v30+s13+$0x0], $0xffff;
	v11 =	vadd.f32 v35, v11  }
0x2c1: {  	v39 =	vand.u32 $0xFFFFFF80, v38;
	v17 =	vand.u32 $0x7F, v38;
	v40 =	vshll.u32 v18, $0x10  }
0x2c2: {  	v13 =	vadd.s32 v2, v39;
	v41 =	vmul.f32 v40, v12;
	v8 =	vadd.f32 v11, v8  }
0x2c3: {  	v10 =	vld.idx.msk [tilespmem:v10+s11+$0x0], $0xffff;
	v5 =	vand.u32 $0xFFFF0000, v5;
	v43 =	vand.u32 $0xFFFF0000, v18;
	v42 =	vor.u32 v17, v13  }
0x2c4: {  	v3 =	vadd.s32 $0xF, v3;
	v5 =	vmul.f32 v43, v5;
	v14 =	vld.idx.msk [tilespmem:v36+s13+$0x0], $0xffff;
	v8 =	vadd.f32 v41, v8  }
0x2c5: {  	v44 =	vand.u32 $0xFFFFFF80, v3;
	v3 =	vand.u32 $0x7F, v3;
	v45 =	vshll.u32 v16, $0x10  }
0x2c6: {  	v2 =	vadd.s32 v2, v44;
	v46 =	vmul.f32 v45, v9;
	v5 =	vadd.f32 v8, v5  }
0x2c7: {  	v7 =	vld.idx.msk [tilespmem:v7+s11+$0x0], $0xffff;
	v2 =	vor.u32 v3, v2;
	v3 =	vand.u32 $0xFFFF0000, v4;
	v47 =	vand.u32 $0xFFFF0000, v16  }
0x2c8: {  	v3 =	vmul.f32 v47, v3;
	v48 =	vld.idx.msk [tilespmem:v42+s13+$0x0], $0xffff;
	v5 =	vadd.f32 v46, v5  }
0x2c9: {  	v49 =	vshll.u32 v10, $0x10;
	v50 =	vshll.u32 v14, $0x10  }
0x2ca: {  	v4 =	vmul.f32 v50, v49;
	v3 =	vadd.f32 v5, v3  }
0x2cb: {  	v52 =	vand.u32 $0xFFFF0000, v10;
	v51 =	vld.idx.msk [tilespmem:v6+s11+$0x0], $0xffff;
	v53 =	vand.u32 $0xFFFF0000, v14  }
0x2cc: {  	v2 =	vld.idx.msk [tilespmem:v2+s13+$0x0], $0xffff;
	v54 =	vmul.f32 v53, v52;
	v3 =	vadd.f32 v4, v3  }
0x2cd: {  	v55 =	vshll.u32 v7, $0x10;
	v56 =	vshll.u32 v48, $0x10  }
0x2ce: {  	v57 =	vmul.f32 v56, v55;
	v3 =	vadd.f32 v3, v54  }
0x2cf: {  	v58 =	vand.u32 $0xFFFF0000, v7;
	v59 =	vand.u32 $0xFFFF0000, v48  }
0x2d0: {  	v60 =	vmul.f32 v59, v58;
	v3 =	vadd.f32 v57, v3  }
0x2d1: {  	v61 =	vshll.u32 v51, $0x10;
	v62 =	vshll.u32 v2, $0x10  }
0x2d2: {  	v63 =	vmul.f32 v62, v61;
	v3 =	vadd.f32 v3, v60  }
0x2d3: {  	v2 =	vand.u32 $0xFFFF0000, v2;
	v5 =	vand.u32 $0xFFFF0000, v51  }
0x2d4: {  	v2 =	vmul.f32 v2, v5;
	v3 =	vadd.f32 v63, v3;
	_ =	sdelay $0x1  }
0x2d5: {  	s24 =	sadd.s32 $0x1, s24;
	v2 =	vadd.f32 v3, v2  }
0x2d6: {  	s0 =	sadd.s32 $0x10, s25;
	p0 =	sne.s32 s24, s7  }
.Ltmp3:
0x2d7: {  	[tilespmem:s0+$0x0] =	vst v2;
	(pc) =	sbr.rel @p0 .LBB2_1-.Ltmp3, $4  }
0x2d8: {  	[hbm4b:s6+s2] =	stream.linear.scatter [tilespmem:s23], [sflag:$0x2], $0x200, $0x38;
	[tilespmem:$0x10E00] =	vst v63  }
0x2d9: {  	_ =	swait.ge [sflag:s8], $0x200  }
0x2da: {  	[sflag:s8] =	ssyncset.done $0x0  }
0x2db: {  	[sflag:s8] =	ssyncadd.s32 $0xFFFFFE00  }
0x2dc: {  	_ =	sfence.sel $0x180000  }
0x2dd: {  	[bflag:$0x0] =	sbarrier.arrive $0xFFFF  }
0x2de: {  	_ =	strace $0x90000047  }
0x2df: {  	s0 =	stileid.u32;
	[bflag:$0x2] =	sbarrier.arrive $0xFFFF  }
0x2e0: {  	p0 =	sne.s32 s0, $0x0;
	s0 =	rddreg [dreg:$0x3]  }
0x2e1: {  	s0 =	sadd.s32 @!p0 $0x100000, s0  }
0x2e2: {  	[sflag:s0] =	ssyncadd.tile.s32 @!p0 $0x1;
	_ =	shalt  }
.Lfunc_end2:
_tile_overlayer_lowered:
.L_overlay_start_2:
0x2e3: {  	(tag) =	ssettag $0x2  }
0x2e4: {  	s0 =	rddreg [dreg:$0x0];
	s2 =	stileid.u32  }
0x2e5: {  	s1 =	rddreg [dreg:$0x1];
	p0 =	sne.s32 s2, $0x0  }
0x2e6: {  	s3 =	rddreg [dreg:$0x2];
	[bflag:$0x3] =	sbarrier.arrive $0xFFFF;
	s2 =	simm.s32 @!p0 $0x1C02  }
0x2e7: {  	[timem:s3], [sflag:s2] =	dma.local @!p0 [hbm:s0], s1  }
0x2e8: {  	s0 =	simm.s32 @!p0 $0x2  }
0x2e9: {  	_ =	swait.ge @!p0 [sflag:s0], s1  }
0x2ea: {  	s1 =	ssub.s32 @!p0 $0x0, s1;
	[sflag:s0] =	ssyncset.done @!p0 $0x0  }
0x2eb: {  	[sflag:s0] =	ssyncadd.s32 @!p0 s1  }
0x2ec: {  	[bflag:$0x3] =	sbarrier.arrive $0xFFFF  }
0x2ed: {  	_ =	shalt  }

</sc_bundles>
